<compile_context>
chip_gen: v7x
topology: tpu7x:2x2x1
jax: 0.10.2.dev20260603
libtpu: 0.0.44.dev20260713+nightly
codegen_flags: <defaults>
</compile_context>

<pallas_src>
import jax
import jax.numpy as jnp
from jax import lax
from jax.experimental import pallas as pl
from jax.experimental.pallas import tpu as pltpu
from jax.experimental.pallas import tpu_sc as plsc

N = 10000
E = 320000
D_IN = 128
D_HID = 128
D_OUT = 40
D_OUT_PAD = 48

NC = 2
NS = 16
NW = NC * NS
C = 128
N_PAD = 10240
RPT = N_PAD // NS

EPW1 = 20224
NCH1 = EPW1 // C
E_PAD1 = NS * EPW1
DH = D_HID // NC

EPW2 = 10240
NCH2 = EPW2 // C
E_PAD2 = NW * EPW2


def _zero_spmem(rows, w_l, acc_sh, den_sh, sid, dv):
    zv = jnp.zeros((16,), jnp.float32)

    @plsc.parallel_loop(0, C, step=1, unroll=8)
    def _(r):
        for j in range(dv):
            rows[r, pl.ds(j * 16, 16)] = zv
    for j in range(C // 16):
        w_l[0, pl.ds(j * 16, 16)] = zv
    for k in range(RPT // C):
        pltpu.sync_copy(rows, acc_sh.at[pl.ds(sid * RPT + k * C, C)])
        pltpu.sync_copy(w_l.at[0], den_sh.at[pl.ds(sid * RPT + k * C, C)])


def _fused_pipeline(h_hbm, src_l, dst_l, w_c, bufs, sems, acc_sh, den_sh,
                    proj_l, nch, dv, den_pred, base, off):
    zi = jnp.zeros((16,), jnp.int32)
    offv = zi + off

    def g_src(ch):
        return h_hbm.at[src_l.at[pl.ds(ch * C, C)]]

    pltpu.async_copy(g_src(0), bufs[0], sems[0])

    def outer(g2, _):
        g = g2 * 2
        for b in range(2):
            ch = g + b
            buf = bufs[b]

            @pl.when(ch + 1 < nch)
            def _():
                pltpu.async_copy(g_src(ch + 1), bufs[1 - b], sems[1 - b])

            @plsc.parallel_loop(0, C // 16, step=1, unroll=4)
            def _(k):
                s_idx = src_l[pl.ds(ch * C + k * 16, 16)] - offv
                d_idx = dst_l[ch, pl.ds(k * 16, 16)]
                sv = plsc.load_gather(proj_l, [s_idx * 2])
                dvv = plsc.load_gather(proj_l, [d_idx * 2 + 1])
                e = sv + dvv
                e = jnp.where(e > 0.0, e, 0.2 * e)
                w = jnp.exp(e)
                gid = base + ch * C + k * 16 + lax.iota(jnp.int32, 16)
                w = jnp.where(gid < E, w, 0.0)
                w_c[b, pl.ds(k * 16, 16)] = w

            pltpu.make_async_copy(g_src(ch), buf, sems[b]).wait()

            @plsc.parallel_loop(0, C, step=1, unroll=4)
            def _(i):
                wv = plsc.load_gather(w_c, [zi + b, zi + i])
                for j in range(dv):
                    buf[i, pl.ds(j * 16, 16)] = buf[i, pl.ds(j * 16, 16)] * wv

            pltpu.sync_copy(buf, acc_sh.at[dst_l.at[ch]], add=True)

            @pl.when(den_pred)
            def _():
                pltpu.sync_copy(w_c.at[b], den_sh.at[dst_l.at[ch]], add=True)
        return 0

    lax.fori_loop(0, nch // 2, outer, 0)


def _sc_layer1():

    def body(h_hbm, proj_hbm, src_hbm, dst_hbm,
             acc_out, den_out,
             proj_l, src_l, dst_l, w_c, rows, rows2,
             acc_sh, den_sh, sem, sem2):
        cid = lax.axis_index("c")
        sid = lax.axis_index("s")

        _zero_spmem(rows, w_c, acc_sh, den_sh, sid, DH // 16)
        plsc.subcore_barrier()

        pltpu.sync_copy(proj_hbm, proj_l)
        pltpu.sync_copy(src_hbm.at[pl.ds(sid * EPW1, EPW1)], src_l)
        pltpu.sync_copy(dst_hbm.at[sid], dst_l)

        off = jnp.zeros((16,), jnp.int32) + cid * N

        @plsc.parallel_loop(0, EPW1 // 16, step=1, unroll=8)
        def _(i):
            src_l[pl.ds(i * 16, 16)] = src_l[pl.ds(i * 16, 16)] + off

        _fused_pipeline(h_hbm, src_l, dst_l, w_c, (rows, rows2), (sem, sem2),
                        acc_sh, den_sh, proj_l, NCH1, DH // 16,
                        cid == 0, sid * EPW1, cid * N)

        plsc.subcore_barrier()
        pltpu.sync_copy(acc_sh.at[pl.ds(sid * RPT, RPT)],
                        acc_out.at[cid, pl.ds(sid * RPT, RPT)])
        @pl.when(cid == 0)
        def _():
            pltpu.sync_copy(den_sh.at[pl.ds(sid * RPT, RPT)],
                            den_out.at[pl.ds(sid * RPT, RPT)])

    mesh = plsc.VectorSubcoreMesh(core_axis_name="c", subcore_axis_name="s")
    return pl.kernel(
        body,
        out_type=[
            jax.ShapeDtypeStruct((NC, N_PAD, DH), jnp.float32),
            jax.ShapeDtypeStruct((N_PAD,), jnp.float32),
        ],
        mesh=mesh,
        compiler_params=pltpu.CompilerParams(needs_layout_passes=False, use_tc_tiling_on_sc=False),
        scratch_types=[
            pltpu.VMEM((2 * N,), jnp.float32),
            pltpu.VMEM((EPW1,), jnp.int32),
            pltpu.VMEM((NCH1, C), jnp.int32),
            pltpu.VMEM((2, C), jnp.float32),
            pltpu.VMEM((C, DH), jnp.float32),
            pltpu.VMEM((C, DH), jnp.float32),
            pltpu.VMEM_SHARED((N_PAD, DH), jnp.float32),
            pltpu.VMEM_SHARED((N_PAD,), jnp.float32),
            pltpu.SemaphoreType.DMA,
            pltpu.SemaphoreType.DMA,
        ],
    )


def _sc_layer2():
    d = D_OUT_PAD

    def body(h_hbm, proj_hbm, src_hbm, dst_hbm,
             acc_out, den_out,
             proj_l, src_l, dst_l, w_c, rows, rows2, acc_sh, den_sh,
             sem, sem2):
        cid = lax.axis_index("c")
        sid = lax.axis_index("s")
        wid = sid * NC + cid
        dv = d // 16

        _zero_spmem(rows, w_c, acc_sh, den_sh, sid, dv)
        plsc.subcore_barrier()

        pltpu.sync_copy(proj_hbm, proj_l)
        pltpu.sync_copy(src_hbm.at[pl.ds(wid * EPW2, EPW2)], src_l)
        pltpu.sync_copy(dst_hbm.at[wid], dst_l)

        _fused_pipeline(h_hbm, src_l, dst_l, w_c, (rows, rows2), (sem, sem2),
                        acc_sh, den_sh, proj_l, NCH2, dv,
                        cid >= 0, wid * EPW2, 0)

        plsc.subcore_barrier()
        pltpu.sync_copy(acc_sh.at[pl.ds(sid * RPT, RPT)],
                        acc_out.at[cid, pl.ds(sid * RPT, RPT)])
        pltpu.sync_copy(den_sh.at[pl.ds(sid * RPT, RPT)],
                        den_out.at[cid, pl.ds(sid * RPT, RPT)])

    mesh = plsc.VectorSubcoreMesh(core_axis_name="c", subcore_axis_name="s")
    return pl.kernel(
        body,
        out_type=[
            jax.ShapeDtypeStruct((NC, N_PAD, d), jnp.float32),
            jax.ShapeDtypeStruct((NC, N_PAD), jnp.float32),
        ],
        mesh=mesh,
        compiler_params=pltpu.CompilerParams(needs_layout_passes=False, use_tc_tiling_on_sc=False),
        scratch_types=[
            pltpu.VMEM((2 * N,), jnp.float32),
            pltpu.VMEM((EPW2,), jnp.int32),
            pltpu.VMEM((NCH2, C), jnp.int32),
            pltpu.VMEM((2, C), jnp.float32),
            pltpu.VMEM((C, d), jnp.float32),
            pltpu.VMEM((C, d), jnp.float32),
            pltpu.VMEM_SHARED((N_PAD, d), jnp.float32),
            pltpu.VMEM_SHARED((N_PAD,), jnp.float32),
            pltpu.SemaphoreType.DMA,
            pltpu.SemaphoreType.DMA,
        ],
    )


def _tc_layer0(x, W1, A1):
    B = 2000

    def body(x_ref, w_ref, a_ref, h_ref, p_ref):
        j = pl.program_id(1)
        h = jnp.dot(x_ref[...], w_ref[0], preferred_element_type=jnp.float32)
        h_ref[...] = h
        p = jnp.dot(h, a_ref[...], preferred_element_type=jnp.float32)

        @pl.when(j == 0)
        def _():
            p_ref[...] = p

        @pl.when(j == 1)
        def _():
            p_ref[...] = p_ref[...] + p

    return pl.pallas_call(
        body,
        grid=(N // B, 2),
        in_specs=[
            pl.BlockSpec((B, D_IN), lambda i, j: (i, 0)),
            pl.BlockSpec((1, D_IN, DH), lambda i, j: (j, 0, 0)),
            pl.BlockSpec((DH, 2), lambda i, j: (j, 0)),
        ],
        out_specs=[
            pl.BlockSpec((B, DH), lambda i, j: (j * (N // B) + i, 0)),
            pl.BlockSpec((B, 2), lambda i, j: (i, 0)),
        ],
        out_shape=[
            jax.ShapeDtypeStruct((2 * N, DH), jnp.float32),
            jax.ShapeDtypeStruct((N, 2), jnp.float32),
        ],
    )(x, W1.reshape(D_IN, 2, DH).transpose(1, 0, 2), A1)


def _tc_mid(acc, den, proj1, h2t, W2p, A2p):
    B = 2000

    def body(a_ref, d0, p1, hL, hR, w2, a2, h2_ref, p2_ref):
        e = p1[:, 0:1] + p1[:, 1:2]
        wself = jnp.exp(jnp.where(e > 0.0, e, 0.2 * e))
        a0 = jnp.concatenate([a_ref[0], a_ref[1]], axis=1)
        h1r = jnp.concatenate([hL[...], hR[...]], axis=1)
        num = a0 + wself * h1r
        den_ = d0[...] + wself
        out1 = num / den_
        h1a = jnp.maximum(out1, 0.0)
        h2 = jnp.dot(h1a, w2[...], preferred_element_type=jnp.float32)
        h2_ref[...] = h2
        p2_ref[...] = jnp.dot(h2, a2[...], preferred_element_type=jnp.float32)

    return pl.pallas_call(
        body,
        grid=(N // B,),
        in_specs=[
            pl.BlockSpec((2, B, DH), lambda i: (0, i, 0)),
            pl.BlockSpec((B, 1), lambda i: (i, 0)),
            pl.BlockSpec((B, 2), lambda i: (i, 0)),
            pl.BlockSpec((B, DH), lambda i: (i, 0)),
            pl.BlockSpec((B, DH), lambda i: (N // B + i, 0)),
            pl.BlockSpec((D_HID, D_OUT_PAD), lambda i: (0, 0)),
            pl.BlockSpec((D_OUT_PAD, 2), lambda i: (0, 0)),
        ],
        out_specs=[
            pl.BlockSpec((B, D_OUT_PAD), lambda i: (i, 0)),
            pl.BlockSpec((B, 2), lambda i: (i, 0)),
        ],
        out_shape=[
            jax.ShapeDtypeStruct((N, D_OUT_PAD), jnp.float32),
            jax.ShapeDtypeStruct((N, 2), jnp.float32),
        ],
    )(acc, den, proj1, h2t, h2t, W2p, A2p)


def _tc_final(acc, den, proj2, h2p):
    B = 2000

    def body(a_ref, d_ref, p2, h2r, out_ref):
        e = p2[:, 0:1] + p2[:, 1:2]
        wself = jnp.exp(jnp.where(e > 0.0, e, 0.2 * e))
        num = a_ref[0] + a_ref[1] + wself * h2r[...]
        den_ = d_ref[0] + d_ref[1] + wself
        out_ref[...] = (num / den_)[:, :D_OUT]

    return pl.pallas_call(
        body,
        grid=(N // B,),
        in_specs=[
            pl.BlockSpec((2, B, D_OUT_PAD), lambda i: (0, i, 0)),
            pl.BlockSpec((2, B, 1), lambda i: (0, i, 0)),
            pl.BlockSpec((B, 2), lambda i: (i, 0)),
            pl.BlockSpec((B, D_OUT_PAD), lambda i: (i, 0)),
        ],
        out_specs=pl.BlockSpec((B, D_OUT), lambda i: (i, 0)),
        out_shape=jax.ShapeDtypeStruct((N, D_OUT), jnp.float32),
    )(acc, den, proj2, h2p)


def kernel(x, edge_index, W1, a_src1, a_dst1, W2, a_src2, a_dst2):
    src = edge_index[0]
    dst = edge_index[1]
    pad1 = jnp.zeros((E_PAD1 - E,), jnp.int32)
    src1 = jnp.concatenate([src, pad1])
    dst1 = jnp.concatenate([dst, pad1]).reshape(NS, NCH1, C)
    pad2 = jnp.zeros((E_PAD2 - E,), jnp.int32)
    src2 = jnp.concatenate([src, pad2])
    dst2 = jnp.concatenate([dst, pad2]).reshape(NW, NCH2, C)

    A1 = jnp.stack([a_src1, a_dst1], axis=1)
    W2p = jnp.pad(W2, ((0, 0), (0, D_OUT_PAD - D_OUT)))
    A2 = jnp.stack([a_src2, a_dst2], axis=1)
    A2p = jnp.pad(A2, ((0, D_OUT_PAD - D_OUT), (0, 0)))

    h2t, proj1 = _tc_layer0(x, W1, A1)
    acc1, den1 = _sc_layer1()(h2t, proj1.reshape(2 * N), src1, dst1)
    h2p, proj2 = _tc_mid(acc1, den1[:, None], proj1, h2t, W2p, A2p)

    acc2, den2 = _sc_layer2()(h2p, proj2.reshape(2 * N), src2, dst2)
    return _tc_final(acc2, den2[:, :, None], proj2, h2p)

# --- scband reference (transcript-rebuilt; emitter-appended) ---
"""Pipeline reference for scband-gat-27084063768797 (READ-ONLY COPY).

The authoritative reference and input builder live on the scoring server;
editing this copy changes nothing except your own understanding.
"""

import jax, jax.numpy as jnp
import numpy as np

N = 10000
E = 320000
D_IN = 128
D_HID = 128
D_OUT = 40


def gat_conv(x, edge_index, W, att_src, att_dst):
    # PyG GATConv, heads=1, concat=True, bias=False, add_self_loops=True,
    # negative_slope=0.2, eval mode (no dropout).
    n = x.shape[0]
    h = x @ W  # [n, C]
    loop = jnp.arange(n, dtype=edge_index.dtype)
    src = jnp.concatenate([edge_index[0], loop])
    dst = jnp.concatenate([edge_index[1], loop])
    a_s = h @ att_src  # [n]
    a_d = h @ att_dst  # [n]
    e = a_s[src] + a_d[dst]
    e = jnp.where(e > 0, e, 0.2 * e)  # leaky_relu(0.2)
    e_max = jax.ops.segment_max(e, dst, num_segments=n)
    e_max = jax.lax.stop_gradient(e_max)
    ex = jnp.exp(e - e_max[dst])
    denom = jax.ops.segment_sum(ex, dst, num_segments=n)
    alpha = ex / denom[dst]
    out = jax.ops.segment_sum(h[src] * alpha[:, None], dst, num_segments=n)
    return out


def setup_inputs(seed: int = 0) -> dict:
    key = jax.random.key(seed)
    ks = jax.random.split(key, 8)
    x = jax.random.normal(ks[0], (N, D_IN), dtype=jnp.float32)
    edge_index = jax.random.randint(ks[1], (2, E), 0, N, dtype=jnp.int32)
    W1 = jax.random.normal(ks[2], (D_IN, D_HID), dtype=jnp.float32) / np.sqrt(D_IN)
    a_src1 = jax.random.normal(ks[3], (D_HID,), dtype=jnp.float32) / np.sqrt(D_HID)
    a_dst1 = jax.random.normal(ks[4], (D_HID,), dtype=jnp.float32) / np.sqrt(D_HID)
    W2 = jax.random.normal(ks[5], (D_HID, D_OUT), dtype=jnp.float32) / np.sqrt(D_HID)
    a_src2 = jax.random.normal(ks[6], (D_OUT,), dtype=jnp.float32) / np.sqrt(D_OUT)
    a_dst2 = jax.random.normal(ks[7], (D_OUT,), dtype=jnp.float32) / np.sqrt(D_OUT)
    return {"x": x, "edge_index": edge_index, "W1": W1, "a_src1": a_src1,
            "a_dst1": a_dst1, "W2": W2, "a_src2": a_src2, "a_dst2": a_dst2}


def reference(x, edge_index, W1, a_src1, a_dst1, W2, a_src2, a_dst2):
    # Eval mode: dropout is identity; type_norm='None' -> bn is identity;
    # corr/sim computations are metrics-only and do not affect the output.
    h = gat_conv(x, edge_index, W1, a_src1, a_dst1)  # layer 0
    h = jax.nn.relu(h)                                # relu (i != last)
    out = gat_conv(h, edge_index, W2, a_src2, a_dst2) # layer 1 (no relu)
    return out

if __name__ == "__main__":
    import jax
    _d = setup_inputs()
    print(jax.jit(kernel)(*tuple(_d.values())))

</pallas_src>

<mosaic_0001>
#map = affine_map<(d0, d1) -> (0, 0)>
#map1 = affine_map<(d0, d1) -> (0)>
#map2 = affine_map<(d0, d1) -> (0, 0, 0)>
module attributes {stable_mosaic.version = 14 : i64} {
  func.func @body(%arg0: i32, %arg1: i32, %arg2: memref<20000x64xf32, #tpu.memory_space<hbm>>, %arg3: memref<20000xf32, #tpu.memory_space<hbm>>, %arg4: memref<323584xi32, #tpu.memory_space<hbm>>, %arg5: memref<16x158x128xi32, #tpu.memory_space<hbm>>, %arg6: memref<2x10240x64xf32, #tpu.memory_space<hbm>>, %arg7: memref<10240xf32, #tpu.memory_space<hbm>>, %arg8: memref<20000xf32, #tpu.memory_space<vmem>>, %arg9: memref<20224xi32, #tpu.memory_space<vmem>>, %arg10: memref<158x128xi32, #tpu.memory_space<vmem>>, %arg11: memref<2x128xf32, #tpu.memory_space<vmem>>, %arg12: memref<128x64xf32, #tpu.memory_space<vmem>>, %arg13: memref<128x64xf32, #tpu.memory_space<vmem>>, %arg14: memref<10240x64xf32, #tpu.memory_space<vmem_shared>>, %arg15: memref<10240xf32, #tpu.memory_space<vmem_shared>>, %arg16: memref<!tpu.dma_semaphore, #tpu.memory_space<semaphore_mem>>, %arg17: memref<!tpu.dma_semaphore, #tpu.memory_space<semaphore_mem>>) attributes {dimension_semantics = [#tpu.dimension_semantics<core_parallel>, #tpu.dimension_semantics<subcore_parallel>], iteration_bounds = array<i64: 2, 16>, scalar_prefetch = 0 : i64, scratch_operands = 10 : i64, tpu.core_type = #tpu.core_type<sc_vector_subcore>, window_params = [{transform_indices = #map}, {transform_indices = #map1}, {transform_indices = #map1}, {transform_indices = #map2}, {transform_indices = #map2}, {transform_indices = #map1}]} {
    %broadcast_in_dim3A = arith.constant 0.000000e+00 : f32
    %broadcast_in_dim3A_0 = vector.broadcast %broadcast_in_dim3A : f32 to vector<16xf32>
    %parallel_loop3A = arith.constant 0 : i32
    %parallel_loop3A_1 = arith.constant 128 : i32
    %parallel_loop3A_2 = arith.constant 1 : i32
    scf.for %parallel_loop3A_114 = %parallel_loop3A to %parallel_loop3A_1 step %parallel_loop3A_2  : i32 {
      %parallel_loop3A_115 = arith.index_cast %parallel_loop3A_114 : i32 to index
      %parallel_loop3A_116 = arith.constant 0 : index
      %parallel_loop3A_117 = tpu.vector_load %arg12[%parallel_loop3A_115, %parallel_loop3A_116] {strides = array<i32>} : memref<128x64xf32, #tpu.memory_space<vmem>>, vector<16xf32>,
      tpu.vector_store %arg12[%parallel_loop3A_115, %parallel_loop3A_116], %broadcast_in_dim3A_0 {strides = array<i32>} : memref<128x64xf32, #tpu.memory_space<vmem>>, vector<16xf32>,
      %parallel_loop3A_118 = arith.index_cast %parallel_loop3A_114 : i32 to index
      %parallel_loop3A_119 = arith.constant 16 : index
      %parallel_loop3A_120 = tpu.vector_load %arg12[%parallel_loop3A_118, %parallel_loop3A_119] {strides = array<i32>} : memref<128x64xf32, #tpu.memory_space<vmem>>, vector<16xf32>,
      tpu.vector_store %arg12[%parallel_loop3A_118, %parallel_loop3A_119], %broadcast_in_dim3A_0 {strides = array<i32>} : memref<128x64xf32, #tpu.memory_space<vmem>>, vector<16xf32>,
      %parallel_loop3A_121 = arith.index_cast %parallel_loop3A_114 : i32 to index
      %parallel_loop3A_122 = arith.constant 32 : index
      %parallel_loop3A_123 = tpu.vector_load %arg12[%parallel_loop3A_121, %parallel_loop3A_122] {strides = array<i32>} : memref<128x64xf32, #tpu.memory_space<vmem>>, vector<16xf32>,
      tpu.vector_store %arg12[%parallel_loop3A_121, %parallel_loop3A_122], %broadcast_in_dim3A_0 {strides = array<i32>} : memref<128x64xf32, #tpu.memory_space<vmem>>, vector<16xf32>,
      %parallel_loop3A_124 = arith.index_cast %parallel_loop3A_114 : i32 to index
      %parallel_loop3A_125 = arith.constant 48 : index
      %parallel_loop3A_126 = tpu.vector_load %arg12[%parallel_loop3A_124, %parallel_loop3A_125] {strides = array<i32>} : memref<128x64xf32, #tpu.memory_space<vmem>>, vector<16xf32>,
      tpu.vector_store %arg12[%parallel_loop3A_124, %parallel_loop3A_125], %broadcast_in_dim3A_0 {strides = array<i32>} : memref<128x64xf32, #tpu.memory_space<vmem>>, vector<16xf32>,
    } {sc.loop_unroll_factor = 8 : i64, sc.parallel_access}
    %swap3A = arith.constant 0 : i32
    %swap3A_3 = arith.index_cast %swap3A : i32 to index
    %swap3A_4 = arith.constant 0 : index
    %swap3A_5 = tpu.vector_load %arg11[%swap3A_3, %swap3A_4] {strides = array<i32>} : memref<2x128xf32, #tpu.memory_space<vmem>>, vector<16xf32>,
    tpu.vector_store %arg11[%swap3A_3, %swap3A_4], %broadcast_in_dim3A_0 {strides = array<i32>} : memref<2x128xf32, #tpu.memory_space<vmem>>, vector<16xf32>,
    %swap3A_6 = arith.constant 0 : i32
    %swap3A_7 = arith.index_cast %swap3A_6 : i32 to index
    %swap3A_8 = arith.constant 16 : index
    %swap3A_9 = tpu.vector_load %arg11[%swap3A_7, %swap3A_8] {strides = array<i32>} : memref<2x128xf32, #tpu.memory_space<vmem>>, vector<16xf32>,
    tpu.vector_store %arg11[%swap3A_7, %swap3A_8], %broadcast_in_dim3A_0 {strides = array<i32>} : memref<2x128xf32, #tpu.memory_space<vmem>>, vector<16xf32>,
    %swap3A_10 = arith.constant 0 : i32
    %swap3A_11 = arith.index_cast %swap3A_10 : i32 to index
    %swap3A_12 = arith.constant 32 : index
    %swap3A_13 = tpu.vector_load %arg11[%swap3A_11, %swap3A_12] {strides = array<i32>} : memref<2x128xf32, #tpu.memory_space<vmem>>, vector<16xf32>,
    tpu.vector_store %arg11[%swap3A_11, %swap3A_12], %broadcast_in_dim3A_0 {strides = array<i32>} : memref<2x128xf32, #tpu.memory_space<vmem>>, vector<16xf32>,
    %swap3A_14 = arith.constant 0 : i32
    %swap3A_15 = arith.index_cast %swap3A_14 : i32 to index
    %swap3A_16 = arith.constant 48 : index
    %swap3A_17 = tpu.vector_load %arg11[%swap3A_15, %swap3A_16] {strides = array<i32>} : memref<2x128xf32, #tpu.memory_space<vmem>>, vector<16xf32>,
    tpu.vector_store %arg11[%swap3A_15, %swap3A_16], %broadcast_in_dim3A_0 {strides = array<i32>} : memref<2x128xf32, #tpu.memory_space<vmem>>, vector<16xf32>,
    %swap3A_18 = arith.constant 0 : i32
    %swap3A_19 = arith.index_cast %swap3A_18 : i32 to index
    %swap3A_20 = arith.constant 64 : index
    %swap3A_21 = tpu.vector_load %arg11[%swap3A_19, %swap3A_20] {strides = array<i32>} : memref<2x128xf32, #tpu.memory_space<vmem>>, vector<16xf32>,
    tpu.vector_store %arg11[%swap3A_19, %swap3A_20], %broadcast_in_dim3A_0 {strides = array<i32>} : memref<2x128xf32, #tpu.memory_space<vmem>>, vector<16xf32>,
    %swap3A_22 = arith.constant 0 : i32
    %swap3A_23 = arith.index_cast %swap3A_22 : i32 to index
    %swap3A_24 = arith.constant 80 : index
    %swap3A_25 = tpu.vector_load %arg11[%swap3A_23, %swap3A_24] {strides = array<i32>} : memref<2x128xf32, #tpu.memory_space<vmem>>, vector<16xf32>,
    tpu.vector_store %arg11[%swap3A_23, %swap3A_24], %broadcast_in_dim3A_0 {strides = array<i32>} : memref<2x128xf32, #tpu.memory_space<vmem>>, vector<16xf32>,
    %swap3A_26 = arith.constant 0 : i32
    %swap3A_27 = arith.index_cast %swap3A_26 : i32 to index
    %swap3A_28 = arith.constant 96 : index
    %swap3A_29 = tpu.vector_load %arg11[%swap3A_27, %swap3A_28] {strides = array<i32>} : memref<2x128xf32, #tpu.memory_space<vmem>>, vector<16xf32>,
    tpu.vector_store %arg11[%swap3A_27, %swap3A_28], %broadcast_in_dim3A_0 {strides = array<i32>} : memref<2x128xf32, #tpu.memory_space<vmem>>, vector<16xf32>,
    %swap3A_30 = arith.constant 0 : i32
    %swap3A_31 = arith.index_cast %swap3A_30 : i32 to index
    %swap3A_32 = arith.constant 112 : index
    %swap3A_33 = tpu.vector_load %arg11[%swap3A_31, %swap3A_32] {strides = array<i32>} : memref<2x128xf32, #tpu.memory_space<vmem>>, vector<16xf32>,
    tpu.vector_store %arg11[%swap3A_31, %swap3A_32], %broadcast_in_dim3A_0 {strides = array<i32>} : memref<2x128xf32, #tpu.memory_space<vmem>>, vector<16xf32>,
    %mul3A = arith.constant 640 : i32
    %mul3A_34 = arith.muli %arg1, %mul3A : i32
    %add3A = arith.constant 0 : i32
    %add3A_35 = arith.addi %mul3A_34, %add3A : i32
    "tpu.region"() ({
      %run_scoped3A_114 = tpu.sem_alloc : memref<!tpu.dma_semaphore, #tpu.memory_space<semaphore_mem>>
      %dma_start3A_115 = arith.constant 0 : i32
      %dma_start3A_116 = tpu.memref_slice %arg14[%add3A_35, %dma_start3A_115] : memref<10240x64xf32, #tpu.memory_space<vmem_shared>> -> memref<128x64xf32, #tpu.memory_space<vmem_shared>>
      %dma_start3A_117 = arith.constant 0 : i32
      %dma_start3A_118 = tpu.memref_slice %arg14[%add3A_35, %dma_start3A_117] : memref<10240x64xf32, #tpu.memory_space<vmem_shared>> -> memref<128x64xf32, #tpu.memory_space<vmem_shared>>
      tpu.enqueue_dma source(%arg12 : memref<128x64xf32, #tpu.memory_space<vmem>>) target(%dma_start3A_118 : memref<128x64xf32, #tpu.memory_space<vmem_shared>>) target_semaphore(%run_scoped3A_114 : memref<!tpu.dma_semaphore, #tpu.memory_space<semaphore_mem>>)
      %dma_wait3A = arith.constant 0 : i32
      %dma_wait3A_119 = tpu.memref_slice %arg14[%add3A_35, %dma_wait3A] : memref<10240x64xf32, #tpu.memory_space<vmem_shared>> -> memref<128x64xf32, #tpu.memory_space<vmem_shared>>
      %dma_wait3A_120 = arith.constant 0 : i32
      %dma_wait3A_121 = tpu.memref_slice %arg14[%add3A_35, %dma_wait3A_120] : memref<10240x64xf32, #tpu.memory_space<vmem_shared>> -> memref<128x64xf32, #tpu.memory_space<vmem_shared>>
      tpu.wait_dma2 semaphore(%run_scoped3A_114 : memref<!tpu.dma_semaphore, #tpu.memory_space<semaphore_mem>>) src(%arg12 : memref<128x64xf32, #tpu.memory_space<vmem>>) dst(%dma_wait3A_121 : memref<128x64xf32, #tpu.memory_space<vmem_shared>>)
      tpu.yield
    }) : () -> ()
    %mul3A_36 = arith.constant 640 : i32
    %mul3A_37 = arith.muli %arg1, %mul3A_36 : i32
    %add3A_38 = arith.constant 0 : i32
    %add3A_39 = arith.addi %mul3A_37, %add3A_38 : i32
    %run_scoped3A = arith.constant 0 : i32
    "tpu.region"() ({
      %run_scoped3A_114 = tpu.sem_alloc : memref<!tpu.dma_semaphore, #tpu.memory_space<semaphore_mem>>
      %dma_start3A_115 = arith.constant 0 : i32
      %dma_start3A_116 = tpu.memref_slice %arg11[%run_scoped3A, %dma_start3A_115] : memref<2x128xf32, #tpu.memory_space<vmem>> -> memref<1x128xf32, #tpu.memory_space<vmem>>
      %dma_start3A_117 = tpu.memref_squeeze %dma_start3A_116 : memref<1x128xf32, #tpu.memory_space<vmem>> -> memref<128xf32, #tpu.memory_space<vmem>>
      %dma_start3A_118 = tpu.memref_slice %arg15[%add3A_39] : memref<10240xf32, #tpu.memory_space<vmem_shared>> -> memref<128xf32, #tpu.memory_space<vmem_shared>>
      %dma_start3A_119 = tpu.memref_slice %arg15[%add3A_39] : memref<10240xf32, #tpu.memory_space<vmem_shared>> -> memref<128xf32, #tpu.memory_space<vmem_shared>>
      %dma_start3A_120 = arith.constant 0 : i32
      %dma_start3A_121 = tpu.memref_slice %arg11[%run_scoped3A, %dma_start3A_120] : memref<2x128xf32, #tpu.memory_space<vmem>> -> memref<1x128xf32, #tpu.memory_space<vmem>>
      %dma_start3A_122 = tpu.memref_squeeze %dma_start3A_121 : memref<1x128xf32, #tpu.memory_space<vmem>> -> memref<128xf32, #tpu.memory_space<vmem>>
      tpu.enqueue_dma source(%dma_start3A_122 : memref<128xf32, #tpu.memory_space<vmem>>) target(%dma_start3A_119 : memref<128xf32, #tpu.memory_space<vmem_shared>>) target_semaphore(%run_scoped3A_114 : memref<!tpu.dma_semaphore, #tpu.memory_space<semaphore_mem>>)
      %dma_wait3A = arith.constant 0 : i32
      %dma_wait3A_123 = tpu.memref_slice %arg11[%run_scoped3A, %dma_wait3A] : memref<2x128xf32, #tpu.memory_space<vmem>> -> memref<1x128xf32, #tpu.memory_space<vmem>>
      %dma_wait3A_124 = tpu.memref_squeeze %dma_wait3A_123 : memref<1x128xf32, #tpu.memory_space<vmem>> -> memref<128xf32, #tpu.memory_space<vmem>>
      %dma_wait3A_125 = tpu.memref_slice %arg15[%add3A_39] : memref<10240xf32, #tpu.memory_space<vmem_shared>> -> memref<128xf32, #tpu.memory_space<vmem_shared>>
      %dma_wait3A_126 = tpu.memref_slice %arg15[%add3A_39] : memref<10240xf32, #tpu.memory_space<vmem_shared>> -> memref<128xf32, #tpu.memory_space<vmem_shared>>
      %dma_wait3A_127 = arith.constant 0 : i32
      %dma_wait3A_128 = tpu.memref_slice %arg11[%run_scoped3A, %dma_wait3A_127] : memref<2x128xf32, #tpu.memory_space<vmem>> -> memref<1x128xf32, #tpu.memory_space<vmem>>
      %dma_wait3A_129 = tpu.memref_squeeze %dma_wait3A_128 : memref<1x128xf32, #tpu.memory_space<vmem>> -> memref<128xf32, #tpu.memory_space<vmem>>
      tpu.wait_dma2 semaphore(%run_scoped3A_114 : memref<!tpu.dma_semaphore, #tpu.memory_space<semaphore_mem>>) src(%dma_wait3A_129 : memref<128xf32, #tpu.memory_space<vmem>>) dst(%dma_wait3A_126 : memref<128xf32, #tpu.memory_space<vmem_shared>>)
      tpu.yield
    }) : () -> ()
    %mul3A_40 = arith.constant 640 : i32
    %mul3A_41 = arith.muli %arg1, %mul3A_40 : i32
    %add3A_42 = arith.constant 128 : i32
    %add3A_43 = arith.addi %mul3A_41, %add3A_42 : i32
    "tpu.region"() ({
      %run_scoped3A_114 = tpu.sem_alloc : memref<!tpu.dma_semaphore, #tpu.memory_space<semaphore_mem>>
      %dma_start3A_115 = arith.constant 0 : i32
      %dma_start3A_116 = tpu.memref_slice %arg14[%add3A_43, %dma_start3A_115] : memref<10240x64xf32, #tpu.memory_space<vmem_shared>> -> memref<128x64xf32, #tpu.memory_space<vmem_shared>>
      %dma_start3A_117 = arith.constant 0 : i32
      %dma_start3A_118 = tpu.memref_slice %arg14[%add3A_43, %dma_start3A_117] : memref<10240x64xf32, #tpu.memory_space<vmem_shared>> -> memref<128x64xf32, #tpu.memory_space<vmem_shared>>
      tpu.enqueue_dma source(%arg12 : memref<128x64xf32, #tpu.memory_space<vmem>>) target(%dma_start3A_118 : memref<128x64xf32, #tpu.memory_space<vmem_shared>>) target_semaphore(%run_scoped3A_114 : memref<!tpu.dma_semaphore, #tpu.memory_space<semaphore_mem>>)
      %dma_wait3A = arith.constant 0 : i32
      %dma_wait3A_119 = tpu.memref_slice %arg14[%add3A_43, %dma_wait3A] : memref<10240x64xf32, #tpu.memory_space<vmem_shared>> -> memref<128x64xf32, #tpu.memory_space<vmem_shared>>
      %dma_wait3A_120 = arith.constant 0 : i32
      %dma_wait3A_121 = tpu.memref_slice %arg14[%add3A_43, %dma_wait3A_120] : memref<10240x64xf32, #tpu.memory_space<vmem_shared>> -> memref<128x64xf32, #tpu.memory_space<vmem_shared>>
      tpu.wait_dma2 semaphore(%run_scoped3A_114 : memref<!tpu.dma_semaphore, #tpu.memory_space<semaphore_mem>>) src(%arg12 : memref<128x64xf32, #tpu.memory_space<vmem>>) dst(%dma_wait3A_121 : memref<128x64xf32, #tpu.memory_space<vmem_shared>>)
      tpu.yield
    }) : () -> ()
    %mul3A_44 = arith.constant 640 : i32
    %mul3A_45 = arith.muli %arg1, %mul3A_44 : i32
    %add3A_46 = arith.constant 128 : i32
    %add3A_47 = arith.addi %mul3A_45, %add3A_46 : i32
    %run_scoped3A_48 = arith.constant 0 : i32
    "tpu.region"() ({
      %run_scoped3A_114 = tpu.sem_alloc : memref<!tpu.dma_semaphore, #tpu.memory_space<semaphore_mem>>
      %dma_start3A_115 = arith.constant 0 : i32
      %dma_start3A_116 = tpu.memref_slice %arg11[%run_scoped3A_48, %dma_start3A_115] : memref<2x128xf32, #tpu.memory_space<vmem>> -> memref<1x128xf32, #tpu.memory_space<vmem>>
      %dma_start3A_117 = tpu.memref_squeeze %dma_start3A_116 : memref<1x128xf32, #tpu.memory_space<vmem>> -> memref<128xf32, #tpu.memory_space<vmem>>
      %dma_start3A_118 = tpu.memref_slice %arg15[%add3A_47] : memref<10240xf32, #tpu.memory_space<vmem_shared>> -> memref<128xf32, #tpu.memory_space<vmem_shared>>
      %dma_start3A_119 = tpu.memref_slice %arg15[%add3A_47] : memref<10240xf32, #tpu.memory_space<vmem_shared>> -> memref<128xf32, #tpu.memory_space<vmem_shared>>
      %dma_start3A_120 = arith.constant 0 : i32
      %dma_start3A_121 = tpu.memref_slice %arg11[%run_scoped3A_48, %dma_start3A_120] : memref<2x128xf32, #tpu.memory_space<vmem>> -> memref<1x128xf32, #tpu.memory_space<vmem>>
      %dma_start3A_122 = tpu.memref_squeeze %dma_start3A_121 : memref<1x128xf32, #tpu.memory_space<vmem>> -> memref<128xf32, #tpu.memory_space<vmem>>
      tpu.enqueue_dma source(%dma_start3A_122 : memref<128xf32, #tpu.memory_space<vmem>>) target(%dma_start3A_119 : memref<128xf32, #tpu.memory_space<vmem_shared>>) target_semaphore(%run_scoped3A_114 : memref<!tpu.dma_semaphore, #tpu.memory_space<semaphore_mem>>)
      %dma_wait3A = arith.constant 0 : i32
      %dma_wait3A_123 = tpu.memref_slice %arg11[%run_scoped3A_48, %dma_wait3A] : memref<2x128xf32, #tpu.memory_space<vmem>> -> memref<1x128xf32, #tpu.memory_space<vmem>>
      %dma_wait3A_124 = tpu.memref_squeeze %dma_wait3A_123 : memref<1x128xf32, #tpu.memory_space<vmem>> -> memref<128xf32, #tpu.memory_space<vmem>>
      %dma_wait3A_125 = tpu.memref_slice %arg15[%add3A_47] : memref<10240xf32, #tpu.memory_space<vmem_shared>> -> memref<128xf32, #tpu.memory_space<vmem_shared>>
      %dma_wait3A_126 = tpu.memref_slice %arg15[%add3A_47] : memref<10240xf32, #tpu.memory_space<vmem_shared>> -> memref<128xf32, #tpu.memory_space<vmem_shared>>
      %dma_wait3A_127 = arith.constant 0 : i32
      %dma_wait3A_128 = tpu.memref_slice %arg11[%run_scoped3A_48, %dma_wait3A_127] : memref<2x128xf32, #tpu.memory_space<vmem>> -> memref<1x128xf32, #tpu.memory_space<vmem>>
      %dma_wait3A_129 = tpu.memref_squeeze %dma_wait3A_128 : memref<1x128xf32, #tpu.memory_space<vmem>> -> memref<128xf32, #tpu.memory_space<vmem>>
      tpu.wait_dma2 semaphore(%run_scoped3A_114 : memref<!tpu.dma_semaphore, #tpu.memory_space<semaphore_mem>>) src(%dma_wait3A_129 : memref<128xf32, #tpu.memory_space<vmem>>) dst(%dma_wait3A_126 : memref<128xf32, #tpu.memory_space<vmem_shared>>)
      tpu.yield
    }) : () -> ()
    %mul3A_49 = arith.constant 640 : i32
    %mul3A_50 = arith.muli %arg1, %mul3A_49 : i32
    %add3A_51 = arith.constant 256 : i32
    %add3A_52 = arith.addi %mul3A_50, %add3A_51 : i32
    "tpu.region"() ({
      %run_scoped3A_114 = tpu.sem_alloc : memref<!tpu.dma_semaphore, #tpu.memory_space<semaphore_mem>>
      %dma_start3A_115 = arith.constant 0 : i32
      %dma_start3A_116 = tpu.memref_slice %arg14[%add3A_52, %dma_start3A_115] : memref<10240x64xf32, #tpu.memory_space<vmem_shared>> -> memref<128x64xf32, #tpu.memory_space<vmem_shared>>
      %dma_start3A_117 = arith.constant 0 : i32
      %dma_start3A_118 = tpu.memref_slice %arg14[%add3A_52, %dma_start3A_117] : memref<10240x64xf32, #tpu.memory_space<vmem_shared>> -> memref<128x64xf32, #tpu.memory_space<vmem_shared>>
      tpu.enqueue_dma source(%arg12 : memref<128x64xf32, #tpu.memory_space<vmem>>) target(%dma_start3A_118 : memref<128x64xf32, #tpu.memory_space<vmem_shared>>) target_semaphore(%run_scoped3A_114 : memref<!tpu.dma_semaphore, #tpu.memory_space<semaphore_mem>>)
      %dma_wait3A = arith.constant 0 : i32
      %dma_wait3A_119 = tpu.memref_slice %arg14[%add3A_52, %dma_wait3A] : memref<10240x64xf32, #tpu.memory_space<vmem_shared>> -> memref<128x64xf32, #tpu.memory_space<vmem_shared>>
      %dma_wait3A_120 = arith.constant 0 : i32
      %dma_wait3A_121 = tpu.memref_slice %arg14[%add3A_52, %dma_wait3A_120] : memref<10240x64xf32, #tpu.memory_space<vmem_shared>> -> memref<128x64xf32, #tpu.memory_space<vmem_shared>>
      tpu.wait_dma2 semaphore(%run_scoped3A_114 : memref<!tpu.dma_semaphore, #tpu.memory_space<semaphore_mem>>) src(%arg12 : memref<128x64xf32, #tpu.memory_space<vmem>>) dst(%dma_wait3A_121 : memref<128x64xf32, #tpu.memory_space<vmem_shared>>)
      tpu.yield
    }) : () -> ()
    %mul3A_53 = arith.constant 640 : i32
    %mul3A_54 = arith.muli %arg1, %mul3A_53 : i32
    %add3A_55 = arith.constant 256 : i32
    %add3A_56 = arith.addi %mul3A_54, %add3A_55 : i32
    %run_scoped3A_57 = arith.constant 0 : i32
    "tpu.region"() ({
      %run_scoped3A_114 = tpu.sem_alloc : memref<!tpu.dma_semaphore, #tpu.memory_space<semaphore_mem>>
      %dma_start3A_115 = arith.constant 0 : i32
      %dma_start3A_116 = tpu.memref_slice %arg11[%run_scoped3A_57, %dma_start3A_115] : memref<2x128xf32, #tpu.memory_space<vmem>> -> memref<1x128xf32, #tpu.memory_space<vmem>>
      %dma_start3A_117 = tpu.memref_squeeze %dma_start3A_116 : memref<1x128xf32, #tpu.memory_space<vmem>> -> memref<128xf32, #tpu.memory_space<vmem>>
      %dma_start3A_118 = tpu.memref_slice %arg15[%add3A_56] : memref<10240xf32, #tpu.memory_space<vmem_shared>> -> memref<128xf32, #tpu.memory_space<vmem_shared>>
      %dma_start3A_119 = tpu.memref_slice %arg15[%add3A_56] : memref<10240xf32, #tpu.memory_space<vmem_shared>> -> memref<128xf32, #tpu.memory_space<vmem_shared>>
      %dma_start3A_120 = arith.constant 0 : i32
      %dma_start3A_121 = tpu.memref_slice %arg11[%run_scoped3A_57, %dma_start3A_120] : memref<2x128xf32, #tpu.memory_space<vmem>> -> memref<1x128xf32, #tpu.memory_space<vmem>>
      %dma_start3A_122 = tpu.memref_squeeze %dma_start3A_121 : memref<1x128xf32, #tpu.memory_space<vmem>> -> memref<128xf32, #tpu.memory_space<vmem>>
      tpu.enqueue_dma source(%dma_start3A_122 : memref<128xf32, #tpu.memory_space<vmem>>) target(%dma_start3A_119 : memref<128xf32, #tpu.memory_space<vmem_shared>>) target_semaphore(%run_scoped3A_114 : memref<!tpu.dma_semaphore, #tpu.memory_space<semaphore_mem>>)
      %dma_wait3A = arith.constant 0 : i32
      %dma_wait3A_123 = tpu.memref_slice %arg11[%run_scoped3A_57, %dma_wait3A] : memref<2x128xf32, #tpu.memory_space<vmem>> -> memref<1x128xf32, #tpu.memory_space<vmem>>
      %dma_wait3A_124 = tpu.memref_squeeze %dma_wait3A_123 : memref<1x128xf32, #tpu.memory_space<vmem>> -> memref<128xf32, #tpu.memory_space<vmem>>
      %dma_wait3A_125 = tpu.memref_slice %arg15[%add3A_56] : memref<10240xf32, #tpu.memory_space<vmem_shared>> -> memref<128xf32, #tpu.memory_space<vmem_shared>>
      %dma_wait3A_126 = tpu.memref_slice %arg15[%add3A_56] : memref<10240xf32, #tpu.memory_space<vmem_shared>> -> memref<128xf32, #tpu.memory_space<vmem_shared>>
      %dma_wait3A_127 = arith.constant 0 : i32
      %dma_wait3A_128 = tpu.memref_slice %arg11[%run_scoped3A_57, %dma_wait3A_127] : memref<2x128xf32, #tpu.memory_space<vmem>> -> memref<1x128xf32, #tpu.memory_space<vmem>>
      %dma_wait3A_129 = tpu.memref_squeeze %dma_wait3A_128 : memref<1x128xf32, #tpu.memory_space<vmem>> -> memref<128xf32, #tpu.memory_space<vmem>>
      tpu.wait_dma2 semaphore(%run_scoped3A_114 : memref<!tpu.dma_semaphore, #tpu.memory_space<semaphore_mem>>) src(%dma_wait3A_129 : memref<128xf32, #tpu.memory_space<vmem>>) dst(%dma_wait3A_126 : memref<128xf32, #tpu.memory_space<vmem_shared>>)
      tpu.yield
    }) : () -> ()
    %mul3A_58 = arith.constant 640 : i32
    %mul3A_59 = arith.muli %arg1, %mul3A_58 : i32
    %add3A_60 = arith.constant 384 : i32
    %add3A_61 = arith.addi %mul3A_59, %add3A_60 : i32
    "tpu.region"() ({
      %run_scoped3A_114 = tpu.sem_alloc : memref<!tpu.dma_semaphore, #tpu.memory_space<semaphore_mem>>
      %dma_start3A_115 = arith.constant 0 : i32
      %dma_start3A_116 = tpu.memref_slice %arg14[%add3A_61, %dma_start3A_115] : memref<10240x64xf32, #tpu.memory_space<vmem_shared>> -> memref<128x64xf32, #tpu.memory_space<vmem_shared>>
      %dma_start3A_117 = arith.constant 0 : i32
      %dma_start3A_118 = tpu.memref_slice %arg14[%add3A_61, %dma_start3A_117] : memref<10240x64xf32, #tpu.memory_space<vmem_shared>> -> memref<128x64xf32, #tpu.memory_space<vmem_shared>>
      tpu.enqueue_dma source(%arg12 : memref<128x64xf32, #tpu.memory_space<vmem>>) target(%dma_start3A_118 : memref<128x64xf32, #tpu.memory_space<vmem_shared>>) target_semaphore(%run_scoped3A_114 : memref<!tpu.dma_semaphore, #tpu.memory_space<semaphore_mem>>)
      %dma_wait3A = arith.constant 0 : i32
      %dma_wait3A_119 = tpu.memref_slice %arg14[%add3A_61, %dma_wait3A] : memref<10240x64xf32, #tpu.memory_space<vmem_shared>> -> memref<128x64xf32, #tpu.memory_space<vmem_shared>>
      %dma_wait3A_120 = arith.constant 0 : i32
      %dma_wait3A_121 = tpu.memref_slice %arg14[%add3A_61, %dma_wait3A_120] : memref<10240x64xf32, #tpu.memory_space<vmem_shared>> -> memref<128x64xf32, #tpu.memory_space<vmem_shared>>
      tpu.wait_dma2 semaphore(%run_scoped3A_114 : memref<!tpu.dma_semaphore, #tpu.memory_space<semaphore_mem>>) src(%arg12 : memref<128x64xf32, #tpu.memory_space<vmem>>) dst(%dma_wait3A_121 : memref<128x64xf32, #tpu.memory_space<vmem_shared>>)
      tpu.yield
    }) : () -> ()
    %mul3A_62 = arith.constant 640 : i32
    %mul3A_63 = arith.muli %arg1, %mul3A_62 : i32
    %add3A_64 = arith.constant 384 : i32
    %add3A_65 = arith.addi %mul3A_63, %add3A_64 : i32
    %run_scoped3A_66 = arith.constant 0 : i32
    "tpu.region"() ({
      %run_scoped3A_114 = tpu.sem_alloc : memref<!tpu.dma_semaphore, #tpu.memory_space<semaphore_mem>>
      %dma_start3A_115 = arith.constant 0 : i32
      %dma_start3A_116 = tpu.memref_slice %arg11[%run_scoped3A_66, %dma_start3A_115] : memref<2x128xf32, #tpu.memory_space<vmem>> -> memref<1x128xf32, #tpu.memory_space<vmem>>
      %dma_start3A_117 = tpu.memref_squeeze %dma_start3A_116 : memref<1x128xf32, #tpu.memory_space<vmem>> -> memref<128xf32, #tpu.memory_space<vmem>>
      %dma_start3A_118 = tpu.memref_slice %arg15[%add3A_65] : memref<10240xf32, #tpu.memory_space<vmem_shared>> -> memref<128xf32, #tpu.memory_space<vmem_shared>>
      %dma_start3A_119 = tpu.memref_slice %arg15[%add3A_65] : memref<10240xf32, #tpu.memory_space<vmem_shared>> -> memref<128xf32, #tpu.memory_space<vmem_shared>>
      %dma_start3A_120 = arith.constant 0 : i32
      %dma_start3A_121 = tpu.memref_slice %arg11[%run_scoped3A_66, %dma_start3A_120] : memref<2x128xf32, #tpu.memory_space<vmem>> -> memref<1x128xf32, #tpu.memory_space<vmem>>
      %dma_start3A_122 = tpu.memref_squeeze %dma_start3A_121 : memref<1x128xf32, #tpu.memory_space<vmem>> -> memref<128xf32, #tpu.memory_space<vmem>>
      tpu.enqueue_dma source(%dma_start3A_122 : memref<128xf32, #tpu.memory_space<vmem>>) target(%dma_start3A_119 : memref<128xf32, #tpu.memory_space<vmem_shared>>) target_semaphore(%run_scoped3A_114 : memref<!tpu.dma_semaphore, #tpu.memory_space<semaphore_mem>>)
      %dma_wait3A = arith.constant 0 : i32
      %dma_wait3A_123 = tpu.memref_slice %arg11[%run_scoped3A_66, %dma_wait3A] : memref<2x128xf32, #tpu.memory_space<vmem>> -> memref<1x128xf32, #tpu.memory_space<vmem>>
      %dma_wait3A_124 = tpu.memref_squeeze %dma_wait3A_123 : memref<1x128xf32, #tpu.memory_space<vmem>> -> memref<128xf32, #tpu.memory_space<vmem>>
      %dma_wait3A_125 = tpu.memref_slice %arg15[%add3A_65] : memref<10240xf32, #tpu.memory_space<vmem_shared>> -> memref<128xf32, #tpu.memory_space<vmem_shared>>
      %dma_wait3A_126 = tpu.memref_slice %arg15[%add3A_65] : memref<10240xf32, #tpu.memory_space<vmem_shared>> -> memref<128xf32, #tpu.memory_space<vmem_shared>>
      %dma_wait3A_127 = arith.constant 0 : i32
      %dma_wait3A_128 = tpu.memref_slice %arg11[%run_scoped3A_66, %dma_wait3A_127] : memref<2x128xf32, #tpu.memory_space<vmem>> -> memref<1x128xf32, #tpu.memory_space<vmem>>
      %dma_wait3A_129 = tpu.memref_squeeze %dma_wait3A_128 : memref<1x128xf32, #tpu.memory_space<vmem>> -> memref<128xf32, #tpu.memory_space<vmem>>
      tpu.wait_dma2 semaphore(%run_scoped3A_114 : memref<!tpu.dma_semaphore, #tpu.memory_space<semaphore_mem>>) src(%dma_wait3A_129 : memref<128xf32, #tpu.memory_space<vmem>>) dst(%dma_wait3A_126 : memref<128xf32, #tpu.memory_space<vmem_shared>>)
      tpu.yield
    }) : () -> ()
    %mul3A_67 = arith.constant 640 : i32
    %mul3A_68 = arith.muli %arg1, %mul3A_67 : i32
    %add3A_69 = arith.constant 512 : i32
    %add3A_70 = arith.addi %mul3A_68, %add3A_69 : i32
    "tpu.region"() ({
      %run_scoped3A_114 = tpu.sem_alloc : memref<!tpu.dma_semaphore, #tpu.memory_space<semaphore_mem>>
      %dma_start3A_115 = arith.constant 0 : i32
      %dma_start3A_116 = tpu.memref_slice %arg14[%add3A_70, %dma_start3A_115] : memref<10240x64xf32, #tpu.memory_space<vmem_shared>> -> memref<128x64xf32, #tpu.memory_space<vmem_shared>>
      %dma_start3A_117 = arith.constant 0 : i32
      %dma_start3A_118 = tpu.memref_slice %arg14[%add3A_70, %dma_start3A_117] : memref<10240x64xf32, #tpu.memory_space<vmem_shared>> -> memref<128x64xf32, #tpu.memory_space<vmem_shared>>
      tpu.enqueue_dma source(%arg12 : memref<128x64xf32, #tpu.memory_space<vmem>>) target(%dma_start3A_118 : memref<128x64xf32, #tpu.memory_space<vmem_shared>>) target_semaphore(%run_scoped3A_114 : memref<!tpu.dma_semaphore, #tpu.memory_space<semaphore_mem>>)
      %dma_wait3A = arith.constant 0 : i32
      %dma_wait3A_119 = tpu.memref_slice %arg14[%add3A_70, %dma_wait3A] : memref<10240x64xf32, #tpu.memory_space<vmem_shared>> -> memref<128x64xf32, #tpu.memory_space<vmem_shared>>
      %dma_wait3A_120 = arith.constant 0 : i32
      %dma_wait3A_121 = tpu.memref_slice %arg14[%add3A_70, %dma_wait3A_120] : memref<10240x64xf32, #tpu.memory_space<vmem_shared>> -> memref<128x64xf32, #tpu.memory_space<vmem_shared>>
      tpu.wait_dma2 semaphore(%run_scoped3A_114 : memref<!tpu.dma_semaphore, #tpu.memory_space<semaphore_mem>>) src(%arg12 : memref<128x64xf32, #tpu.memory_space<vmem>>) dst(%dma_wait3A_121 : memref<128x64xf32, #tpu.memory_space<vmem_shared>>)
      tpu.yield
    }) : () -> ()
    %mul3A_71 = arith.constant 640 : i32
    %mul3A_72 = arith.muli %arg1, %mul3A_71 : i32
    %add3A_73 = arith.constant 512 : i32
    %add3A_74 = arith.addi %mul3A_72, %add3A_73 : i32
    %run_scoped3A_75 = arith.constant 0 : i32
    "tpu.region"() ({
      %run_scoped3A_114 = tpu.sem_alloc : memref<!tpu.dma_semaphore, #tpu.memory_space<semaphore_mem>>
      %dma_start3A_115 = arith.constant 0 : i32
      %dma_start3A_116 = tpu.memref_slice %arg11[%run_scoped3A_75, %dma_start3A_115] : memref<2x128xf32, #tpu.memory_space<vmem>> -> memref<1x128xf32, #tpu.memory_space<vmem>>
      %dma_start3A_117 = tpu.memref_squeeze %dma_start3A_116 : memref<1x128xf32, #tpu.memory_space<vmem>> -> memref<128xf32, #tpu.memory_space<vmem>>
      %dma_start3A_118 = tpu.memref_slice %arg15[%add3A_74] : memref<10240xf32, #tpu.memory_space<vmem_shared>> -> memref<128xf32, #tpu.memory_space<vmem_shared>>
      %dma_start3A_119 = tpu.memref_slice %arg15[%add3A_74] : memref<10240xf32, #tpu.memory_space<vmem_shared>> -> memref<128xf32, #tpu.memory_space<vmem_shared>>
      %dma_start3A_120 = arith.constant 0 : i32
      %dma_start3A_121 = tpu.memref_slice %arg11[%run_scoped3A_75, %dma_start3A_120] : memref<2x128xf32, #tpu.memory_space<vmem>> -> memref<1x128xf32, #tpu.memory_space<vmem>>
      %dma_start3A_122 = tpu.memref_squeeze %dma_start3A_121 : memref<1x128xf32, #tpu.memory_space<vmem>> -> memref<128xf32, #tpu.memory_space<vmem>>
      tpu.enqueue_dma source(%dma_start3A_122 : memref<128xf32, #tpu.memory_space<vmem>>) target(%dma_start3A_119 : memref<128xf32, #tpu.memory_space<vmem_shared>>) target_semaphore(%run_scoped3A_114 : memref<!tpu.dma_semaphore, #tpu.memory_space<semaphore_mem>>)
      %dma_wait3A = arith.constant 0 : i32
      %dma_wait3A_123 = tpu.memref_slice %arg11[%run_scoped3A_75, %dma_wait3A] : memref<2x128xf32, #tpu.memory_space<vmem>> -> memref<1x128xf32, #tpu.memory_space<vmem>>
      %dma_wait3A_124 = tpu.memref_squeeze %dma_wait3A_123 : memref<1x128xf32, #tpu.memory_space<vmem>> -> memref<128xf32, #tpu.memory_space<vmem>>
      %dma_wait3A_125 = tpu.memref_slice %arg15[%add3A_74] : memref<10240xf32, #tpu.memory_space<vmem_shared>> -> memref<128xf32, #tpu.memory_space<vmem_shared>>
      %dma_wait3A_126 = tpu.memref_slice %arg15[%add3A_74] : memref<10240xf32, #tpu.memory_space<vmem_shared>> -> memref<128xf32, #tpu.memory_space<vmem_shared>>
      %dma_wait3A_127 = arith.constant 0 : i32
      %dma_wait3A_128 = tpu.memref_slice %arg11[%run_scoped3A_75, %dma_wait3A_127] : memref<2x128xf32, #tpu.memory_space<vmem>> -> memref<1x128xf32, #tpu.memory_space<vmem>>
      %dma_wait3A_129 = tpu.memref_squeeze %dma_wait3A_128 : memref<1x128xf32, #tpu.memory_space<vmem>> -> memref<128xf32, #tpu.memory_space<vmem>>
      tpu.wait_dma2 semaphore(%run_scoped3A_114 : memref<!tpu.dma_semaphore, #tpu.memory_space<semaphore_mem>>) src(%dma_wait3A_129 : memref<128xf32, #tpu.memory_space<vmem>>) dst(%dma_wait3A_126 : memref<128xf32, #tpu.memory_space<vmem_shared>>)
      tpu.yield
    }) : () -> ()
    %barrier3A = arith.constant 0 : index
    tpu.barrier barrier_id(%barrier3A)
    "tpu.region"() ({
      %run_scoped3A_114 = tpu.sem_alloc : memref<!tpu.dma_semaphore, #tpu.memory_space<semaphore_mem>>
      tpu.enqueue_dma source(%arg3 : memref<20000xf32, #tpu.memory_space<hbm>>) target(%arg8 : memref<20000xf32, #tpu.memory_space<vmem>>) target_semaphore(%run_scoped3A_114 : memref<!tpu.dma_semaphore, #tpu.memory_space<semaphore_mem>>)
      tpu.wait_dma2 semaphore(%run_scoped3A_114 : memref<!tpu.dma_semaphore, #tpu.memory_space<semaphore_mem>>) src(%arg3 : memref<20000xf32, #tpu.memory_space<hbm>>) dst(%arg8 : memref<20000xf32, #tpu.memory_space<vmem>>)
      tpu.yield
    }) : () -> ()
    %mul3A_76 = arith.constant 20224 : i32
    %mul3A_77 = arith.muli %arg1, %mul3A_76 : i32
    "tpu.region"() ({
      %run_scoped3A_114 = tpu.sem_alloc : memref<!tpu.dma_semaphore, #tpu.memory_space<semaphore_mem>>
      %dma_start3A_115 = tpu.memref_slice %arg4[%mul3A_77] : memref<323584xi32, #tpu.memory_space<hbm>> -> memref<20224xi32, #tpu.memory_space<hbm>>
      %dma_start3A_116 = tpu.memref_slice %arg4[%mul3A_77] : memref<323584xi32, #tpu.memory_space<hbm>> -> memref<20224xi32, #tpu.memory_space<hbm>>
      tpu.enqueue_dma source(%dma_start3A_116 : memref<20224xi32, #tpu.memory_space<hbm>>) target(%arg9 : memref<20224xi32, #tpu.memory_space<vmem>>) target_semaphore(%run_scoped3A_114 : memref<!tpu.dma_semaphore, #tpu.memory_space<semaphore_mem>>)
      %dma_wait3A = tpu.memref_slice %arg4[%mul3A_77] : memref<323584xi32, #tpu.memory_space<hbm>> -> memref<20224xi32, #tpu.memory_space<hbm>>
      %dma_wait3A_117 = tpu.memref_slice %arg4[%mul3A_77] : memref<323584xi32, #tpu.memory_space<hbm>> -> memref<20224xi32, #tpu.memory_space<hbm>>
      tpu.wait_dma2 semaphore(%run_scoped3A_114 : memref<!tpu.dma_semaphore, #tpu.memory_space<semaphore_mem>>) src(%dma_wait3A_117 : memref<20224xi32, #tpu.memory_space<hbm>>) dst(%arg9 : memref<20224xi32, #tpu.memory_space<vmem>>)
      tpu.yield
    }) : () -> ()
    "tpu.region"() ({
      %run_scoped3A_114 = tpu.sem_alloc : memref<!tpu.dma_semaphore, #tpu.memory_space<semaphore_mem>>
      %dma_start3A_115 = arith.constant 0 : i32
      %dma_start3A_116 = arith.constant 0 : i32
      %dma_start3A_117 = tpu.memref_slice %arg5[%arg1, %dma_start3A_115, %dma_start3A_116] : memref<16x158x128xi32, #tpu.memory_space<hbm>> -> memref<1x158x128xi32, #tpu.memory_space<hbm>>
      %dma_start3A_118 = tpu.memref_squeeze %dma_start3A_117 : memref<1x158x128xi32, #tpu.memory_space<hbm>> -> memref<158x128xi32, #tpu.memory_space<hbm>>
      %dma_start3A_119 = arith.constant 0 : i32
      %dma_start3A_120 = arith.constant 0 : i32
      %dma_start3A_121 = tpu.memref_slice %arg5[%arg1, %dma_start3A_119, %dma_start3A_120] : memref<16x158x128xi32, #tpu.memory_space<hbm>> -> memref<1x158x128xi32, #tpu.memory_space<hbm>>
      %dma_start3A_122 = tpu.memref_squeeze %dma_start3A_121 : memref<1x158x128xi32, #tpu.memory_space<hbm>> -> memref<158x128xi32, #tpu.memory_space<hbm>>
      tpu.enqueue_dma source(%dma_start3A_122 : memref<158x128xi32, #tpu.memory_space<hbm>>) target(%arg10 : memref<158x128xi32, #tpu.memory_space<vmem>>) target_semaphore(%run_scoped3A_114 : memref<!tpu.dma_semaphore, #tpu.memory_space<semaphore_mem>>)
      %dma_wait3A = arith.constant 0 : i32
      %dma_wait3A_123 = arith.constant 0 : i32
      %dma_wait3A_124 = tpu.memref_slice %arg5[%arg1, %dma_wait3A, %dma_wait3A_123] : memref<16x158x128xi32, #tpu.memory_space<hbm>> -> memref<1x158x128xi32, #tpu.memory_space<hbm>>
      %dma_wait3A_125 = tpu.memref_squeeze %dma_wait3A_124 : memref<1x158x128xi32, #tpu.memory_space<hbm>> -> memref<158x128xi32, #tpu.memory_space<hbm>>
      %dma_wait3A_126 = arith.constant 0 : i32
      %dma_wait3A_127 = arith.constant 0 : i32
      %dma_wait3A_128 = tpu.memref_slice %arg5[%arg1, %dma_wait3A_126, %dma_wait3A_127] : memref<16x158x128xi32, #tpu.memory_space<hbm>> -> memref<1x158x128xi32, #tpu.memory_space<hbm>>
      %dma_wait3A_129 = tpu.memref_squeeze %dma_wait3A_128 : memref<1x158x128xi32, #tpu.memory_space<hbm>> -> memref<158x128xi32, #tpu.memory_space<hbm>>
      tpu.wait_dma2 semaphore(%run_scoped3A_114 : memref<!tpu.dma_semaphore, #tpu.memory_space<semaphore_mem>>) src(%dma_wait3A_129 : memref<158x128xi32, #tpu.memory_space<hbm>>) dst(%arg10 : memref<158x128xi32, #tpu.memory_space<vmem>>)
      tpu.yield
    }) : () -> ()
    %broadcast_in_dim3A_78 = arith.constant 0 : i32
    %broadcast_in_dim3A_79 = vector.broadcast %broadcast_in_dim3A_78 : i32 to vector<16xi32>
    %mul3A_80 = arith.constant 10000 : i32
    %mul3A_81 = arith.muli %arg0, %mul3A_80 : i32
    %add3A_82 = vector.broadcast %mul3A_81 : i32 to vector<16xi32>
    %add3A_83 = arith.addi %broadcast_in_dim3A_79, %add3A_82 : vector<16xi32>
    %parallel_loop3A_84 = arith.constant 0 : i32
    %parallel_loop3A_85 = arith.constant 1264 : i32
    %parallel_loop3A_86 = arith.constant 1 : i32
    scf.for %parallel_loop3A_114 = %parallel_loop3A_84 to %parallel_loop3A_85 step %parallel_loop3A_86  : i32 {
      %parallel_loop3A_115 = arith.constant 16 : i32
      %parallel_loop3A_116 = arith.muli %parallel_loop3A_114, %parallel_loop3A_115 : i32
      %parallel_loop3A_117 = arith.index_cast %parallel_loop3A_116 : i32 to index
      %parallel_loop3A_118 = tpu.vector_load %arg9[%parallel_loop3A_117] {strides = array<i32>} : memref<20224xi32, #tpu.memory_space<vmem>>, vector<16xi32>,
      %parallel_loop3A_119 = arith.addi %parallel_loop3A_118, %add3A_83 : vector<16xi32>
      %parallel_loop3A_120 = arith.constant 16 : i32
      %parallel_loop3A_121 = arith.muli %parallel_loop3A_114, %parallel_loop3A_120 : i32
      %parallel_loop3A_122 = arith.index_cast %parallel_loop3A_121 : i32 to index
      %parallel_loop3A_123 = tpu.vector_load %arg9[%parallel_loop3A_122] {strides = array<i32>} : memref<20224xi32, #tpu.memory_space<vmem>>, vector<16xi32>,
      tpu.vector_store %arg9[%parallel_loop3A_122], %parallel_loop3A_119 {strides = array<i32>} : memref<20224xi32, #tpu.memory_space<vmem>>, vector<16xi32>,
    } {sc.loop_unroll_factor = 8 : i64, sc.parallel_access}
    %eq3A = arith.constant 0 : i32
    %eq3A_87 = arith.cmpi eq, %arg0, %eq3A : i32
    %mul3A_88 = arith.constant 20224 : i32
    %mul3A_89 = arith.muli %arg1, %mul3A_88 : i32
    %mul3A_90 = arith.constant 10000 : i32
    %mul3A_91 = arith.muli %arg0, %mul3A_90 : i32
    %broadcast_in_dim3A_92 = arith.constant 0 : i32
    %broadcast_in_dim3A_93 = vector.broadcast %broadcast_in_dim3A_92 : i32 to vector<16xi32>
    %add3A_94 = vector.broadcast %mul3A_91 : i32 to vector<16xi32>
    %add3A_95 = arith.addi %broadcast_in_dim3A_93, %add3A_94 : vector<16xi32>
    %dma_start3A = arith.constant 0 : i32
    %dma_start3A_96 = tpu.memref_slice %arg9[%dma_start3A] : memref<20224xi32, #tpu.memory_space<vmem>> -> memref<128xi32, #tpu.memory_space<vmem>>
    %dma_start3A_97 = arith.constant 0 : i32
    %dma_start3A_98 = arith.constant 0 : i32
    %dma_start3A_99 = tpu.memref_slice %arg2[%dma_start3A_97, %dma_start3A_98] : memref<20000x64xf32, #tpu.memory_space<hbm>> -> memref<20000x64xf32, #tpu.memory_space<hbm>>
    tpu.enqueue_indirect_dma source(%dma_start3A_99 : memref<20000x64xf32, #tpu.memory_space<hbm>>) target(%arg12 : memref<128x64xf32, #tpu.memory_space<vmem>>) offsets(%dma_start3A_96 : memref<128xi32, #tpu.memory_space<vmem>>) semaphore(%arg16 : memref<!tpu.dma_semaphore, #tpu.memory_space<semaphore_mem>>)
    %scan3A = arith.constant 0 : i32
    %scan3A_100 = arith.constant 0 : i32
    %scan3A_101 = arith.constant 79 : i32
    %scan3A_102 = arith.addi %scan3A_100, %scan3A_101 : i32
    %scan3A_103 = arith.constant 1 : i32
    %scan3A_104 = scf.for %scan3A_114 = %scan3A_100 to %scan3A_102 step %scan3A_103 iter_args(%scan3A_115 = %scan3A) -> (i32)  : i32 {
      %mul3A_116 = arith.constant 2 : i32
      %mul3A_117 = arith.muli %scan3A_114, %mul3A_116 : i32
      %add3A_118 = arith.constant 0 : i32
      %add3A_119 = arith.addi %mul3A_117, %add3A_118 : i32
      %add3A_120 = arith.constant 1 : i32
      %add3A_121 = arith.addi %add3A_119, %add3A_120 : i32
      %lt3A = arith.constant 158 : i32
      %lt3A_122 = arith.cmpi slt, %add3A_121, %lt3A : i32
      %convert_element_type3A_123 = arith.extui %lt3A_122 : i1 to i32
      %cond3A_124 = arith.constant 0 : i32
      %cond3A_125 = arith.cmpi ne, %convert_element_type3A_123, %cond3A_124 : i32
      scf.if %cond3A_125 {
        %add3A_165 = arith.constant 1 : i32
        %add3A_166 = arith.addi %add3A_119, %add3A_165 : i32
        %mul3A_167 = arith.constant 128 : i32
        %mul3A_168 = arith.muli %add3A_166, %mul3A_167 : i32
        %dma_start3A_169 = tpu.memref_slice %arg9[%mul3A_168] : memref<20224xi32, #tpu.memory_space<vmem>> -> memref<128xi32, #tpu.memory_space<vmem>>
        %dma_start3A_170 = arith.constant 0 : i32
        %dma_start3A_171 = arith.constant 0 : i32
        %dma_start3A_172 = tpu.memref_slice %arg2[%dma_start3A_170, %dma_start3A_171] : memref<20000x64xf32, #tpu.memory_space<hbm>> -> memref<20000x64xf32, #tpu.memory_space<hbm>>
        tpu.enqueue_indirect_dma source(%dma_start3A_172 : memref<20000x64xf32, #tpu.memory_space<hbm>>) target(%arg13 : memref<128x64xf32, #tpu.memory_space<vmem>>) offsets(%dma_start3A_169 : memref<128xi32, #tpu.memory_space<vmem>>) semaphore(%arg17 : memref<!tpu.dma_semaphore, #tpu.memory_space<semaphore_mem>>)
      } else {
      }
      %parallel_loop3A_126 = arith.constant 0 : i32
      %parallel_loop3A_127 = arith.constant 8 : i32
      %parallel_loop3A_128 = arith.constant 1 : i32
      scf.for %parallel_loop3A_165 = %parallel_loop3A_126 to %parallel_loop3A_127 step %parallel_loop3A_128  : i32 {
        %parallel_loop3A_166 = arith.constant 128 : i32
        %parallel_loop3A_167 = arith.muli %add3A_119, %parallel_loop3A_166 : i32
        %parallel_loop3A_168 = arith.constant 16 : i32
        %parallel_loop3A_169 = arith.muli %parallel_loop3A_165, %parallel_loop3A_168 : i32
        %parallel_loop3A_170 = arith.addi %parallel_loop3A_167, %parallel_loop3A_169 : i32
        %parallel_loop3A_171 = arith.index_cast %parallel_loop3A_170 : i32 to index
        %parallel_loop3A_172 = tpu.vector_load %arg9[%parallel_loop3A_171] {strides = array<i32>} : memref<20224xi32, #tpu.memory_space<vmem>>, vector<16xi32>,
        %parallel_loop3A_173 = arith.subi %parallel_loop3A_172, %add3A_95 : vector<16xi32>
        %parallel_loop3A_174 = arith.constant 16 : i32
        %parallel_loop3A_175 = arith.muli %parallel_loop3A_165, %parallel_loop3A_174 : i32
        %parallel_loop3A_176 = arith.index_cast %add3A_119 : i32 to index
        %parallel_loop3A_177 = arith.index_cast %parallel_loop3A_175 : i32 to index
        %parallel_loop3A_178 = tpu.vector_load %arg10[%parallel_loop3A_176, %parallel_loop3A_177] {strides = array<i32>} : memref<158x128xi32, #tpu.memory_space<vmem>>, vector<16xi32>,
        %parallel_loop3A_179 = arith.constant 2 : i32
        %parallel_loop3A_180 = vector.broadcast %parallel_loop3A_179 : i32 to vector<16xi32>
        %parallel_loop3A_181 = arith.muli %parallel_loop3A_173, %parallel_loop3A_180 : vector<16xi32>
        %parallel_loop3A_182 = tpu.vector_load_idx %arg8[%parallel_loop3A_181] : memref<20000xf32, #tpu.memory_space<vmem>>[vector<16xi32>], vector<16xf32>,
        %parallel_loop3A_183 = arith.constant 2 : i32
        %parallel_loop3A_184 = vector.broadcast %parallel_loop3A_183 : i32 to vector<16xi32>
        %parallel_loop3A_185 = arith.muli %parallel_loop3A_178, %parallel_loop3A_184 : vector<16xi32>
        %parallel_loop3A_186 = arith.constant 1 : i32
        %parallel_loop3A_187 = vector.broadcast %parallel_loop3A_186 : i32 to vector<16xi32>
        %parallel_loop3A_188 = arith.addi %parallel_loop3A_185, %parallel_loop3A_187 : vector<16xi32>
        %parallel_loop3A_189 = tpu.vector_load_idx %arg8[%parallel_loop3A_188] : memref<20000xf32, #tpu.memory_space<vmem>>[vector<16xi32>], vector<16xf32>,
        %parallel_loop3A_190 = arith.addf %parallel_loop3A_182, %parallel_loop3A_189 : vector<16xf32>
        %parallel_loop3A_191 = arith.constant 0.000000e+00 : f32
        %parallel_loop3A_192 = vector.broadcast %parallel_loop3A_191 : f32 to vector<16xf32>
        %parallel_loop3A_193 = arith.cmpf ogt, %parallel_loop3A_190, %parallel_loop3A_192 : vector<16xf32>
        %parallel_loop3A_194 = arith.constant 2.000000e-01 : f32
        %parallel_loop3A_195 = vector.broadcast %parallel_loop3A_194 : f32 to vector<16xf32>
        %parallel_loop3A_196 = arith.mulf %parallel_loop3A_195, %parallel_loop3A_190 : vector<16xf32>
        %parallel_loop3A_197 = arith.select %parallel_loop3A_193, %parallel_loop3A_190, %parallel_loop3A_196 : vector<16xi1>, vector<16xf32>
        %parallel_loop3A_198 = math.exp %parallel_loop3A_197 : vector<16xf32>
        %parallel_loop3A_199 = arith.constant 128 : i32
        %parallel_loop3A_200 = arith.muli %add3A_119, %parallel_loop3A_199 : i32
        %parallel_loop3A_201 = arith.addi %mul3A_89, %parallel_loop3A_200 : i32
        %parallel_loop3A_202 = arith.constant 16 : i32
        %parallel_loop3A_203 = arith.muli %parallel_loop3A_165, %parallel_loop3A_202 : i32
        %parallel_loop3A_204 = arith.addi %parallel_loop3A_201, %parallel_loop3A_203 : i32
        %parallel_loop3A_205 = tpu.iota {dimensions = array<i32: 0>} : vector<16xi32>
        %parallel_loop3A_206 = vector.broadcast %parallel_loop3A_204 : i32 to vector<16xi32>
        %parallel_loop3A_207 = arith.addi %parallel_loop3A_206, %parallel_loop3A_205 : vector<16xi32>
        %parallel_loop3A_208 = arith.constant 320000 : i32
        %parallel_loop3A_209 = vector.broadcast %parallel_loop3A_208 : i32 to vector<16xi32>
        %parallel_loop3A_210 = arith.cmpi slt, %parallel_loop3A_207, %parallel_loop3A_209 : vector<16xi32>
        %parallel_loop3A_211 = arith.constant 0.000000e+00 : f32
        %parallel_loop3A_212 = vector.broadcast %parallel_loop3A_211 : f32 to vector<16xf32>
        %parallel_loop3A_213 = arith.select %parallel_loop3A_210, %parallel_loop3A_198, %parallel_loop3A_212 : vector<16xi1>, vector<16xf32>
        %parallel_loop3A_214 = arith.constant 16 : i32
        %parallel_loop3A_215 = arith.muli %parallel_loop3A_165, %parallel_loop3A_214 : i32
        %parallel_loop3A_216 = arith.constant 0 : i32
        %parallel_loop3A_217 = arith.index_cast %parallel_loop3A_216 : i32 to index
        %parallel_loop3A_218 = arith.index_cast %parallel_loop3A_215 : i32 to index
        %parallel_loop3A_219 = tpu.vector_load %arg11[%parallel_loop3A_217, %parallel_loop3A_218] {strides = array<i32>} : memref<2x128xf32, #tpu.memory_space<vmem>>, vector<16xf32>,
        tpu.vector_store %arg11[%parallel_loop3A_217, %parallel_loop3A_218], %parallel_loop3A_213 {strides = array<i32>} : memref<2x128xf32, #tpu.memory_space<vmem>>, vector<16xf32>,
      } {sc.loop_unroll_factor = 4 : i64, sc.parallel_access}
      %mul3A_129 = arith.constant 128 : i32
      %mul3A_130 = arith.muli %add3A_119, %mul3A_129 : i32
      %dma_wait3A = tpu.memref_slice %arg9[%mul3A_130] : memref<20224xi32, #tpu.memory_space<vmem>> -> memref<128xi32, #tpu.memory_space<vmem>>
      %dma_wait3A_131 = arith.constant 0 : i32
      %dma_wait3A_132 = arith.constant 0 : i32
      %dma_wait3A_133 = tpu.memref_slice %arg2[%dma_wait3A_131, %dma_wait3A_132] : memref<20000x64xf32, #tpu.memory_space<hbm>> -> memref<20000x64xf32, #tpu.memory_space<hbm>>
      tpu.wait_indirect_dma semaphore(%arg16 : memref<!tpu.dma_semaphore, #tpu.memory_space<semaphore_mem>>) src(%dma_wait3A_133 : memref<20000x64xf32, #tpu.memory_space<hbm>>) dst(%arg12 : memref<128x64xf32, #tpu.memory_space<vmem>>)
      %parallel_loop3A_134 = arith.constant 0 : i32
      %parallel_loop3A_135 = arith.constant 128 : i32
      %parallel_loop3A_136 = arith.constant 1 : i32
      scf.for %parallel_loop3A_165 = %parallel_loop3A_134 to %parallel_loop3A_135 step %parallel_loop3A_136  : i32 {
        %parallel_loop3A_166 = arith.constant 0 : i32
        %parallel_loop3A_167 = vector.broadcast %parallel_loop3A_166 : i32 to vector<16xi32>
        %parallel_loop3A_168 = arith.addi %broadcast_in_dim3A_93, %parallel_loop3A_167 : vector<16xi32>
        %parallel_loop3A_169 = vector.broadcast %parallel_loop3A_165 : i32 to vector<16xi32>
        %parallel_loop3A_170 = arith.addi %broadcast_in_dim3A_93, %parallel_loop3A_169 : vector<16xi32>
        %parallel_loop3A_171 = tpu.vector_load_idx %arg11[%parallel_loop3A_168, %parallel_loop3A_170] : memref<2x128xf32, #tpu.memory_space<vmem>>[vector<16xi32>, vector<16xi32>], vector<16xf32>,
        %parallel_loop3A_172 = arith.index_cast %parallel_loop3A_165 : i32 to index
        %parallel_loop3A_173 = arith.constant 0 : index
        %parallel_loop3A_174 = tpu.vector_load %arg12[%parallel_loop3A_172, %parallel_loop3A_173] {strides = array<i32>} : memref<128x64xf32, #tpu.memory_space<vmem>>, vector<16xf32>,
        %parallel_loop3A_175 = arith.mulf %parallel_loop3A_174, %parallel_loop3A_171 : vector<16xf32>
        %parallel_loop3A_176 = arith.index_cast %parallel_loop3A_165 : i32 to index
        %parallel_loop3A_177 = arith.constant 0 : index
        %parallel_loop3A_178 = tpu.vector_load %arg12[%parallel_loop3A_176, %parallel_loop3A_177] {strides = array<i32>} : memref<128x64xf32, #tpu.memory_space<vmem>>, vector<16xf32>,
        tpu.vector_store %arg12[%parallel_loop3A_176, %parallel_loop3A_177], %parallel_loop3A_175 {strides = array<i32>} : memref<128x64xf32, #tpu.memory_space<vmem>>, vector<16xf32>,
        %parallel_loop3A_179 = arith.index_cast %parallel_loop3A_165 : i32 to index
        %parallel_loop3A_180 = arith.constant 16 : index
        %parallel_loop3A_181 = tpu.vector_load %arg12[%parallel_loop3A_179, %parallel_loop3A_180] {strides = array<i32>} : memref<128x64xf32, #tpu.memory_space<vmem>>, vector<16xf32>,
        %parallel_loop3A_182 = arith.mulf %parallel_loop3A_181, %parallel_loop3A_171 : vector<16xf32>
        %parallel_loop3A_183 = arith.index_cast %parallel_loop3A_165 : i32 to index
        %parallel_loop3A_184 = arith.constant 16 : index
        %parallel_loop3A_185 = tpu.vector_load %arg12[%parallel_loop3A_183, %parallel_loop3A_184] {strides = array<i32>} : memref<128x64xf32, #tpu.memory_space<vmem>>, vector<16xf32>,
        tpu.vector_store %arg12[%parallel_loop3A_183, %parallel_loop3A_184], %parallel_loop3A_182 {strides = array<i32>} : memref<128x64xf32, #tpu.memory_space<vmem>>, vector<16xf32>,
        %parallel_loop3A_186 = arith.index_cast %parallel_loop3A_165 : i32 to index
        %parallel_loop3A_187 = arith.constant 32 : index
        %parallel_loop3A_188 = tpu.vector_load %arg12[%parallel_loop3A_186, %parallel_loop3A_187] {strides = array<i32>} : memref<128x64xf32, #tpu.memory_space<vmem>>, vector<16xf32>,
        %parallel_loop3A_189 = arith.mulf %parallel_loop3A_188, %parallel_loop3A_171 : vector<16xf32>
        %parallel_loop3A_190 = arith.index_cast %parallel_loop3A_165 : i32 to index
        %parallel_loop3A_191 = arith.constant 32 : index
        %parallel_loop3A_192 = tpu.vector_load %arg12[%parallel_loop3A_190, %parallel_loop3A_191] {strides = array<i32>} : memref<128x64xf32, #tpu.memory_space<vmem>>, vector<16xf32>,
        tpu.vector_store %arg12[%parallel_loop3A_190, %parallel_loop3A_191], %parallel_loop3A_189 {strides = array<i32>} : memref<128x64xf32, #tpu.memory_space<vmem>>, vector<16xf32>,
        %parallel_loop3A_193 = arith.index_cast %parallel_loop3A_165 : i32 to index
        %parallel_loop3A_194 = arith.constant 48 : index
        %parallel_loop3A_195 = tpu.vector_load %arg12[%parallel_loop3A_193, %parallel_loop3A_194] {strides = array<i32>} : memref<128x64xf32, #tpu.memory_space<vmem>>, vector<16xf32>,
        %parallel_loop3A_196 = arith.mulf %parallel_loop3A_195, %parallel_loop3A_171 : vector<16xf32>
        %parallel_loop3A_197 = arith.index_cast %parallel_loop3A_165 : i32 to index
        %parallel_loop3A_198 = arith.constant 48 : index
        %parallel_loop3A_199 = tpu.vector_load %arg12[%parallel_loop3A_197, %parallel_loop3A_198] {strides = array<i32>} : memref<128x64xf32, #tpu.memory_space<vmem>>, vector<16xf32>,
        tpu.vector_store %arg12[%parallel_loop3A_197, %parallel_loop3A_198], %parallel_loop3A_196 {strides = array<i32>} : memref<128x64xf32, #tpu.memory_space<vmem>>, vector<16xf32>,
      } {sc.loop_unroll_factor = 4 : i64, sc.parallel_access}
      "tpu.region"() ({
        %run_scoped3A_165 = tpu.sem_alloc : memref<!tpu.dma_semaphore, #tpu.memory_space<semaphore_mem>>
        %dma_start3A_166 = arith.constant 0 : i32
        %dma_start3A_167 = tpu.memref_slice %arg10[%add3A_119, %dma_start3A_166] : memref<158x128xi32, #tpu.memory_space<vmem>> -> memref<1x128xi32, #tpu.memory_space<vmem>>
        %dma_start3A_168 = tpu.memref_squeeze %dma_start3A_167 : memref<1x128xi32, #tpu.memory_space<vmem>> -> memref<128xi32, #tpu.memory_space<vmem>>
        %dma_start3A_169 = arith.constant 0 : i32
        %dma_start3A_170 = arith.constant 0 : i32
        %dma_start3A_171 = tpu.memref_slice %arg14[%dma_start3A_169, %dma_start3A_170] : memref<10240x64xf32, #tpu.memory_space<vmem_shared>> -> memref<10240x64xf32, #tpu.memory_space<vmem_shared>>
        tpu.enqueue_indirect_dma source(%arg12 : memref<128x64xf32, #tpu.memory_space<vmem>>) target(%dma_start3A_171 : memref<10240x64xf32, #tpu.memory_space<vmem_shared>>) offsets(%dma_start3A_168 : memref<128xi32, #tpu.memory_space<vmem>>) semaphore(%run_scoped3A_165 : memref<!tpu.dma_semaphore, #tpu.memory_space<semaphore_mem>>) {add = true}
        %dma_wait3A_172 = arith.constant 0 : i32
        %dma_wait3A_173 = tpu.memref_slice %arg10[%add3A_119, %dma_wait3A_172] : memref<158x128xi32, #tpu.memory_space<vmem>> -> memref<1x128xi32, #tpu.memory_space<vmem>>
        %dma_wait3A_174 = tpu.memref_squeeze %dma_wait3A_173 : memref<1x128xi32, #tpu.memory_space<vmem>> -> memref<128xi32, #tpu.memory_space<vmem>>
        %dma_wait3A_175 = arith.constant 0 : i32
        %dma_wait3A_176 = arith.constant 0 : i32
        %dma_wait3A_177 = tpu.memref_slice %arg14[%dma_wait3A_175, %dma_wait3A_176] : memref<10240x64xf32, #tpu.memory_space<vmem_shared>> -> memref<10240x64xf32, #tpu.memory_space<vmem_shared>>
        tpu.wait_indirect_dma semaphore(%run_scoped3A_165 : memref<!tpu.dma_semaphore, #tpu.memory_space<semaphore_mem>>) src(%arg12 : memref<128x64xf32, #tpu.memory_space<vmem>>) dst(%dma_wait3A_177 : memref<10240x64xf32, #tpu.memory_space<vmem_shared>>)
        tpu.yield
      }) : () -> ()
      %convert_element_type3A_137 = arith.extui %eq3A_87 : i1 to i32
      %cond3A_138 = arith.constant 0 : i32
      %cond3A_139 = arith.cmpi ne, %convert_element_type3A_137, %cond3A_138 : i32
      scf.if %cond3A_139 {
        %run_scoped3A_165 = arith.constant 0 : i32
        "tpu.region"() ({
          %run_scoped3A_166 = tpu.sem_alloc : memref<!tpu.dma_semaphore, #tpu.memory_space<semaphore_mem>>
          %dma_start3A_167 = arith.constant 0 : i32
          %dma_start3A_168 = tpu.memref_slice %arg11[%run_scoped3A_165, %dma_start3A_167] : memref<2x128xf32, #tpu.memory_space<vmem>> -> memref<1x128xf32, #tpu.memory_space<vmem>>
          %dma_start3A_169 = tpu.memref_squeeze %dma_start3A_168 : memref<1x128xf32, #tpu.memory_space<vmem>> -> memref<128xf32, #tpu.memory_space<vmem>>
          %dma_start3A_170 = arith.constant 0 : i32
          %dma_start3A_171 = tpu.memref_slice %arg10[%add3A_119, %dma_start3A_170] : memref<158x128xi32, #tpu.memory_space<vmem>> -> memref<1x128xi32, #tpu.memory_space<vmem>>
          %dma_start3A_172 = tpu.memref_squeeze %dma_start3A_171 : memref<1x128xi32, #tpu.memory_space<vmem>> -> memref<128xi32, #tpu.memory_space<vmem>>
          %dma_start3A_173 = arith.constant 0 : i32
          %dma_start3A_174 = tpu.memref_slice %arg15[%dma_start3A_173] : memref<10240xf32, #tpu.memory_space<vmem_shared>> -> memref<10240xf32, #tpu.memory_space<vmem_shared>>
          tpu.enqueue_indirect_dma source(%dma_start3A_169 : memref<128xf32, #tpu.memory_space<vmem>>) target(%dma_start3A_174 : memref<10240xf32, #tpu.memory_space<vmem_shared>>) offsets(%dma_start3A_172 : memref<128xi32, #tpu.memory_space<vmem>>) semaphore(%run_scoped3A_166 : memref<!tpu.dma_semaphore, #tpu.memory_space<semaphore_mem>>) {add = true}
          %dma_wait3A_175 = arith.constant 0 : i32
          %dma_wait3A_176 = tpu.memref_slice %arg11[%run_scoped3A_165, %dma_wait3A_175] : memref<2x128xf32, #tpu.memory_space<vmem>> -> memref<1x128xf32, #tpu.memory_space<vmem>>
          %dma_wait3A_177 = tpu.memref_squeeze %dma_wait3A_176 : memref<1x128xf32, #tpu.memory_space<vmem>> -> memref<128xf32, #tpu.memory_space<vmem>>
          %dma_wait3A_178 = arith.constant 0 : i32
          %dma_wait3A_179 = tpu.memref_slice %arg10[%add3A_119, %dma_wait3A_178] : memref<158x128xi32, #tpu.memory_space<vmem>> -> memref<1x128xi32, #tpu.memory_space<vmem>>
          %dma_wait3A_180 = tpu.memref_squeeze %dma_wait3A_179 : memref<1x128xi32, #tpu.memory_space<vmem>> -> memref<128xi32, #tpu.memory_space<vmem>>
          %dma_wait3A_181 = arith.constant 0 : i32
          %dma_wait3A_182 = tpu.memref_slice %arg15[%dma_wait3A_181] : memref<10240xf32, #tpu.memory_space<vmem_shared>> -> memref<10240xf32, #tpu.memory_space<vmem_shared>>
          tpu.wait_indirect_dma semaphore(%run_scoped3A_166 : memref<!tpu.dma_semaphore, #tpu.memory_space<semaphore_mem>>) src(%dma_wait3A_177 : memref<128xf32, #tpu.memory_space<vmem>>) dst(%dma_wait3A_182 : memref<10240xf32, #tpu.memory_space<vmem_shared>>)
          tpu.yield
        }) : () -> ()
      } else {
      }
      %add3A_140 = arith.constant 1 : i32
      %add3A_141 = arith.addi %mul3A_117, %add3A_140 : i32
      %add3A_142 = arith.constant 1 : i32
      %add3A_143 = arith.addi %add3A_141, %add3A_142 : i32
      %lt3A_144 = arith.constant 158 : i32
      %lt3A_145 = arith.cmpi slt, %add3A_143, %lt3A_144 : i32
      %convert_element_type3A_146 = arith.extui %lt3A_145 : i1 to i32
      %cond3A_147 = arith.constant 0 : i32
      %cond3A_148 = arith.cmpi ne, %convert_element_type3A_146, %cond3A_147 : i32
      scf.if %cond3A_148 {
        %add3A_165 = arith.constant 1 : i32
        %add3A_166 = arith.addi %add3A_141, %add3A_165 : i32
        %mul3A_167 = arith.constant 128 : i32
        %mul3A_168 = arith.muli %add3A_166, %mul3A_167 : i32
        %dma_start3A_169 = tpu.memref_slice %arg9[%mul3A_168] : memref<20224xi32, #tpu.memory_space<vmem>> -> memref<128xi32, #tpu.memory_space<vmem>>
        %dma_start3A_170 = arith.constant 0 : i32
        %dma_start3A_171 = arith.constant 0 : i32
        %dma_start3A_172 = tpu.memref_slice %arg2[%dma_start3A_170, %dma_start3A_171] : memref<20000x64xf32, #tpu.memory_space<hbm>> -> memref<20000x64xf32, #tpu.memory_space<hbm>>
        tpu.enqueue_indirect_dma source(%dma_start3A_172 : memref<20000x64xf32, #tpu.memory_space<hbm>>) target(%arg12 : memref<128x64xf32, #tpu.memory_space<vmem>>) offsets(%dma_start3A_169 : memref<128xi32, #tpu.memory_space<vmem>>) semaphore(%arg16 : memref<!tpu.dma_semaphore, #tpu.memory_space<semaphore_mem>>)
      } else {
      }
      %parallel_loop3A_149 = arith.constant 0 : i32
      %parallel_loop3A_150 = arith.constant 8 : i32
      %parallel_loop3A_151 = arith.constant 1 : i32
      scf.for %parallel_loop3A_165 = %parallel_loop3A_149 to %parallel_loop3A_150 step %parallel_loop3A_151  : i32 {
        %parallel_loop3A_166 = arith.constant 128 : i32
        %parallel_loop3A_167 = arith.muli %add3A_141, %parallel_loop3A_166 : i32
        %parallel_loop3A_168 = arith.constant 16 : i32
        %parallel_loop3A_169 = arith.muli %parallel_loop3A_165, %parallel_loop3A_168 : i32
        %parallel_loop3A_170 = arith.addi %parallel_loop3A_167, %parallel_loop3A_169 : i32
        %parallel_loop3A_171 = arith.index_cast %parallel_loop3A_170 : i32 to index
        %parallel_loop3A_172 = tpu.vector_load %arg9[%parallel_loop3A_171] {strides = array<i32>} : memref<20224xi32, #tpu.memory_space<vmem>>, vector<16xi32>,
        %parallel_loop3A_173 = arith.subi %parallel_loop3A_172, %add3A_95 : vector<16xi32>
        %parallel_loop3A_174 = arith.constant 16 : i32
        %parallel_loop3A_175 = arith.muli %parallel_loop3A_165, %parallel_loop3A_174 : i32
        %parallel_loop3A_176 = arith.index_cast %add3A_141 : i32 to index
        %parallel_loop3A_177 = arith.index_cast %parallel_loop3A_175 : i32 to index
        %parallel_loop3A_178 = tpu.vector_load %arg10[%parallel_loop3A_176, %parallel_loop3A_177] {strides = array<i32>} : memref<158x128xi32, #tpu.memory_space<vmem>>, vector<16xi32>,
        %parallel_loop3A_179 = arith.constant 2 : i32
        %parallel_loop3A_180 = vector.broadcast %parallel_loop3A_179 : i32 to vector<16xi32>
        %parallel_loop3A_181 = arith.muli %parallel_loop3A_173, %parallel_loop3A_180 : vector<16xi32>
        %parallel_loop3A_182 = tpu.vector_load_idx %arg8[%parallel_loop3A_181] : memref<20000xf32, #tpu.memory_space<vmem>>[vector<16xi32>], vector<16xf32>,
        %parallel_loop3A_183 = arith.constant 2 : i32
        %parallel_loop3A_184 = vector.broadcast %parallel_loop3A_183 : i32 to vector<16xi32>
        %parallel_loop3A_185 = arith.muli %parallel_loop3A_178, %parallel_loop3A_184 : vector<16xi32>
        %parallel_loop3A_186 = arith.constant 1 : i32
        %parallel_loop3A_187 = vector.broadcast %parallel_loop3A_186 : i32 to vector<16xi32>
        %parallel_loop3A_188 = arith.addi %parallel_loop3A_185, %parallel_loop3A_187 : vector<16xi32>
        %parallel_loop3A_189 = tpu.vector_load_idx %arg8[%parallel_loop3A_188] : memref<20000xf32, #tpu.memory_space<vmem>>[vector<16xi32>], vector<16xf32>,
        %parallel_loop3A_190 = arith.addf %parallel_loop3A_182, %parallel_loop3A_189 : vector<16xf32>
        %parallel_loop3A_191 = arith.constant 0.000000e+00 : f32
        %parallel_loop3A_192 = vector.broadcast %parallel_loop3A_191 : f32 to vector<16xf32>
        %parallel_loop3A_193 = arith.cmpf ogt, %parallel_loop3A_190, %parallel_loop3A_192 : vector<16xf32>
        %parallel_loop3A_194 = arith.constant 2.000000e-01 : f32
        %parallel_loop3A_195 = vector.broadcast %parallel_loop3A_194 : f32 to vector<16xf32>
        %parallel_loop3A_196 = arith.mulf %parallel_loop3A_195, %parallel_loop3A_190 : vector<16xf32>
        %parallel_loop3A_197 = arith.select %parallel_loop3A_193, %parallel_loop3A_190, %parallel_loop3A_196 : vector<16xi1>, vector<16xf32>
        %parallel_loop3A_198 = math.exp %parallel_loop3A_197 : vector<16xf32>
        %parallel_loop3A_199 = arith.constant 128 : i32
        %parallel_loop3A_200 = arith.muli %add3A_141, %parallel_loop3A_199 : i32
        %parallel_loop3A_201 = arith.addi %mul3A_89, %parallel_loop3A_200 : i32
        %parallel_loop3A_202 = arith.constant 16 : i32
        %parallel_loop3A_203 = arith.muli %parallel_loop3A_165, %parallel_loop3A_202 : i32
        %parallel_loop3A_204 = arith.addi %parallel_loop3A_201, %parallel_loop3A_203 : i32
        %parallel_loop3A_205 = tpu.iota {dimensions = array<i32: 0>} : vector<16xi32>
        %parallel_loop3A_206 = vector.broadcast %parallel_loop3A_204 : i32 to vector<16xi32>
        %parallel_loop3A_207 = arith.addi %parallel_loop3A_206, %parallel_loop3A_205 : vector<16xi32>
        %parallel_loop3A_208 = arith.constant 320000 : i32
        %parallel_loop3A_209 = vector.broadcast %parallel_loop3A_208 : i32 to vector<16xi32>
        %parallel_loop3A_210 = arith.cmpi slt, %parallel_loop3A_207, %parallel_loop3A_209 : vector<16xi32>
        %parallel_loop3A_211 = arith.constant 0.000000e+00 : f32
        %parallel_loop3A_212 = vector.broadcast %parallel_loop3A_211 : f32 to vector<16xf32>
        %parallel_loop3A_213 = arith.select %parallel_loop3A_210, %parallel_loop3A_198, %parallel_loop3A_212 : vector<16xi1>, vector<16xf32>
        %parallel_loop3A_214 = arith.constant 16 : i32
        %parallel_loop3A_215 = arith.muli %parallel_loop3A_165, %parallel_loop3A_214 : i32
        %parallel_loop3A_216 = arith.constant 1 : i32
        %parallel_loop3A_217 = arith.index_cast %parallel_loop3A_216 : i32 to index
        %parallel_loop3A_218 = arith.index_cast %parallel_loop3A_215 : i32 to index
        %parallel_loop3A_219 = tpu.vector_load %arg11[%parallel_loop3A_217, %parallel_loop3A_218] {strides = array<i32>} : memref<2x128xf32, #tpu.memory_space<vmem>>, vector<16xf32>,
        tpu.vector_store %arg11[%parallel_loop3A_217, %parallel_loop3A_218], %parallel_loop3A_213 {strides = array<i32>} : memref<2x128xf32, #tpu.memory_space<vmem>>, vector<16xf32>,
      } {sc.loop_unroll_factor = 4 : i64, sc.parallel_access}
      %mul3A_152 = arith.constant 128 : i32
      %mul3A_153 = arith.muli %add3A_141, %mul3A_152 : i32
      %dma_wait3A_154 = tpu.memref_slice %arg9[%mul3A_153] : memref<20224xi32, #tpu.memory_space<vmem>> -> memref<128xi32, #tpu.memory_space<vmem>>
      %dma_wait3A_155 = arith.constant 0 : i32
      %dma_wait3A_156 = arith.constant 0 : i32
      %dma_wait3A_157 = tpu.memref_slice %arg2[%dma_wait3A_155, %dma_wait3A_156] : memref<20000x64xf32, #tpu.memory_space<hbm>> -> memref<20000x64xf32, #tpu.memory_space<hbm>>
      tpu.wait_indirect_dma semaphore(%arg17 : memref<!tpu.dma_semaphore, #tpu.memory_space<semaphore_mem>>) src(%dma_wait3A_157 : memref<20000x64xf32, #tpu.memory_space<hbm>>) dst(%arg13 : memref<128x64xf32, #tpu.memory_space<vmem>>)
      %parallel_loop3A_158 = arith.constant 0 : i32
      %parallel_loop3A_159 = arith.constant 128 : i32
      %parallel_loop3A_160 = arith.constant 1 : i32
      scf.for %parallel_loop3A_165 = %parallel_loop3A_158 to %parallel_loop3A_159 step %parallel_loop3A_160  : i32 {
        %parallel_loop3A_166 = arith.constant 1 : i32
        %parallel_loop3A_167 = vector.broadcast %parallel_loop3A_166 : i32 to vector<16xi32>
        %parallel_loop3A_168 = arith.addi %broadcast_in_dim3A_93, %parallel_loop3A_167 : vector<16xi32>
        %parallel_loop3A_169 = vector.broadcast %parallel_loop3A_165 : i32 to vector<16xi32>
        %parallel_loop3A_170 = arith.addi %broadcast_in_dim3A_93, %parallel_loop3A_169 : vector<16xi32>
        %parallel_loop3A_171 = tpu.vector_load_idx %arg11[%parallel_loop3A_168, %parallel_loop3A_170] : memref<2x128xf32, #tpu.memory_space<vmem>>[vector<16xi32>, vector<16xi32>], vector<16xf32>,
        %parallel_loop3A_172 = arith.index_cast %parallel_loop3A_165 : i32 to index
        %parallel_loop3A_173 = arith.constant 0 : index
        %parallel_loop3A_174 = tpu.vector_load %arg13[%parallel_loop3A_172, %parallel_loop3A_173] {strides = array<i32>} : memref<128x64xf32, #tpu.memory_space<vmem>>, vector<16xf32>,
        %parallel_loop3A_175 = arith.mulf %parallel_loop3A_174, %parallel_loop3A_171 : vector<16xf32>
        %parallel_loop3A_176 = arith.index_cast %parallel_loop3A_165 : i32 to index
        %parallel_loop3A_177 = arith.constant 0 : index
        %parallel_loop3A_178 = tpu.vector_load %arg13[%parallel_loop3A_176, %parallel_loop3A_177] {strides = array<i32>} : memref<128x64xf32, #tpu.memory_space<vmem>>, vector<16xf32>,
        tpu.vector_store %arg13[%parallel_loop3A_176, %parallel_loop3A_177], %parallel_loop3A_175 {strides = array<i32>} : memref<128x64xf32, #tpu.memory_space<vmem>>, vector<16xf32>,
        %parallel_loop3A_179 = arith.index_cast %parallel_loop3A_165 : i32 to index
        %parallel_loop3A_180 = arith.constant 16 : index
        %parallel_loop3A_181 = tpu.vector_load %arg13[%parallel_loop3A_179, %parallel_loop3A_180] {strides = array<i32>} : memref<128x64xf32, #tpu.memory_space<vmem>>, vector<16xf32>,
        %parallel_loop3A_182 = arith.mulf %parallel_loop3A_181, %parallel_loop3A_171 : vector<16xf32>
        %parallel_loop3A_183 = arith.index_cast %parallel_loop3A_165 : i32 to index
        %parallel_loop3A_184 = arith.constant 16 : index
        %parallel_loop3A_185 = tpu.vector_load %arg13[%parallel_loop3A_183, %parallel_loop3A_184] {strides = array<i32>} : memref<128x64xf32, #tpu.memory_space<vmem>>, vector<16xf32>,
        tpu.vector_store %arg13[%parallel_loop3A_183, %parallel_loop3A_184], %parallel_loop3A_182 {strides = array<i32>} : memref<128x64xf32, #tpu.memory_space<vmem>>, vector<16xf32>,
        %parallel_loop3A_186 = arith.index_cast %parallel_loop3A_165 : i32 to index
        %parallel_loop3A_187 = arith.constant 32 : index
        %parallel_loop3A_188 = tpu.vector_load %arg13[%parallel_loop3A_186, %parallel_loop3A_187] {strides = array<i32>} : memref<128x64xf32, #tpu.memory_space<vmem>>, vector<16xf32>,
        %parallel_loop3A_189 = arith.mulf %parallel_loop3A_188, %parallel_loop3A_171 : vector<16xf32>
        %parallel_loop3A_190 = arith.index_cast %parallel_loop3A_165 : i32 to index
        %parallel_loop3A_191 = arith.constant 32 : index
        %parallel_loop3A_192 = tpu.vector_load %arg13[%parallel_loop3A_190, %parallel_loop3A_191] {strides = array<i32>} : memref<128x64xf32, #tpu.memory_space<vmem>>, vector<16xf32>,
        tpu.vector_store %arg13[%parallel_loop3A_190, %parallel_loop3A_191], %parallel_loop3A_189 {strides = array<i32>} : memref<128x64xf32, #tpu.memory_space<vmem>>, vector<16xf32>,
        %parallel_loop3A_193 = arith.index_cast %parallel_loop3A_165 : i32 to index
        %parallel_loop3A_194 = arith.constant 48 : index
        %parallel_loop3A_195 = tpu.vector_load %arg13[%parallel_loop3A_193, %parallel_loop3A_194] {strides = array<i32>} : memref<128x64xf32, #tpu.memory_space<vmem>>, vector<16xf32>,
        %parallel_loop3A_196 = arith.mulf %parallel_loop3A_195, %parallel_loop3A_171 : vector<16xf32>
        %parallel_loop3A_197 = arith.index_cast %parallel_loop3A_165 : i32 to index
        %parallel_loop3A_198 = arith.constant 48 : index
        %parallel_loop3A_199 = tpu.vector_load %arg13[%parallel_loop3A_197, %parallel_loop3A_198] {strides = array<i32>} : memref<128x64xf32, #tpu.memory_space<vmem>>, vector<16xf32>,
        tpu.vector_store %arg13[%parallel_loop3A_197, %parallel_loop3A_198], %parallel_loop3A_196 {strides = array<i32>} : memref<128x64xf32, #tpu.memory_space<vmem>>, vector<16xf32>,
      } {sc.loop_unroll_factor = 4 : i64, sc.parallel_access}
      "tpu.region"() ({
        %run_scoped3A_165 = tpu.sem_alloc : memref<!tpu.dma_semaphore, #tpu.memory_space<semaphore_mem>>
        %dma_start3A_166 = arith.constant 0 : i32
        %dma_start3A_167 = tpu.memref_slice %arg10[%add3A_141, %dma_start3A_166] : memref<158x128xi32, #tpu.memory_space<vmem>> -> memref<1x128xi32, #tpu.memory_space<vmem>>
        %dma_start3A_168 = tpu.memref_squeeze %dma_start3A_167 : memref<1x128xi32, #tpu.memory_space<vmem>> -> memref<128xi32, #tpu.memory_space<vmem>>
        %dma_start3A_169 = arith.constant 0 : i32
        %dma_start3A_170 = arith.constant 0 : i32
        %dma_start3A_171 = tpu.memref_slice %arg14[%dma_start3A_169, %dma_start3A_170] : memref<10240x64xf32, #tpu.memory_space<vmem_shared>> -> memref<10240x64xf32, #tpu.memory_space<vmem_shared>>
        tpu.enqueue_indirect_dma source(%arg13 : memref<128x64xf32, #tpu.memory_space<vmem>>) target(%dma_start3A_171 : memref<10240x64xf32, #tpu.memory_space<vmem_shared>>) offsets(%dma_start3A_168 : memref<128xi32, #tpu.memory_space<vmem>>) semaphore(%run_scoped3A_165 : memref<!tpu.dma_semaphore, #tpu.memory_space<semaphore_mem>>) {add = true}
        %dma_wait3A_172 = arith.constant 0 : i32
        %dma_wait3A_173 = tpu.memref_slice %arg10[%add3A_141, %dma_wait3A_172] : memref<158x128xi32, #tpu.memory_space<vmem>> -> memref<1x128xi32, #tpu.memory_space<vmem>>
        %dma_wait3A_174 = tpu.memref_squeeze %dma_wait3A_173 : memref<1x128xi32, #tpu.memory_space<vmem>> -> memref<128xi32, #tpu.memory_space<vmem>>
        %dma_wait3A_175 = arith.constant 0 : i32
        %dma_wait3A_176 = arith.constant 0 : i32
        %dma_wait3A_177 = tpu.memref_slice %arg14[%dma_wait3A_175, %dma_wait3A_176] : memref<10240x64xf32, #tpu.memory_space<vmem_shared>> -> memref<10240x64xf32, #tpu.memory_space<vmem_shared>>
        tpu.wait_indirect_dma semaphore(%run_scoped3A_165 : memref<!tpu.dma_semaphore, #tpu.memory_space<semaphore_mem>>) src(%arg13 : memref<128x64xf32, #tpu.memory_space<vmem>>) dst(%dma_wait3A_177 : memref<10240x64xf32, #tpu.memory_space<vmem_shared>>)
        tpu.yield
      }) : () -> ()
      %convert_element_type3A_161 = arith.extui %eq3A_87 : i1 to i32
      %cond3A_162 = arith.constant 0 : i32
      %cond3A_163 = arith.cmpi ne, %convert_element_type3A_161, %cond3A_162 : i32
      scf.if %cond3A_163 {
        %run_scoped3A_165 = arith.constant 1 : i32
        "tpu.region"() ({
          %run_scoped3A_166 = tpu.sem_alloc : memref<!tpu.dma_semaphore, #tpu.memory_space<semaphore_mem>>
          %dma_start3A_167 = arith.constant 0 : i32
          %dma_start3A_168 = tpu.memref_slice %arg11[%run_scoped3A_165, %dma_start3A_167] : memref<2x128xf32, #tpu.memory_space<vmem>> -> memref<1x128xf32, #tpu.memory_space<vmem>>
          %dma_start3A_169 = tpu.memref_squeeze %dma_start3A_168 : memref<1x128xf32, #tpu.memory_space<vmem>> -> memref<128xf32, #tpu.memory_space<vmem>>
          %dma_start3A_170 = arith.constant 0 : i32
          %dma_start3A_171 = tpu.memref_slice %arg10[%add3A_141, %dma_start3A_170] : memref<158x128xi32, #tpu.memory_space<vmem>> -> memref<1x128xi32, #tpu.memory_space<vmem>>
          %dma_start3A_172 = tpu.memref_squeeze %dma_start3A_171 : memref<1x128xi32, #tpu.memory_space<vmem>> -> memref<128xi32, #tpu.memory_space<vmem>>
          %dma_start3A_173 = arith.constant 0 : i32
          %dma_start3A_174 = tpu.memref_slice %arg15[%dma_start3A_173] : memref<10240xf32, #tpu.memory_space<vmem_shared>> -> memref<10240xf32, #tpu.memory_space<vmem_shared>>
          tpu.enqueue_indirect_dma source(%dma_start3A_169 : memref<128xf32, #tpu.memory_space<vmem>>) target(%dma_start3A_174 : memref<10240xf32, #tpu.memory_space<vmem_shared>>) offsets(%dma_start3A_172 : memref<128xi32, #tpu.memory_space<vmem>>) semaphore(%run_scoped3A_166 : memref<!tpu.dma_semaphore, #tpu.memory_space<semaphore_mem>>) {add = true}
          %dma_wait3A_175 = arith.constant 0 : i32
          %dma_wait3A_176 = tpu.memref_slice %arg11[%run_scoped3A_165, %dma_wait3A_175] : memref<2x128xf32, #tpu.memory_space<vmem>> -> memref<1x128xf32, #tpu.memory_space<vmem>>
          %dma_wait3A_177 = tpu.memref_squeeze %dma_wait3A_176 : memref<1x128xf32, #tpu.memory_space<vmem>> -> memref<128xf32, #tpu.memory_space<vmem>>
          %dma_wait3A_178 = arith.constant 0 : i32
          %dma_wait3A_179 = tpu.memref_slice %arg10[%add3A_141, %dma_wait3A_178] : memref<158x128xi32, #tpu.memory_space<vmem>> -> memref<1x128xi32, #tpu.memory_space<vmem>>
          %dma_wait3A_180 = tpu.memref_squeeze %dma_wait3A_179 : memref<1x128xi32, #tpu.memory_space<vmem>> -> memref<128xi32, #tpu.memory_space<vmem>>
          %dma_wait3A_181 = arith.constant 0 : i32
          %dma_wait3A_182 = tpu.memref_slice %arg15[%dma_wait3A_181] : memref<10240xf32, #tpu.memory_space<vmem_shared>> -> memref<10240xf32, #tpu.memory_space<vmem_shared>>
          tpu.wait_indirect_dma semaphore(%run_scoped3A_166 : memref<!tpu.dma_semaphore, #tpu.memory_space<semaphore_mem>>) src(%dma_wait3A_177 : memref<128xf32, #tpu.memory_space<vmem>>) dst(%dma_wait3A_182 : memref<10240xf32, #tpu.memory_space<vmem_shared>>)
          tpu.yield
        }) : () -> ()
      } else {
      }
      %scan3A_164 = arith.constant 0 : i32
      scf.yield %scan3A_164 : i32
    }
    %scan3A_105 = arith.constant 79 : i32
    %barrier3A_106 = arith.constant 0 : index
    tpu.barrier barrier_id(%barrier3A_106)
    %mul3A_107 = arith.constant 640 : i32
    %mul3A_108 = arith.muli %arg1, %mul3A_107 : i32
    %mul3A_109 = arith.constant 640 : i32
    %mul3A_110 = arith.muli %arg1, %mul3A_109 : i32
    "tpu.region"() ({
      %run_scoped3A_114 = tpu.sem_alloc : memref<!tpu.dma_semaphore, #tpu.memory_space<semaphore_mem>>
      %dma_start3A_115 = arith.constant 0 : i32
      %dma_start3A_116 = tpu.memref_slice %arg6[%arg0, %mul3A_110, %dma_start3A_115] : memref<2x10240x64xf32, #tpu.memory_space<hbm>> -> memref<1x640x64xf32, #tpu.memory_space<hbm>>
      %dma_start3A_117 = tpu.memref_squeeze %dma_start3A_116 : memref<1x640x64xf32, #tpu.memory_space<hbm>> -> memref<640x64xf32, #tpu.memory_space<hbm>>
      %dma_start3A_118 = arith.constant 0 : i32
      %dma_start3A_119 = tpu.memref_slice %arg14[%mul3A_108, %dma_start3A_118] : memref<10240x64xf32, #tpu.memory_space<vmem_shared>> -> memref<640x64xf32, #tpu.memory_space<vmem_shared>>
      tpu.enqueue_dma source(%dma_start3A_119 : memref<640x64xf32, #tpu.memory_space<vmem_shared>>) target(%dma_start3A_117 : memref<640x64xf32, #tpu.memory_space<hbm>>) target_semaphore(%run_scoped3A_114 : memref<!tpu.dma_semaphore, #tpu.memory_space<semaphore_mem>>)
      %dma_wait3A = arith.constant 0 : i32
      %dma_wait3A_120 = tpu.memref_slice %arg6[%arg0, %mul3A_110, %dma_wait3A] : memref<2x10240x64xf32, #tpu.memory_space<hbm>> -> memref<1x640x64xf32, #tpu.memory_space<hbm>>
      %dma_wait3A_121 = tpu.memref_squeeze %dma_wait3A_120 : memref<1x640x64xf32, #tpu.memory_space<hbm>> -> memref<640x64xf32, #tpu.memory_space<hbm>>
      %dma_wait3A_122 = arith.constant 0 : i32
      %dma_wait3A_123 = tpu.memref_slice %arg14[%mul3A_108, %dma_wait3A_122] : memref<10240x64xf32, #tpu.memory_space<vmem_shared>> -> memref<640x64xf32, #tpu.memory_space<vmem_shared>>
      tpu.wait_dma2 semaphore(%run_scoped3A_114 : memref<!tpu.dma_semaphore, #tpu.memory_space<semaphore_mem>>) src(%dma_wait3A_123 : memref<640x64xf32, #tpu.memory_space<vmem_shared>>) dst(%dma_wait3A_121 : memref<640x64xf32, #tpu.memory_space<hbm>>)
      tpu.yield
    }) : () -> ()
    %eq3A_111 = arith.constant 0 : i32
    %eq3A_112 = arith.cmpi eq, %arg0, %eq3A_111 : i32
    %convert_element_type3A = arith.extui %eq3A_112 : i1 to i32
    %cond3A = arith.constant 0 : i32
    %cond3A_113 = arith.cmpi ne, %convert_element_type3A, %cond3A : i32
    scf.if %cond3A_113 {
      %mul3A_114 = arith.constant 640 : i32
      %mul3A_115 = arith.muli %arg1, %mul3A_114 : i32
      %mul3A_116 = arith.constant 640 : i32
      %mul3A_117 = arith.muli %arg1, %mul3A_116 : i32
      "tpu.region"() ({
        %run_scoped3A_118 = tpu.sem_alloc : memref<!tpu.dma_semaphore, #tpu.memory_space<semaphore_mem>>
        %dma_start3A_119 = tpu.memref_slice %arg7[%mul3A_117] : memref<10240xf32, #tpu.memory_space<hbm>> -> memref<640xf32, #tpu.memory_space<hbm>>
        %dma_start3A_120 = tpu.memref_slice %arg15[%mul3A_115] : memref<10240xf32, #tpu.memory_space<vmem_shared>> -> memref<640xf32, #tpu.memory_space<vmem_shared>>
        tpu.enqueue_dma source(%dma_start3A_120 : memref<640xf32, #tpu.memory_space<vmem_shared>>) target(%dma_start3A_119 : memref<640xf32, #tpu.memory_space<hbm>>) target_semaphore(%run_scoped3A_118 : memref<!tpu.dma_semaphore, #tpu.memory_space<semaphore_mem>>)
        %dma_wait3A = tpu.memref_slice %arg7[%mul3A_117] : memref<10240xf32, #tpu.memory_space<hbm>> -> memref<640xf32, #tpu.memory_space<hbm>>
        %dma_wait3A_121 = tpu.memref_slice %arg15[%mul3A_115] : memref<10240xf32, #tpu.memory_space<vmem_shared>> -> memref<640xf32, #tpu.memory_space<vmem_shared>>
        tpu.wait_dma2 semaphore(%run_scoped3A_118 : memref<!tpu.dma_semaphore, #tpu.memory_space<semaphore_mem>>) src(%dma_wait3A_121 : memref<640xf32, #tpu.memory_space<vmem_shared>>) dst(%dma_wait3A : memref<640xf32, #tpu.memory_space<hbm>>)
        tpu.yield
      }) : () -> ()
    } else {
    }
    return
  }
}

#map = affine_map<(d0, d1) -> (0, 0)>
#map1 = affine_map<(d0, d1) -> (0)>
#map2 = affine_map<(d0, d1) -> (0, 0, 0)>
module attributes {stable_mosaic.version = 14 : i64} {
  func.func @body(%arg0: i32, %arg1: i32, %arg2: memref<10000x48xf32, #tpu.memory_space<hbm>>, %arg3: memref<20000xf32, #tpu.memory_space<hbm>>, %arg4: memref<327680xi32, #tpu.memory_space<hbm>>, %arg5: memref<32x80x128xi32, #tpu.memory_space<hbm>>, %arg6: memref<2x10240x48xf32, #tpu.memory_space<hbm>>, %arg7: memref<2x10240xf32, #tpu.memory_space<hbm>>, %arg8: memref<20000xf32, #tpu.memory_space<vmem>>, %arg9: memref<10240xi32, #tpu.memory_space<vmem>>, %arg10: memref<80x128xi32, #tpu.memory_space<vmem>>, %arg11: memref<2x128xf32, #tpu.memory_space<vmem>>, %arg12: memref<128x48xf32, #tpu.memory_space<vmem>>, %arg13: memref<128x48xf32, #tpu.memory_space<vmem>>, %arg14: memref<10240x48xf32, #tpu.memory_space<vmem_shared>>, %arg15: memref<10240xf32, #tpu.memory_space<vmem_shared>>, %arg16: memref<!tpu.dma_semaphore, #tpu.memory_space<semaphore_mem>>, %arg17: memref<!tpu.dma_semaphore, #tpu.memory_space<semaphore_mem>>) attributes {dimension_semantics = [#tpu.dimension_semantics<core_parallel>, #tpu.dimension_semantics<subcore_parallel>], iteration_bounds = array<i64: 2, 16>, scalar_prefetch = 0 : i64, scratch_operands = 10 : i64, tpu.core_type = #tpu.core_type<sc_vector_subcore>, window_params = [{transform_indices = #map}, {transform_indices = #map1}, {transform_indices = #map1}, {transform_indices = #map2}, {transform_indices = #map2}, {transform_indices = #map}]} {
    %mul3A = arith.constant 2 : i32
    %mul3A_0 = arith.muli %arg1, %mul3A : i32
    %add3A = arith.addi %mul3A_0, %arg0 : i32
    %broadcast_in_dim3A = arith.constant 0.000000e+00 : f32
    %broadcast_in_dim3A_1 = vector.broadcast %broadcast_in_dim3A : f32 to vector<16xf32>
    %parallel_loop3A = arith.constant 0 : i32
    %parallel_loop3A_2 = arith.constant 128 : i32
    %parallel_loop3A_3 = arith.constant 1 : i32
    scf.for %parallel_loop3A_108 = %parallel_loop3A to %parallel_loop3A_2 step %parallel_loop3A_3  : i32 {
      %parallel_loop3A_109 = arith.index_cast %parallel_loop3A_108 : i32 to index
      %parallel_loop3A_110 = arith.constant 0 : index
      %parallel_loop3A_111 = tpu.vector_load %arg12[%parallel_loop3A_109, %parallel_loop3A_110] {strides = array<i32>} : memref<128x48xf32, #tpu.memory_space<vmem>>, vector<16xf32>,
      tpu.vector_store %arg12[%parallel_loop3A_109, %parallel_loop3A_110], %broadcast_in_dim3A_1 {strides = array<i32>} : memref<128x48xf32, #tpu.memory_space<vmem>>, vector<16xf32>,
      %parallel_loop3A_112 = arith.index_cast %parallel_loop3A_108 : i32 to index
      %parallel_loop3A_113 = arith.constant 16 : index
      %parallel_loop3A_114 = tpu.vector_load %arg12[%parallel_loop3A_112, %parallel_loop3A_113] {strides = array<i32>} : memref<128x48xf32, #tpu.memory_space<vmem>>, vector<16xf32>,
      tpu.vector_store %arg12[%parallel_loop3A_112, %parallel_loop3A_113], %broadcast_in_dim3A_1 {strides = array<i32>} : memref<128x48xf32, #tpu.memory_space<vmem>>, vector<16xf32>,
      %parallel_loop3A_115 = arith.index_cast %parallel_loop3A_108 : i32 to index
      %parallel_loop3A_116 = arith.constant 32 : index
      %parallel_loop3A_117 = tpu.vector_load %arg12[%parallel_loop3A_115, %parallel_loop3A_116] {strides = array<i32>} : memref<128x48xf32, #tpu.memory_space<vmem>>, vector<16xf32>,
      tpu.vector_store %arg12[%parallel_loop3A_115, %parallel_loop3A_116], %broadcast_in_dim3A_1 {strides = array<i32>} : memref<128x48xf32, #tpu.memory_space<vmem>>, vector<16xf32>,
    } {sc.loop_unroll_factor = 8 : i64, sc.parallel_access}
    %swap3A = arith.constant 0 : i32
    %swap3A_4 = arith.index_cast %swap3A : i32 to index
    %swap3A_5 = arith.constant 0 : index
    %swap3A_6 = tpu.vector_load %arg11[%swap3A_4, %swap3A_5] {strides = array<i32>} : memref<2x128xf32, #tpu.memory_space<vmem>>, vector<16xf32>,
    tpu.vector_store %arg11[%swap3A_4, %swap3A_5], %broadcast_in_dim3A_1 {strides = array<i32>} : memref<2x128xf32, #tpu.memory_space<vmem>>, vector<16xf32>,
    %swap3A_7 = arith.constant 0 : i32
    %swap3A_8 = arith.index_cast %swap3A_7 : i32 to index
    %swap3A_9 = arith.constant 16 : index
    %swap3A_10 = tpu.vector_load %arg11[%swap3A_8, %swap3A_9] {strides = array<i32>} : memref<2x128xf32, #tpu.memory_space<vmem>>, vector<16xf32>,
    tpu.vector_store %arg11[%swap3A_8, %swap3A_9], %broadcast_in_dim3A_1 {strides = array<i32>} : memref<2x128xf32, #tpu.memory_space<vmem>>, vector<16xf32>,
    %swap3A_11 = arith.constant 0 : i32
    %swap3A_12 = arith.index_cast %swap3A_11 : i32 to index
    %swap3A_13 = arith.constant 32 : index
    %swap3A_14 = tpu.vector_load %arg11[%swap3A_12, %swap3A_13] {strides = array<i32>} : memref<2x128xf32, #tpu.memory_space<vmem>>, vector<16xf32>,
    tpu.vector_store %arg11[%swap3A_12, %swap3A_13], %broadcast_in_dim3A_1 {strides = array<i32>} : memref<2x128xf32, #tpu.memory_space<vmem>>, vector<16xf32>,
    %swap3A_15 = arith.constant 0 : i32
    %swap3A_16 = arith.index_cast %swap3A_15 : i32 to index
    %swap3A_17 = arith.constant 48 : index
    %swap3A_18 = tpu.vector_load %arg11[%swap3A_16, %swap3A_17] {strides = array<i32>} : memref<2x128xf32, #tpu.memory_space<vmem>>, vector<16xf32>,
    tpu.vector_store %arg11[%swap3A_16, %swap3A_17], %broadcast_in_dim3A_1 {strides = array<i32>} : memref<2x128xf32, #tpu.memory_space<vmem>>, vector<16xf32>,
    %swap3A_19 = arith.constant 0 : i32
    %swap3A_20 = arith.index_cast %swap3A_19 : i32 to index
    %swap3A_21 = arith.constant 64 : index
    %swap3A_22 = tpu.vector_load %arg11[%swap3A_20, %swap3A_21] {strides = array<i32>} : memref<2x128xf32, #tpu.memory_space<vmem>>, vector<16xf32>,
    tpu.vector_store %arg11[%swap3A_20, %swap3A_21], %broadcast_in_dim3A_1 {strides = array<i32>} : memref<2x128xf32, #tpu.memory_space<vmem>>, vector<16xf32>,
    %swap3A_23 = arith.constant 0 : i32
    %swap3A_24 = arith.index_cast %swap3A_23 : i32 to index
    %swap3A_25 = arith.constant 80 : index
    %swap3A_26 = tpu.vector_load %arg11[%swap3A_24, %swap3A_25] {strides = array<i32>} : memref<2x128xf32, #tpu.memory_space<vmem>>, vector<16xf32>,
    tpu.vector_store %arg11[%swap3A_24, %swap3A_25], %broadcast_in_dim3A_1 {strides = array<i32>} : memref<2x128xf32, #tpu.memory_space<vmem>>, vector<16xf32>,
    %swap3A_27 = arith.constant 0 : i32
    %swap3A_28 = arith.index_cast %swap3A_27 : i32 to index
    %swap3A_29 = arith.constant 96 : index
    %swap3A_30 = tpu.vector_load %arg11[%swap3A_28, %swap3A_29] {strides = array<i32>} : memref<2x128xf32, #tpu.memory_space<vmem>>, vector<16xf32>,
    tpu.vector_store %arg11[%swap3A_28, %swap3A_29], %broadcast_in_dim3A_1 {strides = array<i32>} : memref<2x128xf32, #tpu.memory_space<vmem>>, vector<16xf32>,
    %swap3A_31 = arith.constant 0 : i32
    %swap3A_32 = arith.index_cast %swap3A_31 : i32 to index
    %swap3A_33 = arith.constant 112 : index
    %swap3A_34 = tpu.vector_load %arg11[%swap3A_32, %swap3A_33] {strides = array<i32>} : memref<2x128xf32, #tpu.memory_space<vmem>>, vector<16xf32>,
    tpu.vector_store %arg11[%swap3A_32, %swap3A_33], %broadcast_in_dim3A_1 {strides = array<i32>} : memref<2x128xf32, #tpu.memory_space<vmem>>, vector<16xf32>,
    %mul3A_35 = arith.constant 640 : i32
    %mul3A_36 = arith.muli %arg1, %mul3A_35 : i32
    %add3A_37 = arith.constant 0 : i32
    %add3A_38 = arith.addi %mul3A_36, %add3A_37 : i32
    "tpu.region"() ({
      %run_scoped3A_108 = tpu.sem_alloc : memref<!tpu.dma_semaphore, #tpu.memory_space<semaphore_mem>>
      %dma_start3A_109 = arith.constant 0 : i32
      %dma_start3A_110 = tpu.memref_slice %arg14[%add3A_38, %dma_start3A_109] : memref<10240x48xf32, #tpu.memory_space<vmem_shared>> -> memref<128x48xf32, #tpu.memory_space<vmem_shared>>
      %dma_start3A_111 = arith.constant 0 : i32
      %dma_start3A_112 = tpu.memref_slice %arg14[%add3A_38, %dma_start3A_111] : memref<10240x48xf32, #tpu.memory_space<vmem_shared>> -> memref<128x48xf32, #tpu.memory_space<vmem_shared>>
      tpu.enqueue_dma source(%arg12 : memref<128x48xf32, #tpu.memory_space<vmem>>) target(%dma_start3A_112 : memref<128x48xf32, #tpu.memory_space<vmem_shared>>) target_semaphore(%run_scoped3A_108 : memref<!tpu.dma_semaphore, #tpu.memory_space<semaphore_mem>>)
      %dma_wait3A = arith.constant 0 : i32
      %dma_wait3A_113 = tpu.memref_slice %arg14[%add3A_38, %dma_wait3A] : memref<10240x48xf32, #tpu.memory_space<vmem_shared>> -> memref<128x48xf32, #tpu.memory_space<vmem_shared>>
      %dma_wait3A_114 = arith.constant 0 : i32
      %dma_wait3A_115 = tpu.memref_slice %arg14[%add3A_38, %dma_wait3A_114] : memref<10240x48xf32, #tpu.memory_space<vmem_shared>> -> memref<128x48xf32, #tpu.memory_space<vmem_shared>>
      tpu.wait_dma2 semaphore(%run_scoped3A_108 : memref<!tpu.dma_semaphore, #tpu.memory_space<semaphore_mem>>) src(%arg12 : memref<128x48xf32, #tpu.memory_space<vmem>>) dst(%dma_wait3A_115 : memref<128x48xf32, #tpu.memory_space<vmem_shared>>)
      tpu.yield
    }) : () -> ()
    %mul3A_39 = arith.constant 640 : i32
    %mul3A_40 = arith.muli %arg1, %mul3A_39 : i32
    %add3A_41 = arith.constant 0 : i32
    %add3A_42 = arith.addi %mul3A_40, %add3A_41 : i32
    %run_scoped3A = arith.constant 0 : i32
    "tpu.region"() ({
      %run_scoped3A_108 = tpu.sem_alloc : memref<!tpu.dma_semaphore, #tpu.memory_space<semaphore_mem>>
      %dma_start3A_109 = arith.constant 0 : i32
      %dma_start3A_110 = tpu.memref_slice %arg11[%run_scoped3A, %dma_start3A_109] : memref<2x128xf32, #tpu.memory_space<vmem>> -> memref<1x128xf32, #tpu.memory_space<vmem>>
      %dma_start3A_111 = tpu.memref_squeeze %dma_start3A_110 : memref<1x128xf32, #tpu.memory_space<vmem>> -> memref<128xf32, #tpu.memory_space<vmem>>
      %dma_start3A_112 = tpu.memref_slice %arg15[%add3A_42] : memref<10240xf32, #tpu.memory_space<vmem_shared>> -> memref<128xf32, #tpu.memory_space<vmem_shared>>
      %dma_start3A_113 = tpu.memref_slice %arg15[%add3A_42] : memref<10240xf32, #tpu.memory_space<vmem_shared>> -> memref<128xf32, #tpu.memory_space<vmem_shared>>
      %dma_start3A_114 = arith.constant 0 : i32
      %dma_start3A_115 = tpu.memref_slice %arg11[%run_scoped3A, %dma_start3A_114] : memref<2x128xf32, #tpu.memory_space<vmem>> -> memref<1x128xf32, #tpu.memory_space<vmem>>
      %dma_start3A_116 = tpu.memref_squeeze %dma_start3A_115 : memref<1x128xf32, #tpu.memory_space<vmem>> -> memref<128xf32, #tpu.memory_space<vmem>>
      tpu.enqueue_dma source(%dma_start3A_116 : memref<128xf32, #tpu.memory_space<vmem>>) target(%dma_start3A_113 : memref<128xf32, #tpu.memory_space<vmem_shared>>) target_semaphore(%run_scoped3A_108 : memref<!tpu.dma_semaphore, #tpu.memory_space<semaphore_mem>>)
      %dma_wait3A = arith.constant 0 : i32
      %dma_wait3A_117 = tpu.memref_slice %arg11[%run_scoped3A, %dma_wait3A] : memref<2x128xf32, #tpu.memory_space<vmem>> -> memref<1x128xf32, #tpu.memory_space<vmem>>
      %dma_wait3A_118 = tpu.memref_squeeze %dma_wait3A_117 : memref<1x128xf32, #tpu.memory_space<vmem>> -> memref<128xf32, #tpu.memory_space<vmem>>
      %dma_wait3A_119 = tpu.memref_slice %arg15[%add3A_42] : memref<10240xf32, #tpu.memory_space<vmem_shared>> -> memref<128xf32, #tpu.memory_space<vmem_shared>>
      %dma_wait3A_120 = tpu.memref_slice %arg15[%add3A_42] : memref<10240xf32, #tpu.memory_space<vmem_shared>> -> memref<128xf32, #tpu.memory_space<vmem_shared>>
      %dma_wait3A_121 = arith.constant 0 : i32
      %dma_wait3A_122 = tpu.memref_slice %arg11[%run_scoped3A, %dma_wait3A_121] : memref<2x128xf32, #tpu.memory_space<vmem>> -> memref<1x128xf32, #tpu.memory_space<vmem>>
      %dma_wait3A_123 = tpu.memref_squeeze %dma_wait3A_122 : memref<1x128xf32, #tpu.memory_space<vmem>> -> memref<128xf32, #tpu.memory_space<vmem>>
      tpu.wait_dma2 semaphore(%run_scoped3A_108 : memref<!tpu.dma_semaphore, #tpu.memory_space<semaphore_mem>>) src(%dma_wait3A_123 : memref<128xf32, #tpu.memory_space<vmem>>) dst(%dma_wait3A_120 : memref<128xf32, #tpu.memory_space<vmem_shared>>)
      tpu.yield
    }) : () -> ()
    %mul3A_43 = arith.constant 640 : i32
    %mul3A_44 = arith.muli %arg1, %mul3A_43 : i32
    %add3A_45 = arith.constant 128 : i32
    %add3A_46 = arith.addi %mul3A_44, %add3A_45 : i32
    "tpu.region"() ({
      %run_scoped3A_108 = tpu.sem_alloc : memref<!tpu.dma_semaphore, #tpu.memory_space<semaphore_mem>>
      %dma_start3A_109 = arith.constant 0 : i32
      %dma_start3A_110 = tpu.memref_slice %arg14[%add3A_46, %dma_start3A_109] : memref<10240x48xf32, #tpu.memory_space<vmem_shared>> -> memref<128x48xf32, #tpu.memory_space<vmem_shared>>
      %dma_start3A_111 = arith.constant 0 : i32
      %dma_start3A_112 = tpu.memref_slice %arg14[%add3A_46, %dma_start3A_111] : memref<10240x48xf32, #tpu.memory_space<vmem_shared>> -> memref<128x48xf32, #tpu.memory_space<vmem_shared>>
      tpu.enqueue_dma source(%arg12 : memref<128x48xf32, #tpu.memory_space<vmem>>) target(%dma_start3A_112 : memref<128x48xf32, #tpu.memory_space<vmem_shared>>) target_semaphore(%run_scoped3A_108 : memref<!tpu.dma_semaphore, #tpu.memory_space<semaphore_mem>>)
      %dma_wait3A = arith.constant 0 : i32
      %dma_wait3A_113 = tpu.memref_slice %arg14[%add3A_46, %dma_wait3A] : memref<10240x48xf32, #tpu.memory_space<vmem_shared>> -> memref<128x48xf32, #tpu.memory_space<vmem_shared>>
      %dma_wait3A_114 = arith.constant 0 : i32
      %dma_wait3A_115 = tpu.memref_slice %arg14[%add3A_46, %dma_wait3A_114] : memref<10240x48xf32, #tpu.memory_space<vmem_shared>> -> memref<128x48xf32, #tpu.memory_space<vmem_shared>>
      tpu.wait_dma2 semaphore(%run_scoped3A_108 : memref<!tpu.dma_semaphore, #tpu.memory_space<semaphore_mem>>) src(%arg12 : memref<128x48xf32, #tpu.memory_space<vmem>>) dst(%dma_wait3A_115 : memref<128x48xf32, #tpu.memory_space<vmem_shared>>)
      tpu.yield
    }) : () -> ()
    %mul3A_47 = arith.constant 640 : i32
    %mul3A_48 = arith.muli %arg1, %mul3A_47 : i32
    %add3A_49 = arith.constant 128 : i32
    %add3A_50 = arith.addi %mul3A_48, %add3A_49 : i32
    %run_scoped3A_51 = arith.constant 0 : i32
    "tpu.region"() ({
      %run_scoped3A_108 = tpu.sem_alloc : memref<!tpu.dma_semaphore, #tpu.memory_space<semaphore_mem>>
      %dma_start3A_109 = arith.constant 0 : i32
      %dma_start3A_110 = tpu.memref_slice %arg11[%run_scoped3A_51, %dma_start3A_109] : memref<2x128xf32, #tpu.memory_space<vmem>> -> memref<1x128xf32, #tpu.memory_space<vmem>>
      %dma_start3A_111 = tpu.memref_squeeze %dma_start3A_110 : memref<1x128xf32, #tpu.memory_space<vmem>> -> memref<128xf32, #tpu.memory_space<vmem>>
      %dma_start3A_112 = tpu.memref_slice %arg15[%add3A_50] : memref<10240xf32, #tpu.memory_space<vmem_shared>> -> memref<128xf32, #tpu.memory_space<vmem_shared>>
      %dma_start3A_113 = tpu.memref_slice %arg15[%add3A_50] : memref<10240xf32, #tpu.memory_space<vmem_shared>> -> memref<128xf32, #tpu.memory_space<vmem_shared>>
      %dma_start3A_114 = arith.constant 0 : i32
      %dma_start3A_115 = tpu.memref_slice %arg11[%run_scoped3A_51, %dma_start3A_114] : memref<2x128xf32, #tpu.memory_space<vmem>> -> memref<1x128xf32, #tpu.memory_space<vmem>>
      %dma_start3A_116 = tpu.memref_squeeze %dma_start3A_115 : memref<1x128xf32, #tpu.memory_space<vmem>> -> memref<128xf32, #tpu.memory_space<vmem>>
      tpu.enqueue_dma source(%dma_start3A_116 : memref<128xf32, #tpu.memory_space<vmem>>) target(%dma_start3A_113 : memref<128xf32, #tpu.memory_space<vmem_shared>>) target_semaphore(%run_scoped3A_108 : memref<!tpu.dma_semaphore, #tpu.memory_space<semaphore_mem>>)
      %dma_wait3A = arith.constant 0 : i32
      %dma_wait3A_117 = tpu.memref_slice %arg11[%run_scoped3A_51, %dma_wait3A] : memref<2x128xf32, #tpu.memory_space<vmem>> -> memref<1x128xf32, #tpu.memory_space<vmem>>
      %dma_wait3A_118 = tpu.memref_squeeze %dma_wait3A_117 : memref<1x128xf32, #tpu.memory_space<vmem>> -> memref<128xf32, #tpu.memory_space<vmem>>
      %dma_wait3A_119 = tpu.memref_slice %arg15[%add3A_50] : memref<10240xf32, #tpu.memory_space<vmem_shared>> -> memref<128xf32, #tpu.memory_space<vmem_shared>>
      %dma_wait3A_120 = tpu.memref_slice %arg15[%add3A_50] : memref<10240xf32, #tpu.memory_space<vmem_shared>> -> memref<128xf32, #tpu.memory_space<vmem_shared>>
      %dma_wait3A_121 = arith.constant 0 : i32
      %dma_wait3A_122 = tpu.memref_slice %arg11[%run_scoped3A_51, %dma_wait3A_121] : memref<2x128xf32, #tpu.memory_space<vmem>> -> memref<1x128xf32, #tpu.memory_space<vmem>>
      %dma_wait3A_123 = tpu.memref_squeeze %dma_wait3A_122 : memref<1x128xf32, #tpu.memory_space<vmem>> -> memref<128xf32, #tpu.memory_space<vmem>>
      tpu.wait_dma2 semaphore(%run_scoped3A_108 : memref<!tpu.dma_semaphore, #tpu.memory_space<semaphore_mem>>) src(%dma_wait3A_123 : memref<128xf32, #tpu.memory_space<vmem>>) dst(%dma_wait3A_120 : memref<128xf32, #tpu.memory_space<vmem_shared>>)
      tpu.yield
    }) : () -> ()
    %mul3A_52 = arith.constant 640 : i32
    %mul3A_53 = arith.muli %arg1, %mul3A_52 : i32
    %add3A_54 = arith.constant 256 : i32
    %add3A_55 = arith.addi %mul3A_53, %add3A_54 : i32
    "tpu.region"() ({
      %run_scoped3A_108 = tpu.sem_alloc : memref<!tpu.dma_semaphore, #tpu.memory_space<semaphore_mem>>
      %dma_start3A_109 = arith.constant 0 : i32
      %dma_start3A_110 = tpu.memref_slice %arg14[%add3A_55, %dma_start3A_109] : memref<10240x48xf32, #tpu.memory_space<vmem_shared>> -> memref<128x48xf32, #tpu.memory_space<vmem_shared>>
      %dma_start3A_111 = arith.constant 0 : i32
      %dma_start3A_112 = tpu.memref_slice %arg14[%add3A_55, %dma_start3A_111] : memref<10240x48xf32, #tpu.memory_space<vmem_shared>> -> memref<128x48xf32, #tpu.memory_space<vmem_shared>>
      tpu.enqueue_dma source(%arg12 : memref<128x48xf32, #tpu.memory_space<vmem>>) target(%dma_start3A_112 : memref<128x48xf32, #tpu.memory_space<vmem_shared>>) target_semaphore(%run_scoped3A_108 : memref<!tpu.dma_semaphore, #tpu.memory_space<semaphore_mem>>)
      %dma_wait3A = arith.constant 0 : i32
      %dma_wait3A_113 = tpu.memref_slice %arg14[%add3A_55, %dma_wait3A] : memref<10240x48xf32, #tpu.memory_space<vmem_shared>> -> memref<128x48xf32, #tpu.memory_space<vmem_shared>>
      %dma_wait3A_114 = arith.constant 0 : i32
      %dma_wait3A_115 = tpu.memref_slice %arg14[%add3A_55, %dma_wait3A_114] : memref<10240x48xf32, #tpu.memory_space<vmem_shared>> -> memref<128x48xf32, #tpu.memory_space<vmem_shared>>
      tpu.wait_dma2 semaphore(%run_scoped3A_108 : memref<!tpu.dma_semaphore, #tpu.memory_space<semaphore_mem>>) src(%arg12 : memref<128x48xf32, #tpu.memory_space<vmem>>) dst(%dma_wait3A_115 : memref<128x48xf32, #tpu.memory_space<vmem_shared>>)
      tpu.yield
    }) : () -> ()
    %mul3A_56 = arith.constant 640 : i32
    %mul3A_57 = arith.muli %arg1, %mul3A_56 : i32
    %add3A_58 = arith.constant 256 : i32
    %add3A_59 = arith.addi %mul3A_57, %add3A_58 : i32
    %run_scoped3A_60 = arith.constant 0 : i32
    "tpu.region"() ({
      %run_scoped3A_108 = tpu.sem_alloc : memref<!tpu.dma_semaphore, #tpu.memory_space<semaphore_mem>>
      %dma_start3A_109 = arith.constant 0 : i32
      %dma_start3A_110 = tpu.memref_slice %arg11[%run_scoped3A_60, %dma_start3A_109] : memref<2x128xf32, #tpu.memory_space<vmem>> -> memref<1x128xf32, #tpu.memory_space<vmem>>
      %dma_start3A_111 = tpu.memref_squeeze %dma_start3A_110 : memref<1x128xf32, #tpu.memory_space<vmem>> -> memref<128xf32, #tpu.memory_space<vmem>>
      %dma_start3A_112 = tpu.memref_slice %arg15[%add3A_59] : memref<10240xf32, #tpu.memory_space<vmem_shared>> -> memref<128xf32, #tpu.memory_space<vmem_shared>>
      %dma_start3A_113 = tpu.memref_slice %arg15[%add3A_59] : memref<10240xf32, #tpu.memory_space<vmem_shared>> -> memref<128xf32, #tpu.memory_space<vmem_shared>>
      %dma_start3A_114 = arith.constant 0 : i32
      %dma_start3A_115 = tpu.memref_slice %arg11[%run_scoped3A_60, %dma_start3A_114] : memref<2x128xf32, #tpu.memory_space<vmem>> -> memref<1x128xf32, #tpu.memory_space<vmem>>
      %dma_start3A_116 = tpu.memref_squeeze %dma_start3A_115 : memref<1x128xf32, #tpu.memory_space<vmem>> -> memref<128xf32, #tpu.memory_space<vmem>>
      tpu.enqueue_dma source(%dma_start3A_116 : memref<128xf32, #tpu.memory_space<vmem>>) target(%dma_start3A_113 : memref<128xf32, #tpu.memory_space<vmem_shared>>) target_semaphore(%run_scoped3A_108 : memref<!tpu.dma_semaphore, #tpu.memory_space<semaphore_mem>>)
      %dma_wait3A = arith.constant 0 : i32
      %dma_wait3A_117 = tpu.memref_slice %arg11[%run_scoped3A_60, %dma_wait3A] : memref<2x128xf32, #tpu.memory_space<vmem>> -> memref<1x128xf32, #tpu.memory_space<vmem>>
      %dma_wait3A_118 = tpu.memref_squeeze %dma_wait3A_117 : memref<1x128xf32, #tpu.memory_space<vmem>> -> memref<128xf32, #tpu.memory_space<vmem>>
      %dma_wait3A_119 = tpu.memref_slice %arg15[%add3A_59] : memref<10240xf32, #tpu.memory_space<vmem_shared>> -> memref<128xf32, #tpu.memory_space<vmem_shared>>
      %dma_wait3A_120 = tpu.memref_slice %arg15[%add3A_59] : memref<10240xf32, #tpu.memory_space<vmem_shared>> -> memref<128xf32, #tpu.memory_space<vmem_shared>>
      %dma_wait3A_121 = arith.constant 0 : i32
      %dma_wait3A_122 = tpu.memref_slice %arg11[%run_scoped3A_60, %dma_wait3A_121] : memref<2x128xf32, #tpu.memory_space<vmem>> -> memref<1x128xf32, #tpu.memory_space<vmem>>
      %dma_wait3A_123 = tpu.memref_squeeze %dma_wait3A_122 : memref<1x128xf32, #tpu.memory_space<vmem>> -> memref<128xf32, #tpu.memory_space<vmem>>
      tpu.wait_dma2 semaphore(%run_scoped3A_108 : memref<!tpu.dma_semaphore, #tpu.memory_space<semaphore_mem>>) src(%dma_wait3A_123 : memref<128xf32, #tpu.memory_space<vmem>>) dst(%dma_wait3A_120 : memref<128xf32, #tpu.memory_space<vmem_shared>>)
      tpu.yield
    }) : () -> ()
    %mul3A_61 = arith.constant 640 : i32
    %mul3A_62 = arith.muli %arg1, %mul3A_61 : i32
    %add3A_63 = arith.constant 384 : i32
    %add3A_64 = arith.addi %mul3A_62, %add3A_63 : i32
    "tpu.region"() ({
      %run_scoped3A_108 = tpu.sem_alloc : memref<!tpu.dma_semaphore, #tpu.memory_space<semaphore_mem>>
      %dma_start3A_109 = arith.constant 0 : i32
      %dma_start3A_110 = tpu.memref_slice %arg14[%add3A_64, %dma_start3A_109] : memref<10240x48xf32, #tpu.memory_space<vmem_shared>> -> memref<128x48xf32, #tpu.memory_space<vmem_shared>>
      %dma_start3A_111 = arith.constant 0 : i32
      %dma_start3A_112 = tpu.memref_slice %arg14[%add3A_64, %dma_start3A_111] : memref<10240x48xf32, #tpu.memory_space<vmem_shared>> -> memref<128x48xf32, #tpu.memory_space<vmem_shared>>
      tpu.enqueue_dma source(%arg12 : memref<128x48xf32, #tpu.memory_space<vmem>>) target(%dma_start3A_112 : memref<128x48xf32, #tpu.memory_space<vmem_shared>>) target_semaphore(%run_scoped3A_108 : memref<!tpu.dma_semaphore, #tpu.memory_space<semaphore_mem>>)
      %dma_wait3A = arith.constant 0 : i32
      %dma_wait3A_113 = tpu.memref_slice %arg14[%add3A_64, %dma_wait3A] : memref<10240x48xf32, #tpu.memory_space<vmem_shared>> -> memref<128x48xf32, #tpu.memory_space<vmem_shared>>
      %dma_wait3A_114 = arith.constant 0 : i32
      %dma_wait3A_115 = tpu.memref_slice %arg14[%add3A_64, %dma_wait3A_114] : memref<10240x48xf32, #tpu.memory_space<vmem_shared>> -> memref<128x48xf32, #tpu.memory_space<vmem_shared>>
      tpu.wait_dma2 semaphore(%run_scoped3A_108 : memref<!tpu.dma_semaphore, #tpu.memory_space<semaphore_mem>>) src(%arg12 : memref<128x48xf32, #tpu.memory_space<vmem>>) dst(%dma_wait3A_115 : memref<128x48xf32, #tpu.memory_space<vmem_shared>>)
      tpu.yield
    }) : () -> ()
    %mul3A_65 = arith.constant 640 : i32
    %mul3A_66 = arith.muli %arg1, %mul3A_65 : i32
    %add3A_67 = arith.constant 384 : i32
    %add3A_68 = arith.addi %mul3A_66, %add3A_67 : i32
    %run_scoped3A_69 = arith.constant 0 : i32
    "tpu.region"() ({
      %run_scoped3A_108 = tpu.sem_alloc : memref<!tpu.dma_semaphore, #tpu.memory_space<semaphore_mem>>
      %dma_start3A_109 = arith.constant 0 : i32
      %dma_start3A_110 = tpu.memref_slice %arg11[%run_scoped3A_69, %dma_start3A_109] : memref<2x128xf32, #tpu.memory_space<vmem>> -> memref<1x128xf32, #tpu.memory_space<vmem>>
      %dma_start3A_111 = tpu.memref_squeeze %dma_start3A_110 : memref<1x128xf32, #tpu.memory_space<vmem>> -> memref<128xf32, #tpu.memory_space<vmem>>
      %dma_start3A_112 = tpu.memref_slice %arg15[%add3A_68] : memref<10240xf32, #tpu.memory_space<vmem_shared>> -> memref<128xf32, #tpu.memory_space<vmem_shared>>
      %dma_start3A_113 = tpu.memref_slice %arg15[%add3A_68] : memref<10240xf32, #tpu.memory_space<vmem_shared>> -> memref<128xf32, #tpu.memory_space<vmem_shared>>
      %dma_start3A_114 = arith.constant 0 : i32
      %dma_start3A_115 = tpu.memref_slice %arg11[%run_scoped3A_69, %dma_start3A_114] : memref<2x128xf32, #tpu.memory_space<vmem>> -> memref<1x128xf32, #tpu.memory_space<vmem>>
      %dma_start3A_116 = tpu.memref_squeeze %dma_start3A_115 : memref<1x128xf32, #tpu.memory_space<vmem>> -> memref<128xf32, #tpu.memory_space<vmem>>
      tpu.enqueue_dma source(%dma_start3A_116 : memref<128xf32, #tpu.memory_space<vmem>>) target(%dma_start3A_113 : memref<128xf32, #tpu.memory_space<vmem_shared>>) target_semaphore(%run_scoped3A_108 : memref<!tpu.dma_semaphore, #tpu.memory_space<semaphore_mem>>)
      %dma_wait3A = arith.constant 0 : i32
      %dma_wait3A_117 = tpu.memref_slice %arg11[%run_scoped3A_69, %dma_wait3A] : memref<2x128xf32, #tpu.memory_space<vmem>> -> memref<1x128xf32, #tpu.memory_space<vmem>>
      %dma_wait3A_118 = tpu.memref_squeeze %dma_wait3A_117 : memref<1x128xf32, #tpu.memory_space<vmem>> -> memref<128xf32, #tpu.memory_space<vmem>>
      %dma_wait3A_119 = tpu.memref_slice %arg15[%add3A_68] : memref<10240xf32, #tpu.memory_space<vmem_shared>> -> memref<128xf32, #tpu.memory_space<vmem_shared>>
      %dma_wait3A_120 = tpu.memref_slice %arg15[%add3A_68] : memref<10240xf32, #tpu.memory_space<vmem_shared>> -> memref<128xf32, #tpu.memory_space<vmem_shared>>
      %dma_wait3A_121 = arith.constant 0 : i32
      %dma_wait3A_122 = tpu.memref_slice %arg11[%run_scoped3A_69, %dma_wait3A_121] : memref<2x128xf32, #tpu.memory_space<vmem>> -> memref<1x128xf32, #tpu.memory_space<vmem>>
      %dma_wait3A_123 = tpu.memref_squeeze %dma_wait3A_122 : memref<1x128xf32, #tpu.memory_space<vmem>> -> memref<128xf32, #tpu.memory_space<vmem>>
      tpu.wait_dma2 semaphore(%run_scoped3A_108 : memref<!tpu.dma_semaphore, #tpu.memory_space<semaphore_mem>>) src(%dma_wait3A_123 : memref<128xf32, #tpu.memory_space<vmem>>) dst(%dma_wait3A_120 : memref<128xf32, #tpu.memory_space<vmem_shared>>)
      tpu.yield
    }) : () -> ()
    %mul3A_70 = arith.constant 640 : i32
    %mul3A_71 = arith.muli %arg1, %mul3A_70 : i32
    %add3A_72 = arith.constant 512 : i32
    %add3A_73 = arith.addi %mul3A_71, %add3A_72 : i32
    "tpu.region"() ({
      %run_scoped3A_108 = tpu.sem_alloc : memref<!tpu.dma_semaphore, #tpu.memory_space<semaphore_mem>>
      %dma_start3A_109 = arith.constant 0 : i32
      %dma_start3A_110 = tpu.memref_slice %arg14[%add3A_73, %dma_start3A_109] : memref<10240x48xf32, #tpu.memory_space<vmem_shared>> -> memref<128x48xf32, #tpu.memory_space<vmem_shared>>
      %dma_start3A_111 = arith.constant 0 : i32
      %dma_start3A_112 = tpu.memref_slice %arg14[%add3A_73, %dma_start3A_111] : memref<10240x48xf32, #tpu.memory_space<vmem_shared>> -> memref<128x48xf32, #tpu.memory_space<vmem_shared>>
      tpu.enqueue_dma source(%arg12 : memref<128x48xf32, #tpu.memory_space<vmem>>) target(%dma_start3A_112 : memref<128x48xf32, #tpu.memory_space<vmem_shared>>) target_semaphore(%run_scoped3A_108 : memref<!tpu.dma_semaphore, #tpu.memory_space<semaphore_mem>>)
      %dma_wait3A = arith.constant 0 : i32
      %dma_wait3A_113 = tpu.memref_slice %arg14[%add3A_73, %dma_wait3A] : memref<10240x48xf32, #tpu.memory_space<vmem_shared>> -> memref<128x48xf32, #tpu.memory_space<vmem_shared>>
      %dma_wait3A_114 = arith.constant 0 : i32
      %dma_wait3A_115 = tpu.memref_slice %arg14[%add3A_73, %dma_wait3A_114] : memref<10240x48xf32, #tpu.memory_space<vmem_shared>> -> memref<128x48xf32, #tpu.memory_space<vmem_shared>>
      tpu.wait_dma2 semaphore(%run_scoped3A_108 : memref<!tpu.dma_semaphore, #tpu.memory_space<semaphore_mem>>) src(%arg12 : memref<128x48xf32, #tpu.memory_space<vmem>>) dst(%dma_wait3A_115 : memref<128x48xf32, #tpu.memory_space<vmem_shared>>)
      tpu.yield
    }) : () -> ()
    %mul3A_74 = arith.constant 640 : i32
    %mul3A_75 = arith.muli %arg1, %mul3A_74 : i32
    %add3A_76 = arith.constant 512 : i32
    %add3A_77 = arith.addi %mul3A_75, %add3A_76 : i32
    %run_scoped3A_78 = arith.constant 0 : i32
    "tpu.region"() ({
      %run_scoped3A_108 = tpu.sem_alloc : memref<!tpu.dma_semaphore, #tpu.memory_space<semaphore_mem>>
      %dma_start3A_109 = arith.constant 0 : i32
      %dma_start3A_110 = tpu.memref_slice %arg11[%run_scoped3A_78, %dma_start3A_109] : memref<2x128xf32, #tpu.memory_space<vmem>> -> memref<1x128xf32, #tpu.memory_space<vmem>>
      %dma_start3A_111 = tpu.memref_squeeze %dma_start3A_110 : memref<1x128xf32, #tpu.memory_space<vmem>> -> memref<128xf32, #tpu.memory_space<vmem>>
      %dma_start3A_112 = tpu.memref_slice %arg15[%add3A_77] : memref<10240xf32, #tpu.memory_space<vmem_shared>> -> memref<128xf32, #tpu.memory_space<vmem_shared>>
      %dma_start3A_113 = tpu.memref_slice %arg15[%add3A_77] : memref<10240xf32, #tpu.memory_space<vmem_shared>> -> memref<128xf32, #tpu.memory_space<vmem_shared>>
      %dma_start3A_114 = arith.constant 0 : i32
      %dma_start3A_115 = tpu.memref_slice %arg11[%run_scoped3A_78, %dma_start3A_114] : memref<2x128xf32, #tpu.memory_space<vmem>> -> memref<1x128xf32, #tpu.memory_space<vmem>>
      %dma_start3A_116 = tpu.memref_squeeze %dma_start3A_115 : memref<1x128xf32, #tpu.memory_space<vmem>> -> memref<128xf32, #tpu.memory_space<vmem>>
      tpu.enqueue_dma source(%dma_start3A_116 : memref<128xf32, #tpu.memory_space<vmem>>) target(%dma_start3A_113 : memref<128xf32, #tpu.memory_space<vmem_shared>>) target_semaphore(%run_scoped3A_108 : memref<!tpu.dma_semaphore, #tpu.memory_space<semaphore_mem>>)
      %dma_wait3A = arith.constant 0 : i32
      %dma_wait3A_117 = tpu.memref_slice %arg11[%run_scoped3A_78, %dma_wait3A] : memref<2x128xf32, #tpu.memory_space<vmem>> -> memref<1x128xf32, #tpu.memory_space<vmem>>
      %dma_wait3A_118 = tpu.memref_squeeze %dma_wait3A_117 : memref<1x128xf32, #tpu.memory_space<vmem>> -> memref<128xf32, #tpu.memory_space<vmem>>
      %dma_wait3A_119 = tpu.memref_slice %arg15[%add3A_77] : memref<10240xf32, #tpu.memory_space<vmem_shared>> -> memref<128xf32, #tpu.memory_space<vmem_shared>>
      %dma_wait3A_120 = tpu.memref_slice %arg15[%add3A_77] : memref<10240xf32, #tpu.memory_space<vmem_shared>> -> memref<128xf32, #tpu.memory_space<vmem_shared>>
      %dma_wait3A_121 = arith.constant 0 : i32
      %dma_wait3A_122 = tpu.memref_slice %arg11[%run_scoped3A_78, %dma_wait3A_121] : memref<2x128xf32, #tpu.memory_space<vmem>> -> memref<1x128xf32, #tpu.memory_space<vmem>>
      %dma_wait3A_123 = tpu.memref_squeeze %dma_wait3A_122 : memref<1x128xf32, #tpu.memory_space<vmem>> -> memref<128xf32, #tpu.memory_space<vmem>>
      tpu.wait_dma2 semaphore(%run_scoped3A_108 : memref<!tpu.dma_semaphore, #tpu.memory_space<semaphore_mem>>) src(%dma_wait3A_123 : memref<128xf32, #tpu.memory_space<vmem>>) dst(%dma_wait3A_120 : memref<128xf32, #tpu.memory_space<vmem_shared>>)
      tpu.yield
    }) : () -> ()
    %barrier3A = arith.constant 0 : index
    tpu.barrier barrier_id(%barrier3A)
    "tpu.region"() ({
      %run_scoped3A_108 = tpu.sem_alloc : memref<!tpu.dma_semaphore, #tpu.memory_space<semaphore_mem>>
      tpu.enqueue_dma source(%arg3 : memref<20000xf32, #tpu.memory_space<hbm>>) target(%arg8 : memref<20000xf32, #tpu.memory_space<vmem>>) target_semaphore(%run_scoped3A_108 : memref<!tpu.dma_semaphore, #tpu.memory_space<semaphore_mem>>)
      tpu.wait_dma2 semaphore(%run_scoped3A_108 : memref<!tpu.dma_semaphore, #tpu.memory_space<semaphore_mem>>) src(%arg3 : memref<20000xf32, #tpu.memory_space<hbm>>) dst(%arg8 : memref<20000xf32, #tpu.memory_space<vmem>>)
      tpu.yield
    }) : () -> ()
    %mul3A_79 = arith.constant 10240 : i32
    %mul3A_80 = arith.muli %add3A, %mul3A_79 : i32
    "tpu.region"() ({
      %run_scoped3A_108 = tpu.sem_alloc : memref<!tpu.dma_semaphore, #tpu.memory_space<semaphore_mem>>
      %dma_start3A_109 = tpu.memref_slice %arg4[%mul3A_80] : memref<327680xi32, #tpu.memory_space<hbm>> -> memref<10240xi32, #tpu.memory_space<hbm>>
      %dma_start3A_110 = tpu.memref_slice %arg4[%mul3A_80] : memref<327680xi32, #tpu.memory_space<hbm>> -> memref<10240xi32, #tpu.memory_space<hbm>>
      tpu.enqueue_dma source(%dma_start3A_110 : memref<10240xi32, #tpu.memory_space<hbm>>) target(%arg9 : memref<10240xi32, #tpu.memory_space<vmem>>) target_semaphore(%run_scoped3A_108 : memref<!tpu.dma_semaphore, #tpu.memory_space<semaphore_mem>>)
      %dma_wait3A = tpu.memref_slice %arg4[%mul3A_80] : memref<327680xi32, #tpu.memory_space<hbm>> -> memref<10240xi32, #tpu.memory_space<hbm>>
      %dma_wait3A_111 = tpu.memref_slice %arg4[%mul3A_80] : memref<327680xi32, #tpu.memory_space<hbm>> -> memref<10240xi32, #tpu.memory_space<hbm>>
      tpu.wait_dma2 semaphore(%run_scoped3A_108 : memref<!tpu.dma_semaphore, #tpu.memory_space<semaphore_mem>>) src(%dma_wait3A_111 : memref<10240xi32, #tpu.memory_space<hbm>>) dst(%arg9 : memref<10240xi32, #tpu.memory_space<vmem>>)
      tpu.yield
    }) : () -> ()
    "tpu.region"() ({
      %run_scoped3A_108 = tpu.sem_alloc : memref<!tpu.dma_semaphore, #tpu.memory_space<semaphore_mem>>
      %dma_start3A_109 = arith.constant 0 : i32
      %dma_start3A_110 = arith.constant 0 : i32
      %dma_start3A_111 = tpu.memref_slice %arg5[%add3A, %dma_start3A_109, %dma_start3A_110] : memref<32x80x128xi32, #tpu.memory_space<hbm>> -> memref<1x80x128xi32, #tpu.memory_space<hbm>>
      %dma_start3A_112 = tpu.memref_squeeze %dma_start3A_111 : memref<1x80x128xi32, #tpu.memory_space<hbm>> -> memref<80x128xi32, #tpu.memory_space<hbm>>
      %dma_start3A_113 = arith.constant 0 : i32
      %dma_start3A_114 = arith.constant 0 : i32
      %dma_start3A_115 = tpu.memref_slice %arg5[%add3A, %dma_start3A_113, %dma_start3A_114] : memref<32x80x128xi32, #tpu.memory_space<hbm>> -> memref<1x80x128xi32, #tpu.memory_space<hbm>>
      %dma_start3A_116 = tpu.memref_squeeze %dma_start3A_115 : memref<1x80x128xi32, #tpu.memory_space<hbm>> -> memref<80x128xi32, #tpu.memory_space<hbm>>
      tpu.enqueue_dma source(%dma_start3A_116 : memref<80x128xi32, #tpu.memory_space<hbm>>) target(%arg10 : memref<80x128xi32, #tpu.memory_space<vmem>>) target_semaphore(%run_scoped3A_108 : memref<!tpu.dma_semaphore, #tpu.memory_space<semaphore_mem>>)
      %dma_wait3A = arith.constant 0 : i32
      %dma_wait3A_117 = arith.constant 0 : i32
      %dma_wait3A_118 = tpu.memref_slice %arg5[%add3A, %dma_wait3A, %dma_wait3A_117] : memref<32x80x128xi32, #tpu.memory_space<hbm>> -> memref<1x80x128xi32, #tpu.memory_space<hbm>>
      %dma_wait3A_119 = tpu.memref_squeeze %dma_wait3A_118 : memref<1x80x128xi32, #tpu.memory_space<hbm>> -> memref<80x128xi32, #tpu.memory_space<hbm>>
      %dma_wait3A_120 = arith.constant 0 : i32
      %dma_wait3A_121 = arith.constant 0 : i32
      %dma_wait3A_122 = tpu.memref_slice %arg5[%add3A, %dma_wait3A_120, %dma_wait3A_121] : memref<32x80x128xi32, #tpu.memory_space<hbm>> -> memref<1x80x128xi32, #tpu.memory_space<hbm>>
      %dma_wait3A_123 = tpu.memref_squeeze %dma_wait3A_122 : memref<1x80x128xi32, #tpu.memory_space<hbm>> -> memref<80x128xi32, #tpu.memory_space<hbm>>
      tpu.wait_dma2 semaphore(%run_scoped3A_108 : memref<!tpu.dma_semaphore, #tpu.memory_space<semaphore_mem>>) src(%dma_wait3A_123 : memref<80x128xi32, #tpu.memory_space<hbm>>) dst(%arg10 : memref<80x128xi32, #tpu.memory_space<vmem>>)
      tpu.yield
    }) : () -> ()
    %ge3A = arith.constant 0 : i32
    %ge3A_81 = arith.cmpi sge, %arg0, %ge3A : i32
    %mul3A_82 = arith.constant 10240 : i32
    %mul3A_83 = arith.muli %add3A, %mul3A_82 : i32
    %broadcast_in_dim3A_84 = arith.constant 0 : i32
    %broadcast_in_dim3A_85 = vector.broadcast %broadcast_in_dim3A_84 : i32 to vector<16xi32>
    %add3A_86 = arith.constant 0 : i32
    %add3A_87 = vector.broadcast %add3A_86 : i32 to vector<16xi32>
    %add3A_88 = arith.addi %broadcast_in_dim3A_85, %add3A_87 : vector<16xi32>
    %dma_start3A = arith.constant 0 : i32
    %dma_start3A_89 = tpu.memref_slice %arg9[%dma_start3A] : memref<10240xi32, #tpu.memory_space<vmem>> -> memref<128xi32, #tpu.memory_space<vmem>>
    %dma_start3A_90 = arith.constant 0 : i32
    %dma_start3A_91 = arith.constant 0 : i32
    %dma_start3A_92 = tpu.memref_slice %arg2[%dma_start3A_90, %dma_start3A_91] : memref<10000x48xf32, #tpu.memory_space<hbm>> -> memref<10000x48xf32, #tpu.memory_space<hbm>>
    tpu.enqueue_indirect_dma source(%dma_start3A_92 : memref<10000x48xf32, #tpu.memory_space<hbm>>) target(%arg12 : memref<128x48xf32, #tpu.memory_space<vmem>>) offsets(%dma_start3A_89 : memref<128xi32, #tpu.memory_space<vmem>>) semaphore(%arg16 : memref<!tpu.dma_semaphore, #tpu.memory_space<semaphore_mem>>)
    %scan3A = arith.constant 0 : i32
    %scan3A_93 = arith.constant 0 : i32
    %scan3A_94 = arith.constant 40 : i32
    %scan3A_95 = arith.addi %scan3A_93, %scan3A_94 : i32
    %scan3A_96 = arith.constant 1 : i32
    %scan3A_97 = scf.for %scan3A_108 = %scan3A_93 to %scan3A_95 step %scan3A_96 iter_args(%scan3A_109 = %scan3A) -> (i32)  : i32 {
      %mul3A_110 = arith.constant 2 : i32
      %mul3A_111 = arith.muli %scan3A_108, %mul3A_110 : i32
      %add3A_112 = arith.constant 0 : i32
      %add3A_113 = arith.addi %mul3A_111, %add3A_112 : i32
      %add3A_114 = arith.constant 1 : i32
      %add3A_115 = arith.addi %add3A_113, %add3A_114 : i32
      %lt3A = arith.constant 80 : i32
      %lt3A_116 = arith.cmpi slt, %add3A_115, %lt3A : i32
      %convert_element_type3A = arith.extui %lt3A_116 : i1 to i32
      %cond3A = arith.constant 0 : i32
      %cond3A_117 = arith.cmpi ne, %convert_element_type3A, %cond3A : i32
      scf.if %cond3A_117 {
        %add3A_157 = arith.constant 1 : i32
        %add3A_158 = arith.addi %add3A_113, %add3A_157 : i32
        %mul3A_159 = arith.constant 128 : i32
        %mul3A_160 = arith.muli %add3A_158, %mul3A_159 : i32
        %dma_start3A_161 = tpu.memref_slice %arg9[%mul3A_160] : memref<10240xi32, #tpu.memory_space<vmem>> -> memref<128xi32, #tpu.memory_space<vmem>>
        %dma_start3A_162 = arith.constant 0 : i32
        %dma_start3A_163 = arith.constant 0 : i32
        %dma_start3A_164 = tpu.memref_slice %arg2[%dma_start3A_162, %dma_start3A_163] : memref<10000x48xf32, #tpu.memory_space<hbm>> -> memref<10000x48xf32, #tpu.memory_space<hbm>>
        tpu.enqueue_indirect_dma source(%dma_start3A_164 : memref<10000x48xf32, #tpu.memory_space<hbm>>) target(%arg13 : memref<128x48xf32, #tpu.memory_space<vmem>>) offsets(%dma_start3A_161 : memref<128xi32, #tpu.memory_space<vmem>>) semaphore(%arg17 : memref<!tpu.dma_semaphore, #tpu.memory_space<semaphore_mem>>)
      } else {
      }
      %parallel_loop3A_118 = arith.constant 0 : i32
      %parallel_loop3A_119 = arith.constant 8 : i32
      %parallel_loop3A_120 = arith.constant 1 : i32
      scf.for %parallel_loop3A_157 = %parallel_loop3A_118 to %parallel_loop3A_119 step %parallel_loop3A_120  : i32 {
        %parallel_loop3A_158 = arith.constant 128 : i32
        %parallel_loop3A_159 = arith.muli %add3A_113, %parallel_loop3A_158 : i32
        %parallel_loop3A_160 = arith.constant 16 : i32
        %parallel_loop3A_161 = arith.muli %parallel_loop3A_157, %parallel_loop3A_160 : i32
        %parallel_loop3A_162 = arith.addi %parallel_loop3A_159, %parallel_loop3A_161 : i32
        %parallel_loop3A_163 = arith.index_cast %parallel_loop3A_162 : i32 to index
        %parallel_loop3A_164 = tpu.vector_load %arg9[%parallel_loop3A_163] {strides = array<i32>} : memref<10240xi32, #tpu.memory_space<vmem>>, vector<16xi32>,
        %parallel_loop3A_165 = arith.subi %parallel_loop3A_164, %add3A_88 : vector<16xi32>
        %parallel_loop3A_166 = arith.constant 16 : i32
        %parallel_loop3A_167 = arith.muli %parallel_loop3A_157, %parallel_loop3A_166 : i32
        %parallel_loop3A_168 = arith.index_cast %add3A_113 : i32 to index
        %parallel_loop3A_169 = arith.index_cast %parallel_loop3A_167 : i32 to index
        %parallel_loop3A_170 = tpu.vector_load %arg10[%parallel_loop3A_168, %parallel_loop3A_169] {strides = array<i32>} : memref<80x128xi32, #tpu.memory_space<vmem>>, vector<16xi32>,
        %parallel_loop3A_171 = arith.constant 2 : i32
        %parallel_loop3A_172 = vector.broadcast %parallel_loop3A_171 : i32 to vector<16xi32>
        %parallel_loop3A_173 = arith.muli %parallel_loop3A_165, %parallel_loop3A_172 : vector<16xi32>
        %parallel_loop3A_174 = tpu.vector_load_idx %arg8[%parallel_loop3A_173] : memref<20000xf32, #tpu.memory_space<vmem>>[vector<16xi32>], vector<16xf32>,
        %parallel_loop3A_175 = arith.constant 2 : i32
        %parallel_loop3A_176 = vector.broadcast %parallel_loop3A_175 : i32 to vector<16xi32>
        %parallel_loop3A_177 = arith.muli %parallel_loop3A_170, %parallel_loop3A_176 : vector<16xi32>
        %parallel_loop3A_178 = arith.constant 1 : i32
        %parallel_loop3A_179 = vector.broadcast %parallel_loop3A_178 : i32 to vector<16xi32>
        %parallel_loop3A_180 = arith.addi %parallel_loop3A_177, %parallel_loop3A_179 : vector<16xi32>
        %parallel_loop3A_181 = tpu.vector_load_idx %arg8[%parallel_loop3A_180] : memref<20000xf32, #tpu.memory_space<vmem>>[vector<16xi32>], vector<16xf32>,
        %parallel_loop3A_182 = arith.addf %parallel_loop3A_174, %parallel_loop3A_181 : vector<16xf32>
        %parallel_loop3A_183 = arith.constant 0.000000e+00 : f32
        %parallel_loop3A_184 = vector.broadcast %parallel_loop3A_183 : f32 to vector<16xf32>
        %parallel_loop3A_185 = arith.cmpf ogt, %parallel_loop3A_182, %parallel_loop3A_184 : vector<16xf32>
        %parallel_loop3A_186 = arith.constant 2.000000e-01 : f32
        %parallel_loop3A_187 = vector.broadcast %parallel_loop3A_186 : f32 to vector<16xf32>
        %parallel_loop3A_188 = arith.mulf %parallel_loop3A_187, %parallel_loop3A_182 : vector<16xf32>
        %parallel_loop3A_189 = arith.select %parallel_loop3A_185, %parallel_loop3A_182, %parallel_loop3A_188 : vector<16xi1>, vector<16xf32>
        %parallel_loop3A_190 = math.exp %parallel_loop3A_189 : vector<16xf32>
        %parallel_loop3A_191 = arith.constant 128 : i32
        %parallel_loop3A_192 = arith.muli %add3A_113, %parallel_loop3A_191 : i32
        %parallel_loop3A_193 = arith.addi %mul3A_83, %parallel_loop3A_192 : i32
        %parallel_loop3A_194 = arith.constant 16 : i32
        %parallel_loop3A_195 = arith.muli %parallel_loop3A_157, %parallel_loop3A_194 : i32
        %parallel_loop3A_196 = arith.addi %parallel_loop3A_193, %parallel_loop3A_195 : i32
        %parallel_loop3A_197 = tpu.iota {dimensions = array<i32: 0>} : vector<16xi32>
        %parallel_loop3A_198 = vector.broadcast %parallel_loop3A_196 : i32 to vector<16xi32>
        %parallel_loop3A_199 = arith.addi %parallel_loop3A_198, %parallel_loop3A_197 : vector<16xi32>
        %parallel_loop3A_200 = arith.constant 320000 : i32
        %parallel_loop3A_201 = vector.broadcast %parallel_loop3A_200 : i32 to vector<16xi32>
        %parallel_loop3A_202 = arith.cmpi slt, %parallel_loop3A_199, %parallel_loop3A_201 : vector<16xi32>
        %parallel_loop3A_203 = arith.constant 0.000000e+00 : f32
        %parallel_loop3A_204 = vector.broadcast %parallel_loop3A_203 : f32 to vector<16xf32>
        %parallel_loop3A_205 = arith.select %parallel_loop3A_202, %parallel_loop3A_190, %parallel_loop3A_204 : vector<16xi1>, vector<16xf32>
        %parallel_loop3A_206 = arith.constant 16 : i32
        %parallel_loop3A_207 = arith.muli %parallel_loop3A_157, %parallel_loop3A_206 : i32
        %parallel_loop3A_208 = arith.constant 0 : i32
        %parallel_loop3A_209 = arith.index_cast %parallel_loop3A_208 : i32 to index
        %parallel_loop3A_210 = arith.index_cast %parallel_loop3A_207 : i32 to index
        %parallel_loop3A_211 = tpu.vector_load %arg11[%parallel_loop3A_209, %parallel_loop3A_210] {strides = array<i32>} : memref<2x128xf32, #tpu.memory_space<vmem>>, vector<16xf32>,
        tpu.vector_store %arg11[%parallel_loop3A_209, %parallel_loop3A_210], %parallel_loop3A_205 {strides = array<i32>} : memref<2x128xf32, #tpu.memory_space<vmem>>, vector<16xf32>,
      } {sc.loop_unroll_factor = 4 : i64, sc.parallel_access}
      %mul3A_121 = arith.constant 128 : i32
      %mul3A_122 = arith.muli %add3A_113, %mul3A_121 : i32
      %dma_wait3A = tpu.memref_slice %arg9[%mul3A_122] : memref<10240xi32, #tpu.memory_space<vmem>> -> memref<128xi32, #tpu.memory_space<vmem>>
      %dma_wait3A_123 = arith.constant 0 : i32
      %dma_wait3A_124 = arith.constant 0 : i32
      %dma_wait3A_125 = tpu.memref_slice %arg2[%dma_wait3A_123, %dma_wait3A_124] : memref<10000x48xf32, #tpu.memory_space<hbm>> -> memref<10000x48xf32, #tpu.memory_space<hbm>>
      tpu.wait_indirect_dma semaphore(%arg16 : memref<!tpu.dma_semaphore, #tpu.memory_space<semaphore_mem>>) src(%dma_wait3A_125 : memref<10000x48xf32, #tpu.memory_space<hbm>>) dst(%arg12 : memref<128x48xf32, #tpu.memory_space<vmem>>)
      %parallel_loop3A_126 = arith.constant 0 : i32
      %parallel_loop3A_127 = arith.constant 128 : i32
      %parallel_loop3A_128 = arith.constant 1 : i32
      scf.for %parallel_loop3A_157 = %parallel_loop3A_126 to %parallel_loop3A_127 step %parallel_loop3A_128  : i32 {
        %parallel_loop3A_158 = arith.constant 0 : i32
        %parallel_loop3A_159 = vector.broadcast %parallel_loop3A_158 : i32 to vector<16xi32>
        %parallel_loop3A_160 = arith.addi %broadcast_in_dim3A_85, %parallel_loop3A_159 : vector<16xi32>
        %parallel_loop3A_161 = vector.broadcast %parallel_loop3A_157 : i32 to vector<16xi32>
        %parallel_loop3A_162 = arith.addi %broadcast_in_dim3A_85, %parallel_loop3A_161 : vector<16xi32>
        %parallel_loop3A_163 = tpu.vector_load_idx %arg11[%parallel_loop3A_160, %parallel_loop3A_162] : memref<2x128xf32, #tpu.memory_space<vmem>>[vector<16xi32>, vector<16xi32>], vector<16xf32>,
        %parallel_loop3A_164 = arith.index_cast %parallel_loop3A_157 : i32 to index
        %parallel_loop3A_165 = arith.constant 0 : index
        %parallel_loop3A_166 = tpu.vector_load %arg12[%parallel_loop3A_164, %parallel_loop3A_165] {strides = array<i32>} : memref<128x48xf32, #tpu.memory_space<vmem>>, vector<16xf32>,
        %parallel_loop3A_167 = arith.mulf %parallel_loop3A_166, %parallel_loop3A_163 : vector<16xf32>
        %parallel_loop3A_168 = arith.index_cast %parallel_loop3A_157 : i32 to index
        %parallel_loop3A_169 = arith.constant 0 : index
        %parallel_loop3A_170 = tpu.vector_load %arg12[%parallel_loop3A_168, %parallel_loop3A_169] {strides = array<i32>} : memref<128x48xf32, #tpu.memory_space<vmem>>, vector<16xf32>,
        tpu.vector_store %arg12[%parallel_loop3A_168, %parallel_loop3A_169], %parallel_loop3A_167 {strides = array<i32>} : memref<128x48xf32, #tpu.memory_space<vmem>>, vector<16xf32>,
        %parallel_loop3A_171 = arith.index_cast %parallel_loop3A_157 : i32 to index
        %parallel_loop3A_172 = arith.constant 16 : index
        %parallel_loop3A_173 = tpu.vector_load %arg12[%parallel_loop3A_171, %parallel_loop3A_172] {strides = array<i32>} : memref<128x48xf32, #tpu.memory_space<vmem>>, vector<16xf32>,
        %parallel_loop3A_174 = arith.mulf %parallel_loop3A_173, %parallel_loop3A_163 : vector<16xf32>
        %parallel_loop3A_175 = arith.index_cast %parallel_loop3A_157 : i32 to index
        %parallel_loop3A_176 = arith.constant 16 : index
        %parallel_loop3A_177 = tpu.vector_load %arg12[%parallel_loop3A_175, %parallel_loop3A_176] {strides = array<i32>} : memref<128x48xf32, #tpu.memory_space<vmem>>, vector<16xf32>,
        tpu.vector_store %arg12[%parallel_loop3A_175, %parallel_loop3A_176], %parallel_loop3A_174 {strides = array<i32>} : memref<128x48xf32, #tpu.memory_space<vmem>>, vector<16xf32>,
        %parallel_loop3A_178 = arith.index_cast %parallel_loop3A_157 : i32 to index
        %parallel_loop3A_179 = arith.constant 32 : index
        %parallel_loop3A_180 = tpu.vector_load %arg12[%parallel_loop3A_178, %parallel_loop3A_179] {strides = array<i32>} : memref<128x48xf32, #tpu.memory_space<vmem>>, vector<16xf32>,
        %parallel_loop3A_181 = arith.mulf %parallel_loop3A_180, %parallel_loop3A_163 : vector<16xf32>
        %parallel_loop3A_182 = arith.index_cast %parallel_loop3A_157 : i32 to index
        %parallel_loop3A_183 = arith.constant 32 : index
        %parallel_loop3A_184 = tpu.vector_load %arg12[%parallel_loop3A_182, %parallel_loop3A_183] {strides = array<i32>} : memref<128x48xf32, #tpu.memory_space<vmem>>, vector<16xf32>,
        tpu.vector_store %arg12[%parallel_loop3A_182, %parallel_loop3A_183], %parallel_loop3A_181 {strides = array<i32>} : memref<128x48xf32, #tpu.memory_space<vmem>>, vector<16xf32>,
      } {sc.loop_unroll_factor = 4 : i64, sc.parallel_access}
      "tpu.region"() ({
        %run_scoped3A_157 = tpu.sem_alloc : memref<!tpu.dma_semaphore, #tpu.memory_space<semaphore_mem>>
        %dma_start3A_158 = arith.constant 0 : i32
        %dma_start3A_159 = tpu.memref_slice %arg10[%add3A_113, %dma_start3A_158] : memref<80x128xi32, #tpu.memory_space<vmem>> -> memref<1x128xi32, #tpu.memory_space<vmem>>
        %dma_start3A_160 = tpu.memref_squeeze %dma_start3A_159 : memref<1x128xi32, #tpu.memory_space<vmem>> -> memref<128xi32, #tpu.memory_space<vmem>>
        %dma_start3A_161 = arith.constant 0 : i32
        %dma_start3A_162 = arith.constant 0 : i32
        %dma_start3A_163 = tpu.memref_slice %arg14[%dma_start3A_161, %dma_start3A_162] : memref<10240x48xf32, #tpu.memory_space<vmem_shared>> -> memref<10240x48xf32, #tpu.memory_space<vmem_shared>>
        tpu.enqueue_indirect_dma source(%arg12 : memref<128x48xf32, #tpu.memory_space<vmem>>) target(%dma_start3A_163 : memref<10240x48xf32, #tpu.memory_space<vmem_shared>>) offsets(%dma_start3A_160 : memref<128xi32, #tpu.memory_space<vmem>>) semaphore(%run_scoped3A_157 : memref<!tpu.dma_semaphore, #tpu.memory_space<semaphore_mem>>) {add = true}
        %dma_wait3A_164 = arith.constant 0 : i32
        %dma_wait3A_165 = tpu.memref_slice %arg10[%add3A_113, %dma_wait3A_164] : memref<80x128xi32, #tpu.memory_space<vmem>> -> memref<1x128xi32, #tpu.memory_space<vmem>>
        %dma_wait3A_166 = tpu.memref_squeeze %dma_wait3A_165 : memref<1x128xi32, #tpu.memory_space<vmem>> -> memref<128xi32, #tpu.memory_space<vmem>>
        %dma_wait3A_167 = arith.constant 0 : i32
        %dma_wait3A_168 = arith.constant 0 : i32
        %dma_wait3A_169 = tpu.memref_slice %arg14[%dma_wait3A_167, %dma_wait3A_168] : memref<10240x48xf32, #tpu.memory_space<vmem_shared>> -> memref<10240x48xf32, #tpu.memory_space<vmem_shared>>
        tpu.wait_indirect_dma semaphore(%run_scoped3A_157 : memref<!tpu.dma_semaphore, #tpu.memory_space<semaphore_mem>>) src(%arg12 : memref<128x48xf32, #tpu.memory_space<vmem>>) dst(%dma_wait3A_169 : memref<10240x48xf32, #tpu.memory_space<vmem_shared>>)
        tpu.yield
      }) : () -> ()
      %convert_element_type3A_129 = arith.extui %ge3A_81 : i1 to i32
      %cond3A_130 = arith.constant 0 : i32
      %cond3A_131 = arith.cmpi ne, %convert_element_type3A_129, %cond3A_130 : i32
      scf.if %cond3A_131 {
        %run_scoped3A_157 = arith.constant 0 : i32
        "tpu.region"() ({
          %run_scoped3A_158 = tpu.sem_alloc : memref<!tpu.dma_semaphore, #tpu.memory_space<semaphore_mem>>
          %dma_start3A_159 = arith.constant 0 : i32
          %dma_start3A_160 = tpu.memref_slice %arg11[%run_scoped3A_157, %dma_start3A_159] : memref<2x128xf32, #tpu.memory_space<vmem>> -> memref<1x128xf32, #tpu.memory_space<vmem>>
          %dma_start3A_161 = tpu.memref_squeeze %dma_start3A_160 : memref<1x128xf32, #tpu.memory_space<vmem>> -> memref<128xf32, #tpu.memory_space<vmem>>
          %dma_start3A_162 = arith.constant 0 : i32
          %dma_start3A_163 = tpu.memref_slice %arg10[%add3A_113, %dma_start3A_162] : memref<80x128xi32, #tpu.memory_space<vmem>> -> memref<1x128xi32, #tpu.memory_space<vmem>>
          %dma_start3A_164 = tpu.memref_squeeze %dma_start3A_163 : memref<1x128xi32, #tpu.memory_space<vmem>> -> memref<128xi32, #tpu.memory_space<vmem>>
          %dma_start3A_165 = arith.constant 0 : i32
          %dma_start3A_166 = tpu.memref_slice %arg15[%dma_start3A_165] : memref<10240xf32, #tpu.memory_space<vmem_shared>> -> memref<10240xf32, #tpu.memory_space<vmem_shared>>
          tpu.enqueue_indirect_dma source(%dma_start3A_161 : memref<128xf32, #tpu.memory_space<vmem>>) target(%dma_start3A_166 : memref<10240xf32, #tpu.memory_space<vmem_shared>>) offsets(%dma_start3A_164 : memref<128xi32, #tpu.memory_space<vmem>>) semaphore(%run_scoped3A_158 : memref<!tpu.dma_semaphore, #tpu.memory_space<semaphore_mem>>) {add = true}
          %dma_wait3A_167 = arith.constant 0 : i32
          %dma_wait3A_168 = tpu.memref_slice %arg11[%run_scoped3A_157, %dma_wait3A_167] : memref<2x128xf32, #tpu.memory_space<vmem>> -> memref<1x128xf32, #tpu.memory_space<vmem>>
          %dma_wait3A_169 = tpu.memref_squeeze %dma_wait3A_168 : memref<1x128xf32, #tpu.memory_space<vmem>> -> memref<128xf32, #tpu.memory_space<vmem>>
          %dma_wait3A_170 = arith.constant 0 : i32
          %dma_wait3A_171 = tpu.memref_slice %arg10[%add3A_113, %dma_wait3A_170] : memref<80x128xi32, #tpu.memory_space<vmem>> -> memref<1x128xi32, #tpu.memory_space<vmem>>
          %dma_wait3A_172 = tpu.memref_squeeze %dma_wait3A_171 : memref<1x128xi32, #tpu.memory_space<vmem>> -> memref<128xi32, #tpu.memory_space<vmem>>
          %dma_wait3A_173 = arith.constant 0 : i32
          %dma_wait3A_174 = tpu.memref_slice %arg15[%dma_wait3A_173] : memref<10240xf32, #tpu.memory_space<vmem_shared>> -> memref<10240xf32, #tpu.memory_space<vmem_shared>>
          tpu.wait_indirect_dma semaphore(%run_scoped3A_158 : memref<!tpu.dma_semaphore, #tpu.memory_space<semaphore_mem>>) src(%dma_wait3A_169 : memref<128xf32, #tpu.memory_space<vmem>>) dst(%dma_wait3A_174 : memref<10240xf32, #tpu.memory_space<vmem_shared>>)
          tpu.yield
        }) : () -> ()
      } else {
      }
      %add3A_132 = arith.constant 1 : i32
      %add3A_133 = arith.addi %mul3A_111, %add3A_132 : i32
      %add3A_134 = arith.constant 1 : i32
      %add3A_135 = arith.addi %add3A_133, %add3A_134 : i32
      %lt3A_136 = arith.constant 80 : i32
      %lt3A_137 = arith.cmpi slt, %add3A_135, %lt3A_136 : i32
      %convert_element_type3A_138 = arith.extui %lt3A_137 : i1 to i32
      %cond3A_139 = arith.constant 0 : i32
      %cond3A_140 = arith.cmpi ne, %convert_element_type3A_138, %cond3A_139 : i32
      scf.if %cond3A_140 {
        %add3A_157 = arith.constant 1 : i32
        %add3A_158 = arith.addi %add3A_133, %add3A_157 : i32
        %mul3A_159 = arith.constant 128 : i32
        %mul3A_160 = arith.muli %add3A_158, %mul3A_159 : i32
        %dma_start3A_161 = tpu.memref_slice %arg9[%mul3A_160] : memref<10240xi32, #tpu.memory_space<vmem>> -> memref<128xi32, #tpu.memory_space<vmem>>
        %dma_start3A_162 = arith.constant 0 : i32
        %dma_start3A_163 = arith.constant 0 : i32
        %dma_start3A_164 = tpu.memref_slice %arg2[%dma_start3A_162, %dma_start3A_163] : memref<10000x48xf32, #tpu.memory_space<hbm>> -> memref<10000x48xf32, #tpu.memory_space<hbm>>
        tpu.enqueue_indirect_dma source(%dma_start3A_164 : memref<10000x48xf32, #tpu.memory_space<hbm>>) target(%arg12 : memref<128x48xf32, #tpu.memory_space<vmem>>) offsets(%dma_start3A_161 : memref<128xi32, #tpu.memory_space<vmem>>) semaphore(%arg16 : memref<!tpu.dma_semaphore, #tpu.memory_space<semaphore_mem>>)
      } else {
      }
      %parallel_loop3A_141 = arith.constant 0 : i32
      %parallel_loop3A_142 = arith.constant 8 : i32
      %parallel_loop3A_143 = arith.constant 1 : i32
      scf.for %parallel_loop3A_157 = %parallel_loop3A_141 to %parallel_loop3A_142 step %parallel_loop3A_143  : i32 {
        %parallel_loop3A_158 = arith.constant 128 : i32
        %parallel_loop3A_159 = arith.muli %add3A_133, %parallel_loop3A_158 : i32
        %parallel_loop3A_160 = arith.constant 16 : i32
        %parallel_loop3A_161 = arith.muli %parallel_loop3A_157, %parallel_loop3A_160 : i32
        %parallel_loop3A_162 = arith.addi %parallel_loop3A_159, %parallel_loop3A_161 : i32
        %parallel_loop3A_163 = arith.index_cast %parallel_loop3A_162 : i32 to index
        %parallel_loop3A_164 = tpu.vector_load %arg9[%parallel_loop3A_163] {strides = array<i32>} : memref<10240xi32, #tpu.memory_space<vmem>>, vector<16xi32>,
        %parallel_loop3A_165 = arith.subi %parallel_loop3A_164, %add3A_88 : vector<16xi32>
        %parallel_loop3A_166 = arith.constant 16 : i32
        %parallel_loop3A_167 = arith.muli %parallel_loop3A_157, %parallel_loop3A_166 : i32
        %parallel_loop3A_168 = arith.index_cast %add3A_133 : i32 to index
        %parallel_loop3A_169 = arith.index_cast %parallel_loop3A_167 : i32 to index
        %parallel_loop3A_170 = tpu.vector_load %arg10[%parallel_loop3A_168, %parallel_loop3A_169] {strides = array<i32>} : memref<80x128xi32, #tpu.memory_space<vmem>>, vector<16xi32>,
        %parallel_loop3A_171 = arith.constant 2 : i32
        %parallel_loop3A_172 = vector.broadcast %parallel_loop3A_171 : i32 to vector<16xi32>
        %parallel_loop3A_173 = arith.muli %parallel_loop3A_165, %parallel_loop3A_172 : vector<16xi32>
        %parallel_loop3A_174 = tpu.vector_load_idx %arg8[%parallel_loop3A_173] : memref<20000xf32, #tpu.memory_space<vmem>>[vector<16xi32>], vector<16xf32>,
        %parallel_loop3A_175 = arith.constant 2 : i32
        %parallel_loop3A_176 = vector.broadcast %parallel_loop3A_175 : i32 to vector<16xi32>
        %parallel_loop3A_177 = arith.muli %parallel_loop3A_170, %parallel_loop3A_176 : vector<16xi32>
        %parallel_loop3A_178 = arith.constant 1 : i32
        %parallel_loop3A_179 = vector.broadcast %parallel_loop3A_178 : i32 to vector<16xi32>
        %parallel_loop3A_180 = arith.addi %parallel_loop3A_177, %parallel_loop3A_179 : vector<16xi32>
        %parallel_loop3A_181 = tpu.vector_load_idx %arg8[%parallel_loop3A_180] : memref<20000xf32, #tpu.memory_space<vmem>>[vector<16xi32>], vector<16xf32>,
        %parallel_loop3A_182 = arith.addf %parallel_loop3A_174, %parallel_loop3A_181 : vector<16xf32>
        %parallel_loop3A_183 = arith.constant 0.000000e+00 : f32
        %parallel_loop3A_184 = vector.broadcast %parallel_loop3A_183 : f32 to vector<16xf32>
        %parallel_loop3A_185 = arith.cmpf ogt, %parallel_loop3A_182, %parallel_loop3A_184 : vector<16xf32>
        %parallel_loop3A_186 = arith.constant 2.000000e-01 : f32
        %parallel_loop3A_187 = vector.broadcast %parallel_loop3A_186 : f32 to vector<16xf32>
        %parallel_loop3A_188 = arith.mulf %parallel_loop3A_187, %parallel_loop3A_182 : vector<16xf32>
        %parallel_loop3A_189 = arith.select %parallel_loop3A_185, %parallel_loop3A_182, %parallel_loop3A_188 : vector<16xi1>, vector<16xf32>
        %parallel_loop3A_190 = math.exp %parallel_loop3A_189 : vector<16xf32>
        %parallel_loop3A_191 = arith.constant 128 : i32
        %parallel_loop3A_192 = arith.muli %add3A_133, %parallel_loop3A_191 : i32
        %parallel_loop3A_193 = arith.addi %mul3A_83, %parallel_loop3A_192 : i32
        %parallel_loop3A_194 = arith.constant 16 : i32
        %parallel_loop3A_195 = arith.muli %parallel_loop3A_157, %parallel_loop3A_194 : i32
        %parallel_loop3A_196 = arith.addi %parallel_loop3A_193, %parallel_loop3A_195 : i32
        %parallel_loop3A_197 = tpu.iota {dimensions = array<i32: 0>} : vector<16xi32>
        %parallel_loop3A_198 = vector.broadcast %parallel_loop3A_196 : i32 to vector<16xi32>
        %parallel_loop3A_199 = arith.addi %parallel_loop3A_198, %parallel_loop3A_197 : vector<16xi32>
        %parallel_loop3A_200 = arith.constant 320000 : i32
        %parallel_loop3A_201 = vector.broadcast %parallel_loop3A_200 : i32 to vector<16xi32>
        %parallel_loop3A_202 = arith.cmpi slt, %parallel_loop3A_199, %parallel_loop3A_201 : vector<16xi32>
        %parallel_loop3A_203 = arith.constant 0.000000e+00 : f32
        %parallel_loop3A_204 = vector.broadcast %parallel_loop3A_203 : f32 to vector<16xf32>
        %parallel_loop3A_205 = arith.select %parallel_loop3A_202, %parallel_loop3A_190, %parallel_loop3A_204 : vector<16xi1>, vector<16xf32>
        %parallel_loop3A_206 = arith.constant 16 : i32
        %parallel_loop3A_207 = arith.muli %parallel_loop3A_157, %parallel_loop3A_206 : i32
        %parallel_loop3A_208 = arith.constant 1 : i32
        %parallel_loop3A_209 = arith.index_cast %parallel_loop3A_208 : i32 to index
        %parallel_loop3A_210 = arith.index_cast %parallel_loop3A_207 : i32 to index
        %parallel_loop3A_211 = tpu.vector_load %arg11[%parallel_loop3A_209, %parallel_loop3A_210] {strides = array<i32>} : memref<2x128xf32, #tpu.memory_space<vmem>>, vector<16xf32>,
        tpu.vector_store %arg11[%parallel_loop3A_209, %parallel_loop3A_210], %parallel_loop3A_205 {strides = array<i32>} : memref<2x128xf32, #tpu.memory_space<vmem>>, vector<16xf32>,
      } {sc.loop_unroll_factor = 4 : i64, sc.parallel_access}
      %mul3A_144 = arith.constant 128 : i32
      %mul3A_145 = arith.muli %add3A_133, %mul3A_144 : i32
      %dma_wait3A_146 = tpu.memref_slice %arg9[%mul3A_145] : memref<10240xi32, #tpu.memory_space<vmem>> -> memref<128xi32, #tpu.memory_space<vmem>>
      %dma_wait3A_147 = arith.constant 0 : i32
      %dma_wait3A_148 = arith.constant 0 : i32
      %dma_wait3A_149 = tpu.memref_slice %arg2[%dma_wait3A_147, %dma_wait3A_148] : memref<10000x48xf32, #tpu.memory_space<hbm>> -> memref<10000x48xf32, #tpu.memory_space<hbm>>
      tpu.wait_indirect_dma semaphore(%arg17 : memref<!tpu.dma_semaphore, #tpu.memory_space<semaphore_mem>>) src(%dma_wait3A_149 : memref<10000x48xf32, #tpu.memory_space<hbm>>) dst(%arg13 : memref<128x48xf32, #tpu.memory_space<vmem>>)
      %parallel_loop3A_150 = arith.constant 0 : i32
      %parallel_loop3A_151 = arith.constant 128 : i32
      %parallel_loop3A_152 = arith.constant 1 : i32
      scf.for %parallel_loop3A_157 = %parallel_loop3A_150 to %parallel_loop3A_151 step %parallel_loop3A_152  : i32 {
        %parallel_loop3A_158 = arith.constant 1 : i32
        %parallel_loop3A_159 = vector.broadcast %parallel_loop3A_158 : i32 to vector<16xi32>
        %parallel_loop3A_160 = arith.addi %broadcast_in_dim3A_85, %parallel_loop3A_159 : vector<16xi32>
        %parallel_loop3A_161 = vector.broadcast %parallel_loop3A_157 : i32 to vector<16xi32>
        %parallel_loop3A_162 = arith.addi %broadcast_in_dim3A_85, %parallel_loop3A_161 : vector<16xi32>
        %parallel_loop3A_163 = tpu.vector_load_idx %arg11[%parallel_loop3A_160, %parallel_loop3A_162] : memref<2x128xf32, #tpu.memory_space<vmem>>[vector<16xi32>, vector<16xi32>], vector<16xf32>,
        %parallel_loop3A_164 = arith.index_cast %parallel_loop3A_157 : i32 to index
        %parallel_loop3A_165 = arith.constant 0 : index
        %parallel_loop3A_166 = tpu.vector_load %arg13[%parallel_loop3A_164, %parallel_loop3A_165] {strides = array<i32>} : memref<128x48xf32, #tpu.memory_space<vmem>>, vector<16xf32>,
        %parallel_loop3A_167 = arith.mulf %parallel_loop3A_166, %parallel_loop3A_163 : vector<16xf32>
        %parallel_loop3A_168 = arith.index_cast %parallel_loop3A_157 : i32 to index
        %parallel_loop3A_169 = arith.constant 0 : index
        %parallel_loop3A_170 = tpu.vector_load %arg13[%parallel_loop3A_168, %parallel_loop3A_169] {strides = array<i32>} : memref<128x48xf32, #tpu.memory_space<vmem>>, vector<16xf32>,
        tpu.vector_store %arg13[%parallel_loop3A_168, %parallel_loop3A_169], %parallel_loop3A_167 {strides = array<i32>} : memref<128x48xf32, #tpu.memory_space<vmem>>, vector<16xf32>,
        %parallel_loop3A_171 = arith.index_cast %parallel_loop3A_157 : i32 to index
        %parallel_loop3A_172 = arith.constant 16 : index
        %parallel_loop3A_173 = tpu.vector_load %arg13[%parallel_loop3A_171, %parallel_loop3A_172] {strides = array<i32>} : memref<128x48xf32, #tpu.memory_space<vmem>>, vector<16xf32>,
        %parallel_loop3A_174 = arith.mulf %parallel_loop3A_173, %parallel_loop3A_163 : vector<16xf32>
        %parallel_loop3A_175 = arith.index_cast %parallel_loop3A_157 : i32 to index
        %parallel_loop3A_176 = arith.constant 16 : index
        %parallel_loop3A_177 = tpu.vector_load %arg13[%parallel_loop3A_175, %parallel_loop3A_176] {strides = array<i32>} : memref<128x48xf32, #tpu.memory_space<vmem>>, vector<16xf32>,
        tpu.vector_store %arg13[%parallel_loop3A_175, %parallel_loop3A_176], %parallel_loop3A_174 {strides = array<i32>} : memref<128x48xf32, #tpu.memory_space<vmem>>, vector<16xf32>,
        %parallel_loop3A_178 = arith.index_cast %parallel_loop3A_157 : i32 to index
        %parallel_loop3A_179 = arith.constant 32 : index
        %parallel_loop3A_180 = tpu.vector_load %arg13[%parallel_loop3A_178, %parallel_loop3A_179] {strides = array<i32>} : memref<128x48xf32, #tpu.memory_space<vmem>>, vector<16xf32>,
        %parallel_loop3A_181 = arith.mulf %parallel_loop3A_180, %parallel_loop3A_163 : vector<16xf32>
        %parallel_loop3A_182 = arith.index_cast %parallel_loop3A_157 : i32 to index
        %parallel_loop3A_183 = arith.constant 32 : index
        %parallel_loop3A_184 = tpu.vector_load %arg13[%parallel_loop3A_182, %parallel_loop3A_183] {strides = array<i32>} : memref<128x48xf32, #tpu.memory_space<vmem>>, vector<16xf32>,
        tpu.vector_store %arg13[%parallel_loop3A_182, %parallel_loop3A_183], %parallel_loop3A_181 {strides = array<i32>} : memref<128x48xf32, #tpu.memory_space<vmem>>, vector<16xf32>,
      } {sc.loop_unroll_factor = 4 : i64, sc.parallel_access}
      "tpu.region"() ({
        %run_scoped3A_157 = tpu.sem_alloc : memref<!tpu.dma_semaphore, #tpu.memory_space<semaphore_mem>>
        %dma_start3A_158 = arith.constant 0 : i32
        %dma_start3A_159 = tpu.memref_slice %arg10[%add3A_133, %dma_start3A_158] : memref<80x128xi32, #tpu.memory_space<vmem>> -> memref<1x128xi32, #tpu.memory_space<vmem>>
        %dma_start3A_160 = tpu.memref_squeeze %dma_start3A_159 : memref<1x128xi32, #tpu.memory_space<vmem>> -> memref<128xi32, #tpu.memory_space<vmem>>
        %dma_start3A_161 = arith.constant 0 : i32
        %dma_start3A_162 = arith.constant 0 : i32
        %dma_start3A_163 = tpu.memref_slice %arg14[%dma_start3A_161, %dma_start3A_162] : memref<10240x48xf32, #tpu.memory_space<vmem_shared>> -> memref<10240x48xf32, #tpu.memory_space<vmem_shared>>
        tpu.enqueue_indirect_dma source(%arg13 : memref<128x48xf32, #tpu.memory_space<vmem>>) target(%dma_start3A_163 : memref<10240x48xf32, #tpu.memory_space<vmem_shared>>) offsets(%dma_start3A_160 : memref<128xi32, #tpu.memory_space<vmem>>) semaphore(%run_scoped3A_157 : memref<!tpu.dma_semaphore, #tpu.memory_space<semaphore_mem>>) {add = true}
        %dma_wait3A_164 = arith.constant 0 : i32
        %dma_wait3A_165 = tpu.memref_slice %arg10[%add3A_133, %dma_wait3A_164] : memref<80x128xi32, #tpu.memory_space<vmem>> -> memref<1x128xi32, #tpu.memory_space<vmem>>
        %dma_wait3A_166 = tpu.memref_squeeze %dma_wait3A_165 : memref<1x128xi32, #tpu.memory_space<vmem>> -> memref<128xi32, #tpu.memory_space<vmem>>
        %dma_wait3A_167 = arith.constant 0 : i32
        %dma_wait3A_168 = arith.constant 0 : i32
        %dma_wait3A_169 = tpu.memref_slice %arg14[%dma_wait3A_167, %dma_wait3A_168] : memref<10240x48xf32, #tpu.memory_space<vmem_shared>> -> memref<10240x48xf32, #tpu.memory_space<vmem_shared>>
        tpu.wait_indirect_dma semaphore(%run_scoped3A_157 : memref<!tpu.dma_semaphore, #tpu.memory_space<semaphore_mem>>) src(%arg13 : memref<128x48xf32, #tpu.memory_space<vmem>>) dst(%dma_wait3A_169 : memref<10240x48xf32, #tpu.memory_space<vmem_shared>>)
        tpu.yield
      }) : () -> ()
      %convert_element_type3A_153 = arith.extui %ge3A_81 : i1 to i32
      %cond3A_154 = arith.constant 0 : i32
      %cond3A_155 = arith.cmpi ne, %convert_element_type3A_153, %cond3A_154 : i32
      scf.if %cond3A_155 {
        %run_scoped3A_157 = arith.constant 1 : i32
        "tpu.region"() ({
          %run_scoped3A_158 = tpu.sem_alloc : memref<!tpu.dma_semaphore, #tpu.memory_space<semaphore_mem>>
          %dma_start3A_159 = arith.constant 0 : i32
          %dma_start3A_160 = tpu.memref_slice %arg11[%run_scoped3A_157, %dma_start3A_159] : memref<2x128xf32, #tpu.memory_space<vmem>> -> memref<1x128xf32, #tpu.memory_space<vmem>>
          %dma_start3A_161 = tpu.memref_squeeze %dma_start3A_160 : memref<1x128xf32, #tpu.memory_space<vmem>> -> memref<128xf32, #tpu.memory_space<vmem>>
          %dma_start3A_162 = arith.constant 0 : i32
          %dma_start3A_163 = tpu.memref_slice %arg10[%add3A_133, %dma_start3A_162] : memref<80x128xi32, #tpu.memory_space<vmem>> -> memref<1x128xi32, #tpu.memory_space<vmem>>
          %dma_start3A_164 = tpu.memref_squeeze %dma_start3A_163 : memref<1x128xi32, #tpu.memory_space<vmem>> -> memref<128xi32, #tpu.memory_space<vmem>>
          %dma_start3A_165 = arith.constant 0 : i32
          %dma_start3A_166 = tpu.memref_slice %arg15[%dma_start3A_165] : memref<10240xf32, #tpu.memory_space<vmem_shared>> -> memref<10240xf32, #tpu.memory_space<vmem_shared>>
          tpu.enqueue_indirect_dma source(%dma_start3A_161 : memref<128xf32, #tpu.memory_space<vmem>>) target(%dma_start3A_166 : memref<10240xf32, #tpu.memory_space<vmem_shared>>) offsets(%dma_start3A_164 : memref<128xi32, #tpu.memory_space<vmem>>) semaphore(%run_scoped3A_158 : memref<!tpu.dma_semaphore, #tpu.memory_space<semaphore_mem>>) {add = true}
          %dma_wait3A_167 = arith.constant 0 : i32
          %dma_wait3A_168 = tpu.memref_slice %arg11[%run_scoped3A_157, %dma_wait3A_167] : memref<2x128xf32, #tpu.memory_space<vmem>> -> memref<1x128xf32, #tpu.memory_space<vmem>>
          %dma_wait3A_169 = tpu.memref_squeeze %dma_wait3A_168 : memref<1x128xf32, #tpu.memory_space<vmem>> -> memref<128xf32, #tpu.memory_space<vmem>>
          %dma_wait3A_170 = arith.constant 0 : i32
          %dma_wait3A_171 = tpu.memref_slice %arg10[%add3A_133, %dma_wait3A_170] : memref<80x128xi32, #tpu.memory_space<vmem>> -> memref<1x128xi32, #tpu.memory_space<vmem>>
          %dma_wait3A_172 = tpu.memref_squeeze %dma_wait3A_171 : memref<1x128xi32, #tpu.memory_space<vmem>> -> memref<128xi32, #tpu.memory_space<vmem>>
          %dma_wait3A_173 = arith.constant 0 : i32
          %dma_wait3A_174 = tpu.memref_slice %arg15[%dma_wait3A_173] : memref<10240xf32, #tpu.memory_space<vmem_shared>> -> memref<10240xf32, #tpu.memory_space<vmem_shared>>
          tpu.wait_indirect_dma semaphore(%run_scoped3A_158 : memref<!tpu.dma_semaphore, #tpu.memory_space<semaphore_mem>>) src(%dma_wait3A_169 : memref<128xf32, #tpu.memory_space<vmem>>) dst(%dma_wait3A_174 : memref<10240xf32, #tpu.memory_space<vmem_shared>>)
          tpu.yield
        }) : () -> ()
      } else {
      }
      %scan3A_156 = arith.constant 0 : i32
      scf.yield %scan3A_156 : i32
    }
    %scan3A_98 = arith.constant 40 : i32
    %barrier3A_99 = arith.constant 0 : index
    tpu.barrier barrier_id(%barrier3A_99)
    %mul3A_100 = arith.constant 640 : i32
    %mul3A_101 = arith.muli %arg1, %mul3A_100 : i32
    %mul3A_102 = arith.constant 640 : i32
    %mul3A_103 = arith.muli %arg1, %mul3A_102 : i32
    "tpu.region"() ({
      %run_scoped3A_108 = tpu.sem_alloc : memref<!tpu.dma_semaphore, #tpu.memory_space<semaphore_mem>>
      %dma_start3A_109 = arith.constant 0 : i32
      %dma_start3A_110 = tpu.memref_slice %arg6[%arg0, %mul3A_103, %dma_start3A_109] : memref<2x10240x48xf32, #tpu.memory_space<hbm>> -> memref<1x640x48xf32, #tpu.memory_space<hbm>>
      %dma_start3A_111 = tpu.memref_squeeze %dma_start3A_110 : memref<1x640x48xf32, #tpu.memory_space<hbm>> -> memref<640x48xf32, #tpu.memory_space<hbm>>
      %dma_start3A_112 = arith.constant 0 : i32
      %dma_start3A_113 = tpu.memref_slice %arg14[%mul3A_101, %dma_start3A_112] : memref<10240x48xf32, #tpu.memory_space<vmem_shared>> -> memref<640x48xf32, #tpu.memory_space<vmem_shared>>
      tpu.enqueue_dma source(%dma_start3A_113 : memref<640x48xf32, #tpu.memory_space<vmem_shared>>) target(%dma_start3A_111 : memref<640x48xf32, #tpu.memory_space<hbm>>) target_semaphore(%run_scoped3A_108 : memref<!tpu.dma_semaphore, #tpu.memory_space<semaphore_mem>>)
      %dma_wait3A = arith.constant 0 : i32
      %dma_wait3A_114 = tpu.memref_slice %arg6[%arg0, %mul3A_103, %dma_wait3A] : memref<2x10240x48xf32, #tpu.memory_space<hbm>> -> memref<1x640x48xf32, #tpu.memory_space<hbm>>
      %dma_wait3A_115 = tpu.memref_squeeze %dma_wait3A_114 : memref<1x640x48xf32, #tpu.memory_space<hbm>> -> memref<640x48xf32, #tpu.memory_space<hbm>>
      %dma_wait3A_116 = arith.constant 0 : i32
      %dma_wait3A_117 = tpu.memref_slice %arg14[%mul3A_101, %dma_wait3A_116] : memref<10240x48xf32, #tpu.memory_space<vmem_shared>> -> memref<640x48xf32, #tpu.memory_space<vmem_shared>>
      tpu.wait_dma2 semaphore(%run_scoped3A_108 : memref<!tpu.dma_semaphore, #tpu.memory_space<semaphore_mem>>) src(%dma_wait3A_117 : memref<640x48xf32, #tpu.memory_space<vmem_shared>>) dst(%dma_wait3A_115 : memref<640x48xf32, #tpu.memory_space<hbm>>)
      tpu.yield
    }) : () -> ()
    %mul3A_104 = arith.constant 640 : i32
    %mul3A_105 = arith.muli %arg1, %mul3A_104 : i32
    %mul3A_106 = arith.constant 640 : i32
    %mul3A_107 = arith.muli %arg1, %mul3A_106 : i32
    "tpu.region"() ({
      %run_scoped3A_108 = tpu.sem_alloc : memref<!tpu.dma_semaphore, #tpu.memory_space<semaphore_mem>>
      %dma_start3A_109 = tpu.memref_slice %arg7[%arg0, %mul3A_107] : memref<2x10240xf32, #tpu.memory_space<hbm>> -> memref<1x640xf32, #tpu.memory_space<hbm>>
      %dma_start3A_110 = tpu.memref_squeeze %dma_start3A_109 : memref<1x640xf32, #tpu.memory_space<hbm>> -> memref<640xf32, #tpu.memory_space<hbm>>
      %dma_start3A_111 = tpu.memref_slice %arg15[%mul3A_105] : memref<10240xf32, #tpu.memory_space<vmem_shared>> -> memref<640xf32, #tpu.memory_space<vmem_shared>>
      tpu.enqueue_dma source(%dma_start3A_111 : memref<640xf32, #tpu.memory_space<vmem_shared>>) target(%dma_start3A_110 : memref<640xf32, #tpu.memory_space<hbm>>) target_semaphore(%run_scoped3A_108 : memref<!tpu.dma_semaphore, #tpu.memory_space<semaphore_mem>>)
      %dma_wait3A = tpu.memref_slice %arg7[%arg0, %mul3A_107] : memref<2x10240xf32, #tpu.memory_space<hbm>> -> memref<1x640xf32, #tpu.memory_space<hbm>>
      %dma_wait3A_112 = tpu.memref_squeeze %dma_wait3A : memref<1x640xf32, #tpu.memory_space<hbm>> -> memref<640xf32, #tpu.memory_space<hbm>>
      %dma_wait3A_113 = tpu.memref_slice %arg15[%mul3A_105] : memref<10240xf32, #tpu.memory_space<vmem_shared>> -> memref<640xf32, #tpu.memory_space<vmem_shared>>
      tpu.wait_dma2 semaphore(%run_scoped3A_108 : memref<!tpu.dma_semaphore, #tpu.memory_space<semaphore_mem>>) src(%dma_wait3A_113 : memref<640xf32, #tpu.memory_space<vmem_shared>>) dst(%dma_wait3A_112 : memref<640xf32, #tpu.memory_space<hbm>>)
      tpu.yield
    }) : () -> ()
    return
  }
}

module attributes {stable_mosaic.version = 14 : i64} {
  func.func @body(%arg0: i32, %arg1: i32, %arg2: memref<2000x128xf32, #tpu.memory_space<vmem>>, %arg3: memref<1x128x64xf32, #tpu.memory_space<vmem>>, %arg4: memref<64x2xf32, #tpu.memory_space<vmem>>, %arg5: memref<2000x64xf32, #tpu.memory_space<vmem>>, %arg6: memref<2000x2xf32, #tpu.memory_space<vmem>>) attributes {dimension_semantics = [#tpu.dimension_semantics<arbitrary>, #tpu.dimension_semantics<arbitrary>], iteration_bounds = array<i64: 5, 2>, scalar_prefetch = 0 : i64, scratch_operands = 0 : i64, tpu.core_type = #tpu.core_type<tc>, window_params = [{transform_indices = @transform_0, window_bounds = array<i64: 2000, 128>}, {transform_indices = @transform_1, window_bounds = array<i64: 1, 128, 64>}, {transform_indices = @transform_2, window_bounds = array<i64: 64, 2>}, {transform_indices = @transform_3, window_bounds = array<i64: 2000, 64>}, {transform_indices = @transform_4, window_bounds = array<i64: 2000, 2>}]} {
    %get3A = arith.constant 0 : index
    %get3A_0 = arith.constant 0 : index
    %get3A_1 = vector.load %arg2[%get3A, %get3A_0] : memref<2000x128xf32, #tpu.memory_space<vmem>>, vector<2000x128xf32>
    %get3A_2 = arith.constant 0 : index
    %get3A_3 = arith.constant 0 : index
    %get3A_4 = arith.constant 0 : index
    %get3A_5 = vector.load %arg3[%get3A_2, %get3A_3, %get3A_4] : memref<1x128x64xf32, #tpu.memory_space<vmem>>, vector<1x128x64xf32>
    %get3A_6 = vector.shape_cast %get3A_5 : vector<1x128x64xf32> to vector<128x64xf32>
    %dot_general3A = arith.constant dense<0.000000e+00> : vector<2000x64xf32>
    %dot_general3A_7 = tpu.matmul %get3A_1, %get3A_6, %dot_general3A {dimension_numbers = #tpu.dot_dimension_numbers<[1], [0], [0], [1], [0, 0, 1, 1], [], []>, transpose_lhs_hint = false} : vector<2000x128xf32>, vector<128x64xf32>, vector<2000x64xf32> -> vector<2000x64xf32>
    %swap3A = arith.constant 0 : index
    %swap3A_8 = arith.constant 0 : index
    %swap3A_9 = vector.load %arg5[%swap3A, %swap3A_8] : memref<2000x64xf32, #tpu.memory_space<vmem>>, vector<2000x64xf32>
    tpu.vector_store %arg5[%swap3A, %swap3A_8], %dot_general3A_7 {strides = array<i32>} : memref<2000x64xf32, #tpu.memory_space<vmem>>, vector<2000x64xf32>,
    %get3A_10 = arith.constant 0 : index
    %get3A_11 = arith.constant 0 : index
    %get3A_12 = vector.load %arg4[%get3A_10, %get3A_11] : memref<64x2xf32, #tpu.memory_space<vmem>>, vector<64x2xf32>
    %dot_general3A_13 = arith.constant dense<0.000000e+00> : vector<2000x2xf32>
    %dot_general3A_14 = tpu.matmul %dot_general3A_7, %get3A_12, %dot_general3A_13 {dimension_numbers = #tpu.dot_dimension_numbers<[1], [0], [0], [1], [0, 0, 1, 1], [], []>, transpose_lhs_hint = false} : vector<2000x64xf32>, vector<64x2xf32>, vector<2000x2xf32> -> vector<2000x2xf32>
    %eq3A = arith.constant 0 : i32
    %eq3A_15 = arith.cmpi eq, %arg1, %eq3A : i32
    %convert_element_type3A = arith.extui %eq3A_15 : i1 to i32
    %cond3A = arith.constant 0 : i32
    %cond3A_16 = arith.cmpi ne, %convert_element_type3A, %cond3A : i32
    scf.if %cond3A_16 {
      %swap3A_22 = arith.constant 0 : index
      %swap3A_23 = arith.constant 0 : index
      %swap3A_24 = vector.load %arg6[%swap3A_22, %swap3A_23] : memref<2000x2xf32, #tpu.memory_space<vmem>>, vector<2000x2xf32>
      tpu.vector_store %arg6[%swap3A_22, %swap3A_23], %dot_general3A_14 {strides = array<i32>} : memref<2000x2xf32, #tpu.memory_space<vmem>>, vector<2000x2xf32>,
    } else {
    }
    %eq3A_17 = arith.constant 1 : i32
    %eq3A_18 = arith.cmpi eq, %arg1, %eq3A_17 : i32
    %convert_element_type3A_19 = arith.extui %eq3A_18 : i1 to i32
    %cond3A_20 = arith.constant 0 : i32
    %cond3A_21 = arith.cmpi ne, %convert_element_type3A_19, %cond3A_20 : i32
    scf.if %cond3A_21 {
      %get3A_22 = arith.constant 0 : index
      %get3A_23 = arith.constant 0 : index
      %get3A_24 = vector.load %arg6[%get3A_22, %get3A_23] : memref<2000x2xf32, #tpu.memory_space<vmem>>, vector<2000x2xf32>
      %add3A = arith.addf %get3A_24, %dot_general3A_14 : vector<2000x2xf32>
      %swap3A_25 = arith.constant 0 : index
      %swap3A_26 = arith.constant 0 : index
      %swap3A_27 = vector.load %arg6[%swap3A_25, %swap3A_26] : memref<2000x2xf32, #tpu.memory_space<vmem>>, vector<2000x2xf32>
      tpu.vector_store %arg6[%swap3A_25, %swap3A_26], %add3A {strides = array<i32>} : memref<2000x2xf32, #tpu.memory_space<vmem>>, vector<2000x2xf32>,
    } else {
    }
    return
  }
  func.func @transform_0(%arg0: i32, %arg1: i32) -> (i32, i32) {
    %c0_i32 = arith.constant 0 : i32
    %c0_i32_0 = arith.constant 0 : i32
    return %arg0, %c0_i32 : i32, i32
  }
  func.func @transform_1(%arg0: i32, %arg1: i32) -> (i32, i32, i32) {
    %c0_i32 = arith.constant 0 : i32
    %c0_i32_0 = arith.constant 0 : i32
    %c0_i32_1 = arith.constant 0 : i32
    return %arg1, %c0_i32, %c0_i32_0 : i32, i32, i32
  }
  func.func @transform_2(%arg0: i32, %arg1: i32) -> (i32, i32) {
    %c0_i32 = arith.constant 0 : i32
    %c0_i32_0 = arith.constant 0 : i32
    return %arg1, %c0_i32 : i32, i32
  }
  func.func @transform_3(%arg0: i32, %arg1: i32) -> (i32, i32) {
    %mul3A = arith.constant 5 : i32
    %mul3A_0 = arith.muli %arg1, %mul3A : i32
    %add3A = arith.addi %mul3A_0, %arg0 : i32
    %c0_i32 = arith.constant 0 : i32
    %c0_i32_1 = arith.constant 0 : i32
    return %add3A, %c0_i32 : i32, i32
  }
  func.func @transform_4(%arg0: i32, %arg1: i32) -> (i32, i32) {
    %c0_i32 = arith.constant 0 : i32
    %c0_i32_0 = arith.constant 0 : i32
    return %arg0, %c0_i32 : i32, i32
  }
}

module attributes {stable_mosaic.version = 14 : i64} {
  func.func @body(%arg0: i32, %arg1: memref<2x2000x64xf32, #tpu.memory_space<vmem>>, %arg2: memref<2000x1xf32, #tpu.memory_space<vmem>>, %arg3: memref<2000x2xf32, #tpu.memory_space<vmem>>, %arg4: memref<2000x64xf32, #tpu.memory_space<vmem>>, %arg5: memref<2000x64xf32, #tpu.memory_space<vmem>>, %arg6: memref<128x48xf32, #tpu.memory_space<vmem>>, %arg7: memref<48x2xf32, #tpu.memory_space<vmem>>, %arg8: memref<2000x48xf32, #tpu.memory_space<vmem>>, %arg9: memref<2000x2xf32, #tpu.memory_space<vmem>>) attributes {dimension_semantics = [#tpu.dimension_semantics<arbitrary>], iteration_bounds = array<i64: 5>, scalar_prefetch = 0 : i64, scratch_operands = 0 : i64, tpu.core_type = #tpu.core_type<tc>, window_params = [{transform_indices = @transform_0, window_bounds = array<i64: 2, 2000, 64>}, {transform_indices = @transform_1, window_bounds = array<i64: 2000, 1>}, {transform_indices = @transform_2, window_bounds = array<i64: 2000, 2>}, {transform_indices = @transform_3, window_bounds = array<i64: 2000, 64>}, {transform_indices = @transform_4, window_bounds = array<i64: 2000, 64>}, {pipeline_mode = #tpu.pipeline_mode<synchronous>, transform_indices = @transform_5, window_bounds = array<i64: 128, 48>}, {pipeline_mode = #tpu.pipeline_mode<synchronous>, transform_indices = @transform_6, window_bounds = array<i64: 48, 2>}, {transform_indices = @transform_7, window_bounds = array<i64: 2000, 48>}, {transform_indices = @transform_8, window_bounds = array<i64: 2000, 2>}]} {
    %get3A = arith.constant 0 : index
    %get3A_0 = arith.constant 0 : index
    %get3A_1 = vector.load %arg3[%get3A, %get3A_0] : memref<2000x2xf32, #tpu.memory_space<vmem>>, vector<2000x1xf32>
    %get3A_2 = arith.constant 0 : index
    %get3A_3 = arith.constant 1 : index
    %get3A_4 = vector.load %arg3[%get3A_2, %get3A_3] : memref<2000x2xf32, #tpu.memory_space<vmem>>, vector<2000x1xf32>
    %add3A = arith.addf %get3A_1, %get3A_4 : vector<2000x1xf32>
    %gt3A = arith.constant 0.000000e+00 : f32
    %gt3A_5 = vector.broadcast %gt3A : f32 to vector<2000x1xf32>
    %gt3A_6 = arith.cmpf ogt, %add3A, %gt3A_5 : vector<2000x1xf32>
    %mul3A = arith.constant 2.000000e-01 : f32
    %mul3A_7 = vector.broadcast %mul3A : f32 to vector<2000x1xf32>
    %mul3A_8 = arith.mulf %mul3A_7, %add3A : vector<2000x1xf32>
    %select_n3A = arith.select %gt3A_6, %add3A, %mul3A_8 : vector<2000x1xi1>, vector<2000x1xf32>
    %exp3A = math.exp %select_n3A : vector<2000x1xf32>
    %get3A_9 = arith.constant 0 : index
    %get3A_10 = arith.constant 0 : index
    %get3A_11 = arith.constant 0 : index
    %get3A_12 = vector.load %arg1[%get3A_9, %get3A_10, %get3A_11] : memref<2x2000x64xf32, #tpu.memory_space<vmem>>, vector<1x2000x64xf32>
    %get3A_13 = vector.shape_cast %get3A_12 : vector<1x2000x64xf32> to vector<2000x64xf32>
    %get3A_14 = arith.constant 1 : index
    %get3A_15 = arith.constant 0 : index
    %get3A_16 = arith.constant 0 : index
    %get3A_17 = vector.load %arg1[%get3A_14, %get3A_15, %get3A_16] : memref<2x2000x64xf32, #tpu.memory_space<vmem>>, vector<1x2000x64xf32>
    %get3A_18 = vector.shape_cast %get3A_17 : vector<1x2000x64xf32> to vector<2000x64xf32>
    %concatenate3A = tpu.concatenate %get3A_13, %get3A_18 in 1 : vector<2000x64xf32>, vector<2000x64xf32> -> vector<2000x128xf32>
    %get3A_19 = arith.constant 0 : index
    %get3A_20 = arith.constant 0 : index
    %get3A_21 = vector.load %arg4[%get3A_19, %get3A_20] : memref<2000x64xf32, #tpu.memory_space<vmem>>, vector<2000x64xf32>
    %get3A_22 = arith.constant 0 : index
    %get3A_23 = arith.constant 0 : index
    %get3A_24 = vector.load %arg5[%get3A_22, %get3A_23] : memref<2000x64xf32, #tpu.memory_space<vmem>>, vector<2000x64xf32>
    %concatenate3A_25 = tpu.concatenate %get3A_21, %get3A_24 in 1 : vector<2000x64xf32>, vector<2000x64xf32> -> vector<2000x128xf32>
    %mul3A_26 = vector.broadcast %exp3A : vector<2000x1xf32> to vector<2000x128xf32>
    %mul3A_27 = arith.mulf %mul3A_26, %concatenate3A_25 : vector<2000x128xf32>
    %add3A_28 = arith.addf %concatenate3A, %mul3A_27 : vector<2000x128xf32>
    %get3A_29 = arith.constant 0 : index
    %get3A_30 = arith.constant 0 : index
    %get3A_31 = vector.load %arg2[%get3A_29, %get3A_30] : memref<2000x1xf32, #tpu.memory_space<vmem>>, vector<2000x1xf32>
    %add3A_32 = arith.addf %get3A_31, %exp3A : vector<2000x1xf32>
    %div3A = vector.broadcast %add3A_32 : vector<2000x1xf32> to vector<2000x128xf32>
    %div3A_33 = arith.divf %add3A_28, %div3A : vector<2000x128xf32>
    %max3A = arith.constant 0.000000e+00 : f32
    %max3A_34 = vector.broadcast %max3A : f32 to vector<2000x128xf32>
    %max3A_35 = arith.maximumf %div3A_33, %max3A_34 : vector<2000x128xf32>
    %get3A_36 = arith.constant 0 : index
    %get3A_37 = arith.constant 0 : index
    %get3A_38 = vector.load %arg6[%get3A_36, %get3A_37] : memref<128x48xf32, #tpu.memory_space<vmem>>, vector<128x48xf32>
    %dot_general3A = arith.constant dense<0.000000e+00> : vector<2000x48xf32>
    %dot_general3A_39 = tpu.matmul %max3A_35, %get3A_38, %dot_general3A {dimension_numbers = #tpu.dot_dimension_numbers<[1], [0], [0], [1], [0, 0, 1, 1], [], []>, transpose_lhs_hint = false} : vector<2000x128xf32>, vector<128x48xf32>, vector<2000x48xf32> -> vector<2000x48xf32>
    %swap3A = arith.constant 0 : index
    %swap3A_40 = arith.constant 0 : index
    %swap3A_41 = vector.load %arg8[%swap3A, %swap3A_40] : memref<2000x48xf32, #tpu.memory_space<vmem>>, vector<2000x48xf32>
    tpu.vector_store %arg8[%swap3A, %swap3A_40], %dot_general3A_39 {strides = array<i32>} : memref<2000x48xf32, #tpu.memory_space<vmem>>, vector<2000x48xf32>,
    %get3A_42 = arith.constant 0 : index
    %get3A_43 = arith.constant 0 : index
    %get3A_44 = vector.load %arg7[%get3A_42, %get3A_43] : memref<48x2xf32, #tpu.memory_space<vmem>>, vector<48x2xf32>
    %dot_general3A_45 = arith.constant dense<0.000000e+00> : vector<2000x2xf32>
    %dot_general3A_46 = tpu.matmul %dot_general3A_39, %get3A_44, %dot_general3A_45 {dimension_numbers = #tpu.dot_dimension_numbers<[1], [0], [0], [1], [0, 0, 1, 1], [], []>, transpose_lhs_hint = false} : vector<2000x48xf32>, vector<48x2xf32>, vector<2000x2xf32> -> vector<2000x2xf32>
    %swap3A_47 = arith.constant 0 : index
    %swap3A_48 = arith.constant 0 : index
    %swap3A_49 = vector.load %arg9[%swap3A_47, %swap3A_48] : memref<2000x2xf32, #tpu.memory_space<vmem>>, vector<2000x2xf32>
    tpu.vector_store %arg9[%swap3A_47, %swap3A_48], %dot_general3A_46 {strides = array<i32>} : memref<2000x2xf32, #tpu.memory_space<vmem>>, vector<2000x2xf32>,
    return
  }
  func.func @transform_0(%arg0: i32) -> (i32, i32, i32) {
    %c0_i32 = arith.constant 0 : i32
    %c0_i32_0 = arith.constant 0 : i32
    %c0_i32_1 = arith.constant 0 : i32
    return %c0_i32, %arg0, %c0_i32_0 : i32, i32, i32
  }
  func.func @transform_1(%arg0: i32) -> (i32, i32) {
    %c0_i32 = arith.constant 0 : i32
    %c0_i32_0 = arith.constant 0 : i32
    return %arg0, %c0_i32 : i32, i32
  }
  func.func @transform_2(%arg0: i32) -> (i32, i32) {
    %c0_i32 = arith.constant 0 : i32
    %c0_i32_0 = arith.constant 0 : i32
    return %arg0, %c0_i32 : i32, i32
  }
  func.func @transform_3(%arg0: i32) -> (i32, i32) {
    %c0_i32 = arith.constant 0 : i32
    %c0_i32_0 = arith.constant 0 : i32
    return %arg0, %c0_i32 : i32, i32
  }
  func.func @transform_4(%arg0: i32) -> (i32, i32) {
    %add3A = arith.constant 5 : i32
    %add3A_0 = arith.addi %add3A, %arg0 : i32
    %c0_i32 = arith.constant 0 : i32
    %c0_i32_1 = arith.constant 0 : i32
    return %add3A_0, %c0_i32 : i32, i32
  }
  func.func @transform_5(%arg0: i32) -> (i32, i32) {
    %c0_i32 = arith.constant 0 : i32
    %c0_i32_0 = arith.constant 0 : i32
    %c0_i32_1 = arith.constant 0 : i32
    return %c0_i32, %c0_i32_0 : i32, i32
  }
  func.func @transform_6(%arg0: i32) -> (i32, i32) {
    %c0_i32 = arith.constant 0 : i32
    %c0_i32_0 = arith.constant 0 : i32
    %c0_i32_1 = arith.constant 0 : i32
    return %c0_i32, %c0_i32_0 : i32, i32
  }
  func.func @transform_7(%arg0: i32) -> (i32, i32) {
    %c0_i32 = arith.constant 0 : i32
    %c0_i32_0 = arith.constant 0 : i32
    return %arg0, %c0_i32 : i32, i32
  }
  func.func @transform_8(%arg0: i32) -> (i32, i32) {
    %c0_i32 = arith.constant 0 : i32
    %c0_i32_0 = arith.constant 0 : i32
    return %arg0, %c0_i32 : i32, i32
  }
}

module attributes {stable_mosaic.version = 14 : i64} {
  func.func @body(%arg0: i32, %arg1: memref<2x2000x48xf32, #tpu.memory_space<vmem>>, %arg2: memref<2x2000x1xf32, #tpu.memory_space<vmem>>, %arg3: memref<2000x2xf32, #tpu.memory_space<vmem>>, %arg4: memref<2000x48xf32, #tpu.memory_space<vmem>>, %arg5: memref<2000x40xf32, #tpu.memory_space<vmem>>) attributes {dimension_semantics = [#tpu.dimension_semantics<arbitrary>], iteration_bounds = array<i64: 5>, scalar_prefetch = 0 : i64, scratch_operands = 0 : i64, tpu.core_type = #tpu.core_type<tc>, window_params = [{transform_indices = @transform_0, window_bounds = array<i64: 2, 2000, 48>}, {transform_indices = @transform_1, window_bounds = array<i64: 2, 2000, 1>}, {transform_indices = @transform_2, window_bounds = array<i64: 2000, 2>}, {transform_indices = @transform_3, window_bounds = array<i64: 2000, 48>}, {transform_indices = @transform_4, window_bounds = array<i64: 2000, 40>}]} {
    %get3A = arith.constant 0 : index
    %get3A_0 = arith.constant 0 : index
    %get3A_1 = vector.load %arg3[%get3A, %get3A_0] : memref<2000x2xf32, #tpu.memory_space<vmem>>, vector<2000x1xf32>
    %get3A_2 = arith.constant 0 : index
    %get3A_3 = arith.constant 1 : index
    %get3A_4 = vector.load %arg3[%get3A_2, %get3A_3] : memref<2000x2xf32, #tpu.memory_space<vmem>>, vector<2000x1xf32>
    %add3A = arith.addf %get3A_1, %get3A_4 : vector<2000x1xf32>
    %gt3A = arith.constant 0.000000e+00 : f32
    %gt3A_5 = vector.broadcast %gt3A : f32 to vector<2000x1xf32>
    %gt3A_6 = arith.cmpf ogt, %add3A, %gt3A_5 : vector<2000x1xf32>
    %mul3A = arith.constant 2.000000e-01 : f32
    %mul3A_7 = vector.broadcast %mul3A : f32 to vector<2000x1xf32>
    %mul3A_8 = arith.mulf %mul3A_7, %add3A : vector<2000x1xf32>
    %select_n3A = arith.select %gt3A_6, %add3A, %mul3A_8 : vector<2000x1xi1>, vector<2000x1xf32>
    %exp3A = math.exp %select_n3A : vector<2000x1xf32>
    %get3A_9 = arith.constant 0 : index
    %get3A_10 = arith.constant 0 : index
    %get3A_11 = arith.constant 0 : index
    %get3A_12 = vector.load %arg1[%get3A_9, %get3A_10, %get3A_11] : memref<2x2000x48xf32, #tpu.memory_space<vmem>>, vector<1x2000x48xf32>
    %get3A_13 = vector.shape_cast %get3A_12 : vector<1x2000x48xf32> to vector<2000x48xf32>
    %get3A_14 = arith.constant 1 : index
    %get3A_15 = arith.constant 0 : index
    %get3A_16 = arith.constant 0 : index
    %get3A_17 = vector.load %arg1[%get3A_14, %get3A_15, %get3A_16] : memref<2x2000x48xf32, #tpu.memory_space<vmem>>, vector<1x2000x48xf32>
    %get3A_18 = vector.shape_cast %get3A_17 : vector<1x2000x48xf32> to vector<2000x48xf32>
    %add3A_19 = arith.addf %get3A_13, %get3A_18 : vector<2000x48xf32>
    %get3A_20 = arith.constant 0 : index
    %get3A_21 = arith.constant 0 : index
    %get3A_22 = vector.load %arg4[%get3A_20, %get3A_21] : memref<2000x48xf32, #tpu.memory_space<vmem>>, vector<2000x48xf32>
    %mul3A_23 = vector.broadcast %exp3A : vector<2000x1xf32> to vector<2000x48xf32>
    %mul3A_24 = arith.mulf %mul3A_23, %get3A_22 : vector<2000x48xf32>
    %add3A_25 = arith.addf %add3A_19, %mul3A_24 : vector<2000x48xf32>
    %get3A_26 = arith.constant 0 : index
    %get3A_27 = arith.constant 0 : index
    %get3A_28 = arith.constant 0 : index
    %get3A_29 = vector.load %arg2[%get3A_26, %get3A_27, %get3A_28] : memref<2x2000x1xf32, #tpu.memory_space<vmem>>, vector<1x2000x1xf32>
    %get3A_30 = vector.shape_cast %get3A_29 : vector<1x2000x1xf32> to vector<2000x1xf32>
    %get3A_31 = arith.constant 1 : index
    %get3A_32 = arith.constant 0 : index
    %get3A_33 = arith.constant 0 : index
    %get3A_34 = vector.load %arg2[%get3A_31, %get3A_32, %get3A_33] : memref<2x2000x1xf32, #tpu.memory_space<vmem>>, vector<1x2000x1xf32>
    %get3A_35 = vector.shape_cast %get3A_34 : vector<1x2000x1xf32> to vector<2000x1xf32>
    %add3A_36 = arith.addf %get3A_30, %get3A_35 : vector<2000x1xf32>
    %add3A_37 = arith.addf %add3A_36, %exp3A : vector<2000x1xf32>
    %div3A = vector.broadcast %add3A_37 : vector<2000x1xf32> to vector<2000x48xf32>
    %div3A_38 = arith.divf %add3A_25, %div3A : vector<2000x48xf32>
    %slice3A = vector.extract_strided_slice %div3A_38 {offsets = [0, 0], sizes = [2000, 40], strides = [1, 1]} : vector<2000x48xf32> to vector<2000x40xf32>
    %swap3A = arith.constant 0 : index
    %swap3A_39 = arith.constant 0 : index
    %swap3A_40 = vector.load %arg5[%swap3A, %swap3A_39] : memref<2000x40xf32, #tpu.memory_space<vmem>>, vector<2000x40xf32>
    tpu.vector_store %arg5[%swap3A, %swap3A_39], %slice3A {strides = array<i32>} : memref<2000x40xf32, #tpu.memory_space<vmem>>, vector<2000x40xf32>,
    return
  }
  func.func @transform_0(%arg0: i32) -> (i32, i32, i32) {
    %c0_i32 = arith.constant 0 : i32
    %c0_i32_0 = arith.constant 0 : i32
    %c0_i32_1 = arith.constant 0 : i32
    return %c0_i32, %arg0, %c0_i32_0 : i32, i32, i32
  }
  func.func @transform_1(%arg0: i32) -> (i32, i32, i32) {
    %c0_i32 = arith.constant 0 : i32
    %c0_i32_0 = arith.constant 0 : i32
    %c0_i32_1 = arith.constant 0 : i32
    return %c0_i32, %arg0, %c0_i32_0 : i32, i32, i32
  }
  func.func @transform_2(%arg0: i32) -> (i32, i32) {
    %c0_i32 = arith.constant 0 : i32
    %c0_i32_0 = arith.constant 0 : i32
    return %arg0, %c0_i32 : i32, i32
  }
  func.func @transform_3(%arg0: i32) -> (i32, i32) {
    %c0_i32 = arith.constant 0 : i32
    %c0_i32_0 = arith.constant 0 : i32
    return %arg0, %c0_i32 : i32, i32
  }
  func.func @transform_4(%arg0: i32) -> (i32, i32) {
    %c0_i32 = arith.constant 0 : i32
    %c0_i32_0 = arith.constant 0 : i32
    return %arg0, %c0_i32 : i32, i32
  }
}

</mosaic_0001>

<sc_bundles>
// kernel: kernel.10.cloned.1.call-start
scs
__scs_entry_jumppad:
0x0: {  	(pc) =	sbr.rel $0x88, $3  }
0x1: {  	(tag) =	ssettag $0x0;
	lr =	simm.s32 $0x1  }
0x2: {  	[smem:$0x3F99] =	sst lr;
	_ =	strace $0xD0000000  }
0x3: {  	_ = 	snop  }
0x4: {  	_ = 	snop  }
0x5: {  	_ = 	snop  }
0x6: {  	_ = 	snop  }
0x7: {  	_ = 	snop  }
__scs_overlays_trampoline_lowered:
0x8: {  	[smem:$0x3FA8] =	sst s0  }
0x9: {  	[smem:$0x3FA9] =	sst s1  }
0xa: {  	[smem:$0x3FAA] =	sst s2  }
0xb: {  	[smem:$0x3FAB] =	sst s3  }
0xc: {  	[smem:$0x3FAC] =	sst s4  }
0xd: {  	[smem:$0x3FAD] =	sst s5  }
0xe: {  	[smem:$0x3FAE] =	sst s6  }
0xf: {  	[smem:$0x3FAF] =	sst s7  }
0x10: {  	[smem:$0x3FB0] =	sst s8  }
0x11: {  	[smem:$0x3FB1] =	sst s9;
	s0 =	simm.s32 @!p0 $0x0  }
0x12: {  	s1 =	sld [smem:$0x3F97];
	s0 =	simm.s32 @p0 $0x1  }
0x13: {  	[smem:$0x3FB2] =	sst s0;
	s0 =	simm.s32 @!p1 $0x0  }
0x14: {  	s2 =	sld [smem:$0x3F96];
	s0 =	simm.s32 @p1 $0x1  }
0x15: {  	[smem:$0x3FB3] =	sst s0;
	s0 =	simm.s32 @!p2 $0x0  }
0x16: {  	s3 =	sld [smem:$0x3FDB];
	s0 =	simm.s32 @p2 $0x1  }
0x17: {  	s4 =	simm.s32 $0x1BF5;
	[smem:$0x3FB5] =	sst s0  }
0x18: {  	s0 =	sld [smem:$0x3F98];
	_ =	swait.ge [sflag:s4], $0x0  }
0x19: {  	s7 =	sld [smem:$0x3F99]  }
0x1a: {  	s8 =	sadd.s32 $0xFFFFE003, lr  }
0x1b: {  	s9 =	sadd.s32 $0xFFFFFEF7, lr;
	s5 =	simm.s32 $0xFFFFFFFF;
	p2 =	slt.u32 s8, $0xFFFFF086  }
0x1c: {  	p1 =	slt.u32 s9, $0xF7A;
	s5 =	simm.s32 @!p2 $0x0  }
0x1d: {  	s5 =	simm.s32 @p1 $0x1;
	p0 =	seq.s32 s7, s2  }
0x1e: {  	s7 =	smul.u32 @!p0 $0xF7A, s2;
	p2 =	seq.s32 @!p0 s5, $0x0  }
0x1f: {  	s9 =	smul.u32 $0xF7A, s1;
	s8 =	simm.s32 @!p0 $0x1BF5;
	p2 =	por !p2, p0  }
0x20: {  	[sflag:s8] =	ssyncset.s32 @!p0 $0xFFFFF086;
	s6 =	sadd.s32 @!p0 s3, s7;
	s7 =	simm.s32 @!p0 $0x108  }
0x21: {  	s3 =	sadd.s32 s3, s9;
	s6 =	sadd.s32 @!p0 $0x88, s6;
	s7 =	simm.s32 @p2 $0x1082  }
0x22: {  	[simem:s7], [sflag:s8] =	dma.local @!p0 [hbm:s6], $0xF7A  }
0x23: {  	s9 =	sor.u32 $0xD0000000, s2;
	s6 =	simm.s32 $0x108;
	_ =	swait.ge @!p0 [sflag:s8], $0x0  }
0x24: {  	s3 =	sadd.s32 $0x88, s3;
	s6 =	simm.s32 @!p1 $0x1082;
	[sflag:s4] =	ssyncset.s32 $0xFFFFF086  }
0x25: {  	[simem:s6], [sflag:s4] =	dma.local [hbm:s3], $0xF7A  }
0x26: {  	[smem:$0x3F99] =	sst s1;
	(tag) =	ssettag s2;
	_ =	strace s9  }
0x27: {  	s1 =	sld [smem:$0x3FA9]  }
0x28: {  	s2 =	sld [smem:$0x3FAA]  }
0x29: {  	s4 =	sld [smem:$0x3FAC]  }
0x2a: {  	p0 =	seq.s32 s5, $0x0;
	s5 =	sld [smem:$0x3FAD]  }
0x2b: {  	s6 =	sld [smem:$0x3FAE]  }
0x2c: {  	s7 =	sld [smem:$0x3FAF]  }
0x2d: {  	s3 =	simm.s32 $0x108;
	s8 =	sld [smem:$0x3FB0]  }
0x2e: {  	s3 =	simm.s32 @!p0 $0x1082;
	s9 =	sld [smem:$0x3FB1]  }
0x2f: {  	lr =	sadd.s32 s0, s3;
	s0 =	sld [smem:$0x3FA8]  }
0x30: {  	s3 =	sld [smem:$0x3FAB]  }
0x31: {  	[smem:$0x3FB4] =	sst s10  }
0x32: {  	s10 =	sld [smem:$0x3FB2];
	_ =	sdelay $0x3  }
0x33: {  	p0 =	seq.s32 s10, $0x1;
	s10 =	sld [smem:$0x3FB4];
	_ =	sdelay $0x3  }
0x34: {  	[smem:$0x3FB4] =	sst s10  }
0x35: {  	s10 =	sld [smem:$0x3FB3];
	_ =	sdelay $0x3  }
0x36: {  	p1 =	seq.s32 s10, $0x1;
	s10 =	sld [smem:$0x3FB4];
	_ =	sdelay $0x3  }
0x37: {  	[smem:$0x3FB4] =	sst s10  }
0x38: {  	s10 =	sld [smem:$0x3FB5]  }
0x39: {  	_ = 	snop;
	(pc) =	sbr.ind lr, $3  }
0x3a: {  	_ = 	snop  }
0x3b: {  	_ = 	snop  }
0x3c: {  	p2 =	seq.s32 s10, $0x1;
	s10 =	sld [smem:$0x3FB4]  }
0x3d: {  	_ =	shalt  }
0x3e: {  	_ =	shalt  }
0x3f: {  	_ =	shalt  }
0x40: {  	_ =	shalt  }
0x41: {  	_ =	shalt  }
0x42: {  	_ =	shalt  }
0x43: {  	_ =	shalt  }
0x44: {  	_ =	shalt  }
0x45: {  	_ =	shalt  }
0x46: {  	_ =	shalt  }
0x47: {  	_ =	shalt  }
0x48: {  	_ =	shalt  }
0x49: {  	_ =	shalt  }
0x4a: {  	_ =	shalt  }
0x4b: {  	_ =	shalt  }
0x4c: {  	_ =	shalt  }
0x4d: {  	_ =	shalt  }
0x4e: {  	_ =	shalt  }
0x4f: {  	_ =	shalt  }
0x50: {  	_ =	shalt  }
0x51: {  	_ =	shalt  }
0x52: {  	_ =	shalt  }
0x53: {  	_ =	shalt  }
0x54: {  	_ =	shalt  }
0x55: {  	_ =	shalt  }
0x56: {  	_ =	shalt  }
0x57: {  	_ =	shalt  }
0x58: {  	_ =	shalt  }
0x59: {  	_ =	shalt  }
0x5a: {  	_ =	shalt  }
0x5b: {  	_ =	shalt  }
0x5c: {  	_ =	shalt  }
0x5d: {  	_ =	shalt  }
0x5e: {  	_ =	shalt  }
0x5f: {  	_ =	shalt  }
0x60: {  	_ =	shalt  }
0x61: {  	_ =	shalt  }
0x62: {  	_ =	shalt  }
0x63: {  	_ =	shalt  }
0x64: {  	_ =	shalt  }
0x65: {  	_ =	shalt  }
0x66: {  	_ =	shalt  }
0x67: {  	_ =	shalt  }
0x68: {  	_ =	shalt  }
0x69: {  	_ =	shalt  }
0x6a: {  	_ =	shalt  }
0x6b: {  	_ =	shalt  }
0x6c: {  	_ =	shalt  }
0x6d: {  	_ =	shalt  }
0x6e: {  	_ =	shalt  }
0x6f: {  	_ =	shalt  }
0x70: {  	_ =	shalt  }
0x71: {  	_ =	shalt  }
0x72: {  	_ =	shalt  }
0x73: {  	_ =	shalt  }
0x74: {  	_ =	shalt  }
0x75: {  	_ =	shalt  }
0x76: {  	_ =	shalt  }
0x77: {  	_ =	shalt  }
0x78: {  	_ =	shalt  }
0x79: {  	_ =	shalt  }
0x7a: {  	_ =	shalt  }
0x7b: {  	_ =	shalt  }
0x7c: {  	_ =	shalt  }
0x7d: {  	_ =	shalt  }
0x7e: {  	_ =	shalt  }
0x7f: {  	_ =	shalt  }
0x80: {  	_ =	shalt  }
0x81: {  	_ =	shalt  }
0x82: {  	_ =	shalt  }
0x83: {  	_ =	shalt  }
0x84: {  	_ =	shalt  }
0x85: {  	_ =	shalt  }
0x86: {  	_ =	shalt  }
0x87: {  	_ =	shalt  }
.Lfunc_end0:
.L_simem_size_0:
called_computation.1_lowered:
.L_overlay_start_0:
0x88: {  	s2 =	sld [smem:$0x3FD9]  }
0x89: {  	s3 =	sld [smem:$0x3FFE];
	_ =	sdelay $0x1  }
0x8a: {  	s1 =	srdreg.scid  }
0x8b: {  	s0 =	sand.u32 $0x1, s1  }
0x8c: {  	s17 =	sshll.u32 s0, $0xA;
	s2 =	sadd.s32 s3, s2  }
0x8d: {  	s2 =	sadd.s32 s2, s17  }
0x8e: {  	[smem:$0x3FC0] =	sst s2  }
0x8f: {  	_ = 	snop  }
0x90: {  	s2 =	sld [smem:$0x3FD0];
	(tm) =	ssettm $0x1  }
0x91: {  	s18 =	sld [smem:$0x3FFB];
	_ =	sdelay $0x3  }
0x92: {  	_ =	strace s18  }
0x93: {  	s3 =	sld [smem:$0x3FFC];
	_ =	sdelay $0x3  }
0x94: {  	_ =	strace s3  }
0x95: {  	s3 =	sld [smem:$0x3FFD];
	_ =	sdelay $0x3  }
0x96: {  	_ =	strace s3  }
0x97: {  	_ =	strace $0x8FFFFFFF  }
0x98: {  	s19 =	sld [smem:$0x3FDB];
	_ =	sdelay $0x1  }
0x99: {  	s4 =	simm.s32 $_scs_section_size  }
0x9a: {  	s5 =	simm.s32 $_size__tile_overlayer_lowered;
	s6 =	simm.s32 $_tile_overlayer_lowered  }
0x9b: {  	s22 =	simm.s32 $0x1BFF;
	s21 =	sshll.u32 s6, $0x1;
	s3 =	sadd.s32 s4, s19  }
0x9c: {  	s7 =	simm.s32 $0x0;
	s20 =	sshll.u32 s5, $0x1;
	s5 =	sadd.s32 s21, s3  }
0x9d: {  	[timem:s7], [sflag:s22] =	dma.local [hbm:s5], s20  }
0x9e: {  	_ =	swait.ge [sflag:s22], s20  }
0x9f: {  	s4 =	ssub.s32 $0x0, s20;
	[sflag:s22] =	ssyncset.done $0x0  }
0xa0: {  	[sflag:s22] =	ssyncadd.s32 s4;
	_ =	sdelay $0x1  }
0xa1: {  	s23 =	simm.s32 $0x1B8B  }
0xa2: {  	_ =	swait.ge [sflag:s23], $0x1  }
0xa3: {  	[sflag:s23] =	ssyncset.done $0x0  }
0xa4: {  	s25 =	simm.s32 $0x1B8E;
	s24 =	sld [smem:$0x3FFE];
	[sflag:s23] =	ssyncadd.s32 $0xFFFFFFFF  }
0xa5: {  	s26 =	simm.s32 $execute0_lowered;
	[smem:$0x3FD2] =	sst s25  }
0xa6: {  	s5 =	sshll.u32 s26, $0x1;
	_ =	strace $0x80000049;
	[dreg:$0x1] =	wrdreg $0xFFFFFFFF  }
0xa7: {  	s28 =	simm.s32 $_size_execute0_lowered;
	s3 =	sadd.s32 s3, s5;
	[dreg:$0x0] =	wrdreg $0x0  }
0xa8: {  	s5 =	sshll.u32 s28, $0x1;
	[dreg:$0x2] =	wrdreg s3  }
0xa9: {  	[dreg:$0x3] =	wrdreg s5  }
0xaa: {  	[dreg:$0x4] =	wrdreg $0xC0  }
0xab: {  	_ =	task [dreg:s7], $0x5FFFF  }
0xac: {  	[dreg:$0x1] =	wrdreg $0xFFFFFFFF  }
0xad: {  	[dreg:$0x0] =	wrdreg $0x60  }
0xae: {  	[dreg:$0x2] =	wrdreg s24  }
0xaf: {  	[dreg:$0x3] =	wrdreg s2  }
0xb0: {  	[dreg:$0x4] =	wrdreg $0xCF200  }
0xb1: {  	[dreg:$0x5] =	wrdreg $0x147200  }
0xb2: {  	[dreg:$0x6] =	wrdreg $0x9  }
0xb3: {  	_ =	task.clear_ibuf [dreg:s7], $0x7FFFF;
	_ =	strace $0x90000049  }
0xb4: {  	s29 =	simm.s32 $0x9;
	_ =	strace $0x8000004B  }
0xb5: {  	_ =	swait.ge [sflag:s29], $0x1  }
0xb6: {  	[sflag:s29] =	ssyncadd.s32 $0xFFFFFFFF  }
0xb7: {  	_ =	strace $0x9000004B  }
0xb8: {  	_ =	sfence  }
0xb9: {  	s30 =	sld [smem:$0x0];
	_ =	sdelay $0x2  }
0xba: {  	s31 =	sshll.u32 s1, $0xD;
	s1 =	sshrl.u32 s1, $0x2  }
0xbb: {  	s3 =	sand.u32 $0x4000, s31;
	s1 =	sadd.s32 s1, s30  }
0xbc: {  	s0 =	sor.u32 s3, s0;
	s1 =	sshll.u32 s1, $0x11  }
0xbd: {  	s0 =	sor.u32 s1, s0  }
0xbe: {  	s0 =	sadd.s32 $0x8F2B, s0  }
0xbf: {  	[sflag:s0] =	ssyncadd.remote.s32 $0x1  }
0xc0: {  	_ =	sfence.sel $0xFFFF  }
0xc1: {  	[dreg:$0x0] =	wrdreg $0xFFFFFFFF;
	(pc) =	sbr.abs _section_cstart, $3  }
0xc2: {  	[dreg:$0x1] =	wrdreg $0xFFFFFFFF  }
0xc3: {  	_ =	task.clear_ibuf [dreg:s7], $0x2FFFF;
	_ =	strace $0x9FFFFFFF  }
0xc4: {  	(tm) =	ssettm $0x7FFFFFFF  }
0xc5: {  	_ =	shalt  }
tec
execute0_lowered:
.L_overlay_start_1:
0x0: {  	(tag) =	ssettag $0x1  }
0x1: {  	s0 =	rddreg [dreg:$0x0]  }
0x2: {  	s2 =	rddreg [dreg:$0x1]  }
0x3: {  	s1 =	rddreg [dreg:$0x2]  }
0x4: {  	s3 =	rddreg [dreg:$0x3];
	s4 =	simm.s32 $0x0  }
0x5: {  	s5 =	srdreg.scid;
	s17 =	stileid.u32;
	s29 =	simm.s32 $0x80  }
0x6: {  	s30 =	simm.s32 $0xB720;
	s31 =	simm.s32 $0x1;
	s8 =	smul.u32 $0x7800, s17  }
0x7: {  	s28 =	simm.s32 $0x2;
	s7 =	sand.u32 $0x1, s5;
	s24 =	smul.u32 $0x280, s17  }
0x8: {  	s23 =	sshll.u32 s17, $0x1;
	[smem:$0x7FF] =	sst s4;
	s17 =	smul.u32 $0x1E000, s17  }
0x9: {  	s5 =	sadd.s32 $0x2600, s0;
	s10 =	sadd.s32 $0x11200, s0;
	s9 =	smul.u32 $0x78000, s7  }
0xa: {  	s6 =	sor.u32 s7, s23;
	_ =	strace $0x8000004A;
	s12 =	smul.u32 $0x2800, s7  }
0xb: {  	[dreg:$0x5] =	wrdreg s10;
	s7 =	ssub.s32 $0x2, s7;
	s6 =	smul.u32 $0x2800, s6  }
0xc: {  	s15 =	sadd.s32 $0x80, s24;
	s16 =	sshrl.u32 s7, $0x1;
	s18 =	sadd.s32 $0xC000, s17  }
0xd: {  	s21 =	sadd.s32 $0x12000, s17;
	s22 =	sadd.s32 $0x18000, s17;
	s9 =	sadd.s32 s8, s9  }
0xe: {  	s25 =	sadd.s32 s24, s12;
	s26 =	smul.u32 $0xC0, s15;
	s7 =	ssub.s32 s7, s16  }
0xf: {  	s8 =	sadd.s32 s8, s1;
	s19 =	sadd.s32 s15, s3;
	s20 =	sshrl.u32 s18, $0x2  }
0x10: {  	s12 =	sshrl.u32 s22, $0x2;
	s11 =	sshrl.u32 s6, $0x3;
	s9 =	sshrl.u32 s9, $0x3  }
0x11: {  	[dreg:$0x7] =	wrdreg s19;
	s22 =	smax.u32 s7, $0x1;
	s7 =	simm.s32 $0x0  }
0x12: {  	s13 =	sadd.s32 s11, s0;
	s14 =	sadd.s32 s9, s0;
	s9 =	sshrl.u32 s25, $0x3  }
0x13: {  	s16 =	sshrl.u32 s26, $0x2;
	s25 =	sadd.s32 s12, s1;
	s18 =	sadd.s32 s2, s11  }
0x14: {  	s0 =	sadd.s32 s9, s0;
	s10 =	sadd.s32 s16, s1;
	[dreg:$0xc] =	wrdreg s25  }
0x15: {  	s9 =	sadd.s32 s24, s3;
	[dreg:$0x6] =	wrdreg s10;
	s10 =	sadd.s32 s20, s1  }
0x16: {  	s2 =	simm.s32 $0x9EA0;
	s23 =	sadd.s32 $0x100, s9;
	[dreg:$0x8] =	wrdreg s10  }
0x17: {  	s19 =	sadd.s32 $0xDB800, s13;
	s24 =	sadd.s32 $0x180, s9;
	[dreg:$0x9] =	wrdreg s23  }
0x18: {  	s25 =	simm.s32 $0x9E20;
	s26 =	sadd.s32 $0x200, s9;
	[dreg:$0xb] =	wrdreg s24  }
0x19: {  	s20 =	sadd.s32 $0x12600, s14;
	s10 =	sshrl.u32 s21, $0x2;
	[dreg:$0xd] =	wrdreg s26  }
0x1a: {  	s21 =	sadd.s32 $0x11C00, s0;
	s23 =	simm.s32 $0x9F20;
	s10 =	sadd.s32 s10, s1  }
0x1b: {  	v0 =	vimm.f32 $0.0e+00;
	s24 =	simm.s32 $0x3;
	s0 =	simm.s32 $0x4;
	[dreg:$0xa] =	wrdreg s10  }
.LBB2_1:
0x1c: {  	s10 =	simm.s32 $0x9FE0  }
0x1d: {  	[tilespmem:s10+$0xFFFFFF40] =	vst v0  }
0x1e: {  	[tilespmem:s10+$0xB0] =	vst v0  }
0x1f: {  	[tilespmem:s10+$0xA0] =	vst v0  }
0x20: {  	[tilespmem:s10+$0x90] =	vst v0  }
0x21: {  	[tilespmem:s10+$0x80] =	vst v0  }
0x22: {  	[tilespmem:s10+$0x70] =	vst v0  }
0x23: {  	[tilespmem:s10+$0x60] =	vst v0  }
0x24: {  	[tilespmem:s10+$0x50] =	vst v0  }
0x25: {  	[tilespmem:s10+$0x40] =	vst v0  }
0x26: {  	[tilespmem:s10+$0x30] =	vst v0  }
0x27: {  	[tilespmem:s10+$0x20] =	vst v0  }
0x28: {  	[tilespmem:s10+$0x10] =	vst v0  }
0x29: {  	[tilespmem:s10+$0x0] =	vst v0  }
0x2a: {  	[tilespmem:s10+$0xFFFFFFF0] =	vst v0  }
0x2b: {  	[tilespmem:s10+$0xFFFFFFE0] =	vst v0  }
0x2c: {  	[tilespmem:s10+$0xFFFFFFD0] =	vst v0  }
0x2d: {  	[tilespmem:s10+$0xFFFFFFC0] =	vst v0  }
0x2e: {  	[tilespmem:s10+$0xFFFFFFB0] =	vst v0  }
0x2f: {  	[tilespmem:s10+$0xFFFFFFA0] =	vst v0  }
0x30: {  	[tilespmem:s10+$0xFFFFFF90] =	vst v0  }
0x31: {  	[tilespmem:s10+$0xFFFFFF80] =	vst v0  }
0x32: {  	[tilespmem:s10+$0xFFFFFF70] =	vst v0  }
0x33: {  	s11 =	simm.s32 $0x0;
	[tilespmem:s10+$0xFFFFFF60] =	vst v0  }
.LBB2_2:
0x34: {  	s11 =	sadd.s32 $0x8, s11;
	[tilespmem:s10+$0xFFFFFF50] =	vst v0;
	s10 =	sadd.s32 $0x180, s10  }
0x35: {  	[tilespmem:s10+$0xFFFFFF40] =	vst v0;
	p0 =	slt.u32 s11, $0x78  }
0x36: {  	[tilespmem:s10+$0xB0] =	vst v0  }
0x37: {  	[tilespmem:s10+$0xA0] =	vst v0  }
0x38: {  	[tilespmem:s10+$0x90] =	vst v0  }
0x39: {  	[tilespmem:s10+$0x80] =	vst v0  }
0x3a: {  	[tilespmem:s10+$0x70] =	vst v0  }
0x3b: {  	[tilespmem:s10+$0x60] =	vst v0  }
0x3c: {  	[tilespmem:s10+$0x50] =	vst v0  }
0x3d: {  	[tilespmem:s10+$0x40] =	vst v0  }
0x3e: {  	[tilespmem:s10+$0x30] =	vst v0  }
0x3f: {  	[tilespmem:s10+$0x20] =	vst v0  }
0x40: {  	[tilespmem:s10+$0x10] =	vst v0  }
0x41: {  	[tilespmem:s10+$0x0] =	vst v0  }
0x42: {  	[tilespmem:s10+$0xFFFFFFF0] =	vst v0  }
0x43: {  	[tilespmem:s10+$0xFFFFFFE0] =	vst v0  }
0x44: {  	[tilespmem:s10+$0xFFFFFFD0] =	vst v0  }
0x45: {  	[tilespmem:s10+$0xFFFFFFC0] =	vst v0  }
0x46: {  	[tilespmem:s10+$0xFFFFFFB0] =	vst v0  }
.Ltmp0:
0x47: {  	[tilespmem:s10+$0xFFFFFFA0] =	vst v0;
	(pc) =	sbr.rel @p0 .LBB2_2-.Ltmp0, $4  }
0x48: {  	[tilespmem:s10+$0xFFFFFF90] =	vst v0  }
0x49: {  	[tilespmem:s10+$0xFFFFFF80] =	vst v0  }
0x4a: {  	[tilespmem:s10+$0xFFFFFF70] =	vst v0  }
0x4b: {  	[tilespmem:s10+$0xFFFFFF60] =	vst v0  }
0x4c: {  	[tilespmem:s10+$0xFFFFFF50] =	vst v0  }
0x4d: {  	[tilespmem:$0x9E20] =	vst v0  }
0x4e: {  	[tilespmem:$0x9E30] =	vst v0  }
0x4f: {  	[tilespmem:$0x9E40] =	vst v0  }
0x50: {  	[tilespmem:$0x9E50] =	vst v0  }
0x51: {  	[tilespmem:$0x9E60] =	vst v0  }
0x52: {  	[tilespmem:$0x9E70] =	vst v0  }
0x53: {  	[tilespmem:$0x9E80] =	vst v0  }
0x54: {  	[tilespmem:$0x9E90] =	vst v0  }
0x55: {  	[spmem:s8] =	stream.linear.scatter [tilespmem:s23], [sflag:$0x3], $0x1800, $0x38;
	[tilespmem:$0x149A0] =	vst v63  }
0x56: {  	_ =	swait.ge [sflag:s24], $0x1800  }
0x57: {  	[sflag:s24] =	ssyncset.done $0x0  }
0x58: {  	[sflag:s24] =	ssyncadd.s32 $0xFFFFE800  }
0x59: {  	[spmem:s9] =	stream.linear.scatter [tilespmem:s25], [sflag:$0x3], $0x80, $0x38;
	[tilespmem:$0x149A0] =	vst v63  }
0x5a: {  	_ =	swait.ge [sflag:s24], $0x80  }
0x5b: {  	[sflag:s24] =	ssyncset.done $0x0  }
0x5c: {  	s26 =	rddreg [dreg:$0x6];
	[sflag:s24] =	ssyncadd.s32 $0xFFFFFF80  }
0x5d: {  	[spmem:s26] =	stream.linear.scatter [tilespmem:s23], [sflag:$0x3], $0x1800, $0x38;
	[tilespmem:$0x149A0] =	vst v63  }
0x5e: {  	_ =	swait.ge [sflag:s24], $0x1800  }
0x5f: {  	[sflag:s24] =	ssyncset.done $0x0  }
0x60: {  	s11 =	rddreg [dreg:$0x7];
	[sflag:s24] =	ssyncadd.s32 $0xFFFFE800  }
0x61: {  	[spmem:s11] =	stream.linear.scatter [tilespmem:s25], [sflag:$0x3], $0x80, $0x38;
	[tilespmem:$0x149A0] =	vst v63  }
0x62: {  	_ =	swait.ge [sflag:s24], $0x80  }
0x63: {  	[sflag:s24] =	ssyncset.done $0x0  }
0x64: {  	s12 =	rddreg [dreg:$0x8];
	[sflag:s24] =	ssyncadd.s32 $0xFFFFFF80  }
0x65: {  	[spmem:s12] =	stream.linear.scatter [tilespmem:s23], [sflag:$0x3], $0x1800, $0x38;
	[tilespmem:$0x149A0] =	vst v63  }
0x66: {  	_ =	swait.ge [sflag:s24], $0x1800  }
0x67: {  	[sflag:s24] =	ssyncset.done $0x0  }
0x68: {  	s13 =	rddreg [dreg:$0x9];
	[sflag:s24] =	ssyncadd.s32 $0xFFFFE800  }
0x69: {  	[spmem:s13] =	stream.linear.scatter [tilespmem:s25], [sflag:$0x3], $0x80, $0x38;
	[tilespmem:$0x149A0] =	vst v63  }
0x6a: {  	_ =	swait.ge [sflag:s24], $0x80  }
0x6b: {  	[sflag:s24] =	ssyncset.done $0x0  }
0x6c: {  	s14 =	rddreg [dreg:$0xa];
	[sflag:s24] =	ssyncadd.s32 $0xFFFFFF80  }
0x6d: {  	[spmem:s14] =	stream.linear.scatter [tilespmem:s23], [sflag:$0x3], $0x1800, $0x38;
	[tilespmem:$0x149A0] =	vst v63  }
0x6e: {  	_ =	swait.ge [sflag:s24], $0x1800  }
0x6f: {  	[sflag:s24] =	ssyncset.done $0x0  }
0x70: {  	s15 =	rddreg [dreg:$0xb];
	[sflag:s24] =	ssyncadd.s32 $0xFFFFE800  }
0x71: {  	[spmem:s15] =	stream.linear.scatter [tilespmem:s25], [sflag:$0x3], $0x80, $0x38;
	[tilespmem:$0x149A0] =	vst v63  }
0x72: {  	_ =	swait.ge [sflag:s24], $0x80  }
0x73: {  	[sflag:s24] =	ssyncset.done $0x0  }
0x74: {  	s16 =	rddreg [dreg:$0xc];
	[sflag:s24] =	ssyncadd.s32 $0xFFFFFF80  }
0x75: {  	[spmem:s16] =	stream.linear.scatter [tilespmem:s23], [sflag:$0x3], $0x1800, $0x38;
	[tilespmem:$0x149A0] =	vst v63  }
0x76: {  	_ =	swait.ge [sflag:s24], $0x1800  }
0x77: {  	[sflag:s24] =	ssyncset.done $0x0  }
0x78: {  	s17 =	rddreg [dreg:$0xd];
	[sflag:s24] =	ssyncadd.s32 $0xFFFFE800  }
0x79: {  	[spmem:s17] =	stream.linear.scatter [tilespmem:s25], [sflag:$0x3], $0x80, $0x38;
	[tilespmem:$0x149A0] =	vst v63  }
0x7a: {  	_ =	swait.ge [sflag:s24], $0x80  }
0x7b: {  	[sflag:s24] =	ssyncset.done $0x0  }
0x7c: {  	[sflag:s24] =	ssyncadd.s32 $0xFFFFFF80  }
0x7d: {  	[bflag:$0x0] =	sbarrier.arrive $0xFFFF  }
0x7e: {  	s10 =	simm.s32 $0x0;
	s11 =	rddreg [dreg:$0x5]  }
0x7f: {  	[tilespmem:s10], [sflag:$0x3] =	stream.linear.gather [hbm4b:s11+s10], $0x4E20, $0x38;
	[tilespmem:$0x149A0] =	vst v63  }
0x80: {  	_ =	swait.ge [sflag:s24], $0x4E20  }
0x81: {  	[sflag:s24] =	ssyncset.done $0x0  }
0x82: {  	s26 =	simm.s32 $0x4E20;
	[sflag:s24] =	ssyncadd.s32 $0xFFFFB1E0  }
0x83: {  	[tilespmem:s26], [sflag:$0x3] =	stream.linear.gather [hbm4b:s18+s10], $0x2800, $0x38;
	[tilespmem:$0x149A0] =	vst v63  }
0x84: {  	_ =	swait.ge [sflag:s24], $0x2800  }
0x85: {  	[sflag:s24] =	ssyncset.done $0x0  }
0x86: {  	s12 =	simm.s32 $0x7620;
	[sflag:s24] =	ssyncadd.s32 $0xFFFFD800  }
0x87: {  	[tilespmem:s12], [sflag:$0x3] =	stream.linear.gather [hbm4b:s19+s10], $0x2800, $0x38;
	[tilespmem:$0x149A0] =	vst v63  }
0x88: {  	_ =	swait.ge [sflag:s24], $0x2800  }
0x89: {  	[sflag:s24] =	ssyncset.done $0x0  }
0x8a: {  	[sflag:s24] =	ssyncadd.s32 $0xFFFFD800  }
0x8b: {  	[tilespmem:s23], [sflag:$0x1] =	stream.indirect.gather [hbm4b:s5+s29], $0x30, s26, s29, $0xb8;
	[tilespmem:$0x149A0] =	vst v63  }
.LBB2_4:
0x8c: {  	s26 =	sshll.u32 s10, $0x8  }
0x8d: {  	s12 =	sshllo.u32 s10, $0x1;
	s14 =	sadd.s32 $0x4E20, s26  }
0x8e: {  	s11 =	sshll.u32 s12, $0x9;
	s15 =	sadd.s32 $0x7620, s26;
	v1 =	vmov s14  }
0x8f: {  	s11 =	sshrl.u32 s11, $0x2;
	v2 =	vmov s15  }
0x90: {  	s13 =	sadd.s32 $0x4E20, s11  }
0x91: {  	[tilespmem:s30], [sflag:$0x2] =	stream.indirect.gather [hbm4b:s5+s29], $0x30, s13, s29, $0xb8;
	[tilespmem:$0x149A0] =	vst v63  }
0x92: {  	p0 =	por $0x1, $0x1;
	s13 =	sadd.s32 s6, s26;
	s26 =	simm.s32 $0x0  }
.LBB2_5:
0x93: {  	v3 =	vld.idx.msk [tilespmem:v1+s26+$0x0 ss:$0x1], $0xffff  }
0x94: {  	v4 =	vld.idx.msk [tilespmem:v2+s26+$0x0 ss:$0x1], $0xffff;
	s14 =	sor.u32 $0x10, s26  }
0x95: {  	v5 =	vld.idx.msk [tilespmem:v1+s14+$0x0 ss:$0x1], $0xffff  }
0x96: {  	s15 =	sor.u32 $0x20, s26;
	v6 =	vld.idx.msk [tilespmem:v2+s14+$0x0 ss:$0x1], $0xffff  }
0x97: {  	s16 =	sor.u32 $0x30, s26;
	v7 =	vld.idx.msk [tilespmem:v1+s15+$0x0 ss:$0x1], $0xffff  }
0x98: {  	v9 =	vld.idx.msk [tilespmem:v1+s16+$0x0 ss:$0x1], $0xffff  }
0x99: {  	v8 =	vld.idx.msk [tilespmem:v2+s15+$0x0 ss:$0x1], $0xffff;
	v3 =	vshll.u32 v3, $0x1;
	v4 =	vshll.u32 v4, $0x1  }
0x9a: {  	v10 =	vld.idx.msk [tilespmem:v2+s16+$0x0 ss:$0x1], $0xffff;
	v4 =	vor.u32 $0x1, v4  }
0x9b: {  	v5 =	vshll.u32 v5, $0x1  }
0x9c: {  	v7 =	vshll.u32 v7, $0x1  }
0x9d: {  	v6 =	vshll.u32 v6, $0x1;
	v9 =	vshll.u32 v9, $0x1  }
0x9e: {  	v8 =	vshll.u32 v8, $0x1;
	v6 =	vor.u32 $0x1, v6;
	v3 =	vld.idx.msk [tilespmem:v3+s4+$0x0], $0xffff  }
0x9f: {  	v10 =	vshll.u32 v10, $0x1;
	v8 =	vor.u32 $0x1, v8;
	v4 =	vld.idx.msk [tilespmem:v4+s4+$0x0], $0xffff  }
0xa0: {  	v10 =	vor.u32 $0x1, v10;
	v5 =	vld.idx.msk [tilespmem:v5+s4+$0x0], $0xffff  }
0xa1: {  	v7 =	vld.idx.msk [tilespmem:v7+s4+$0x0], $0xffff  }
0xa2: {  	v9 =	vld.idx.msk [tilespmem:v9+s4+$0x0], $0xffff  }
0xa3: {  	v6 =	vld.idx.msk [tilespmem:v6+s4+$0x0], $0xffff  }
0xa4: {  	v8 =	vld.idx.msk [tilespmem:v8+s4+$0x0], $0xffff  }
0xa5: {  	v10 =	vld.idx.msk [tilespmem:v10+s4+$0x0], $0xffff;
	_ =	sdelay $0x1  }
0xa6: {  	v3 =	vadd.f32 v4, v3;
	_ =	sdelay $0x1  }
0xa7: {  	v56 =	vadd.f32 v6, v5;
	v57 =	vmul.f32 $2.000000030e-01, v3  }
0xa8: {  	v58 =	vadd.f32 v8, v7;
	v60 =	vadd.f32 v10, v9;
	vm0 =	vgt.f32 v3, $0.0e+00  }
0xa9: {  	v59 =	vmul.f32 $2.000000030e-01, v56;
	vm13 =	vgt.f32 v56, $0.0e+00;
	v3 =	vsel vm0, v3, v57  }
0xaa: {  	v8 =	vmul.f32 $2.000000030e-01, v58;
	vm14 =	vgt.f32 v58, $0.0e+00;
	v3 =	vmul.f32 $1.442695020e+00, v3  }
0xab: {  	v61 =	vmul.f32 $2.000000030e-01, v60;
	vm15 =	vgt.f32 v60, $0.0e+00;
	v4 =	vsel vm13, v56, v59  }
0xac: {  	v6 =	vsel vm14, v58, v8;
	v4 =	vmul.f32 $1.442695020e+00, v4;
	(erf) = vpow2.f32 v3  }
0xad: {  	v62 =	vmul.f32 $1.442695020e+00, v6;
	v3 =	vsel vm15, v60, v61  }
0xae: {  	(erf) = vpow2.f32 v4;
	v3 =	vmul.f32 $1.442695020e+00, v3  }
0xaf: {  	(erf) = vpow2.f32 v62  }
0xb0: {  	(erf) = vpow2.f32 v3;
	_ =	sdelay $0x3  }
0xb1: {  	s17 =	sor.u32 s13, s26  }
0xb2: {  	p1 =	slt.u32 s17, $0x4E200;
	v3 =	vpop (erf)  }
0xb3: {  	s14 =	sor.u32 s13, s14;
	v3 =	vpsel !p1, $0x0, v3;
	p1 =	por p0, p0  }
.Ltmp1:
0xb4: {  	s15 =	sor.u32 s13, s15;
	p2 =	slt.u32 s14, $0x4E200;
	v4 =	vpop (erf);
	(pc) =	sbr.rel @p1 .LBB2_5-.Ltmp1, $4  }
0xb5: {  	s17 =	sor.u32 s13, s16;
	p5 =	slt.u32 s15, $0x4E200;
	v4 =	vpsel !p2, $0x0, v4;
	v5 =	vpop (erf);
	[tilespmem:s26+$0x9E20] =	vst v3  }
0xb6: {  	p6 =	slt.u32 s17, $0x4E200;
	[tilespmem:s26+$0x9E30] =	vst v4;
	v3 =	vpsel !p5, $0x0, v5;
	v63 =	vpop (erf)  }
0xb7: {  	[tilespmem:s26+$0x9E40] =	vst v3;
	v3 =	vpsel !p6, $0x0, v63  }
0xb8: {  	p0 =	por $0x0, $0x0;
	[tilespmem:s26+$0x9E50] =	vst v3;
	s26 =	simm.s32 $0x40  }
0xb9: {  	s13 =	simm.s32 $0x0  }
0xba: {  	s14 =	simm.s32 $0x1;
	v1 =	vmov s13  }
0xbb: {  	s16 =	simm.s32 $0x2;
	v3 =	vmov s14;
	v1 =	vand.u32 $0xFFFFFFFC, v1  }
0xbc: {  	v4 =	vbroadcast v1, $0x0;
	v1 =	vand.u32 $0xFFFFFFFD, v3;
	v3 =	vmov s16  }
0xbd: {  	s15 =	simm.s32 $0x3;
	v5 =	vbroadcast v1, $0x0;
	v1 =	vand.u32 $0xFFFFFFFE, v3  }
0xbe: {  	_ =	swait.ge [sflag:s31], $0x1800;
	v2 =	vmov s15;
	v6 =	vbroadcast v1, $0x0  }
0xbf: {  	[sflag:s31] =	ssyncset.done $0x0  }
0xc0: {  	s13 =	simm.s32 $0x9F80;
	[sflag:s31] =	ssyncadd.s32 $0xFFFFE800  }
0xc1: {  	v11 =	vld [tilespmem:s13+$0xFFFFFFA0]  }
0xc2: {  	v10 =	vld [tilespmem:s13+$0xFFFFFFB0]  }
0xc3: {  	v1 =	vld.idx.msk [tilespmem:v2+s25+$0x0], $0xffff  }
0xc4: {  	v2 =	vld.idx.msk [tilespmem:v6+s25+$0x0], $0xffff  }
0xc5: {  	v6 =	vld [tilespmem:s13+$0x20]  }
0xc6: {  	v4 =	vld.idx.msk [tilespmem:v4+s25+$0x0], $0xffff  }
0xc7: {  	v8 =	vld [tilespmem:s13+$0xFFFFFFC0]  }
0xc8: {  	s17 =	simm.s32 $0x4;
	v7 =	vld [tilespmem:s13+$0xFFFFFFD0]  }
0xc9: {  	s15 =	simm.s32 $0x5;
	v3 =	vld.idx.msk [tilespmem:v5+s25+$0x0], $0xffff;
	v5 =	vmov s17  }
0xca: {  	s26 =	simm.s32 $0x7;
	v14 =	vmov s15;
	v9 =	vld [tilespmem:s13+$0xFFFFFFE0];
	v12 =	vand.u32 $0xFFFFFFFC, v5;
	v13 =	vmul.f32 v6, v2  }
0xcb: {  	s14 =	simm.s32 $0x8;
	s15 =	simm.s32 $0x6;
	v5 =	vmov s26;
	s26 =	simm.s32 $0x9F80;
	v6 =	vbroadcast v12, $0x0;
	v12 =	vmul.f32 v11, v4;
	v11 =	vld [tilespmem:s13+$0xFFFFFFF0]  }
.LBB2_7:
0xcc: {  	p0 =	slt.u32 s14, $0x7C;
	v14 =	vand.u32 $0xFFFFFFFD, v14;
	v15 =	vmov s15;
	v10 =	vmul.f32 v10, v4;
	v16 =	vld [tilespmem:s13+$0x0];
	[tilespmem:s13+$0x20] =	vst v13  }
0xcd: {  	v13 =	vbroadcast v14, $0x0;
	v14 =	vand.u32 $0xFFFFFFFE, v15;
	[tilespmem:s13+$0xFFFFFFA0] =	vst v12;
	v4 =	vmul.f32 v8, v4;
	v8 =	vld [tilespmem:s13+$0x10]  }
0xce: {  	v12 =	vbroadcast v14, $0x0;
	[tilespmem:s13+$0xFFFFFFB0] =	vst v10;
	v7 =	vmul.f32 v7, v3;
	v10 =	vld [tilespmem:s13+$0x30]  }
0xcf: {  	[tilespmem:s13+$0xFFFFFFC0] =	vst v4;
	v4 =	vmul.f32 v9, v3;
	v9 =	vld [tilespmem:s13+$0x40]  }
0xd0: {  	[tilespmem:s13+$0xFFFFFFD0] =	vst v7;
	v3 =	vmul.f32 v11, v3;
	v7 =	vld [tilespmem:s13+$0x50]  }
0xd1: {  	v5 =	vld.idx.msk [tilespmem:v5+s25+$0x0], $0xffff;
	[tilespmem:s13+$0xFFFFFFE0] =	vst v4;
	v11 =	vmul.f32 v16, v2  }
0xd2: {  	v4 =	vld.idx.msk [tilespmem:v6+s25+$0x0], $0xffff;
	[tilespmem:s13+$0xFFFFFFF0] =	vst v3;
	v6 =	vmul.f32 v8, v2  }
0xd3: {  	v3 =	vld.idx.msk [tilespmem:v13+s25+$0x0], $0xffff;
	[tilespmem:s13+$0x0] =	vst v11;
	v8 =	vmul.f32 v10, v1  }
0xd4: {  	s13 =	sadd.s32 $0xC0, s13;
	v2 =	vld.idx.msk [tilespmem:v12+s25+$0x0], $0xffff;
	[tilespmem:s26+$0x10] =	vst v6;
	v6 =	vmul.f32 v9, v1  }
0xd5: {  	v11 =	vld [tilespmem:s13+$0x20];
	[tilespmem:s26+$0x30] =	vst v8;
	v7 =	vmul.f32 v7, v1  }
0xd6: {  	v12 =	vld [tilespmem:s13+$0xFFFFFFA0];
	[tilespmem:s26+$0x40] =	vst v6  }
.Ltmp2:
0xd7: {  	v1 =	vmov v5;
	v10 =	vld [tilespmem:s13+$0xFFFFFFB0];
	[tilespmem:s26+$0x50] =	vst v7;
	s26 =	smov.u32 s13;
	(pc) =	sbr.rel @p0 .LBB2_7-.Ltmp2, $4  }
0xd8: {  	v8 =	vld [tilespmem:s13+$0xFFFFFFC0]  }
0xd9: {  	s15 =	sadd.s32 $0x3, s14;
	v5 =	vmov s14;
	v7 =	vld [tilespmem:s13+$0xFFFFFFD0]  }
0xda: {  	s16 =	sadd.s32 $0x1, s14;
	v6 =	vand.u32 $0xFFFFFFFC, v5;
	v5 =	vmov s15;
	v9 =	vld [tilespmem:s13+$0xFFFFFFE0];
	v13 =	vmul.f32 v11, v2  }
0xdb: {  	v14 =	vmov s16;
	s15 =	sadd.s32 $0x2, s14;
	s14 =	sadd.s32 $0x4, s14;
	v6 =	vbroadcast v6, $0x0;
	v12 =	vmul.f32 v12, v4;
	v11 =	vld [tilespmem:s13+$0xFFFFFFF0]  }
0xdc: {  	v15 =	vld [tilespmem:s13+$0x0]  }
0xdd: {  	v49 =	vld [tilespmem:s13+$0x10]  }
0xde: {  	v17 =	vld [tilespmem:s13+$0x30]  }
0xdf: {  	v18 =	vld [tilespmem:s13+$0x40]  }
0xe0: {  	v14 =	vand.u32 $0xFFFFFFFD, v14;
	[tilespmem:s13+$0x20] =	vst v13;
	v10 =	vmul.f32 v10, v4;
	v19 =	vld [tilespmem:s13+$0x50]  }
0xe1: {  	v16 =	vmov s15;
	v5 =	vld.idx.msk [tilespmem:v5+s25+$0x0], $0xffff;
	v47 =	vbroadcast v14, $0x0;
	[tilespmem:s13+$0xFFFFFFA0] =	vst v12;
	v50 =	vmul.f32 v8, v4  }
0xe2: {  	s14 =	sadd.s32 $0xC0, s13;
	v48 =	vand.u32 $0xFFFFFFFE, v16;
	v6 =	vld.idx.msk [tilespmem:v6+s25+$0x0], $0xffff;
	[tilespmem:s13+$0xFFFFFFB0] =	vst v10;
	v7 =	vmul.f32 v7, v3  }
0xe3: {  	v55 =	vld [tilespmem:s14+$0x20];
	v14 =	vbroadcast v48, $0x0;
	[tilespmem:s13+$0xFFFFFFC0] =	vst v50;
	v51 =	vmul.f32 v9, v3  }
0xe4: {  	v57 =	vld [tilespmem:s14+$0xFFFFFFB0];
	[tilespmem:s13+$0xFFFFFFD0] =	vst v7;
	v3 =	vmul.f32 v11, v3  }
0xe5: {  	v59 =	vld [tilespmem:s14+$0xFFFFFFD0];
	[tilespmem:s13+$0xFFFFFFE0] =	vst v51;
	v54 =	vmul.f32 v15, v2  }
0xe6: {  	v2 =	vmul.f32 v49, v2;
	[tilespmem:s13+$0xFFFFFFF0] =	vst v3;
	v3 =	vld [tilespmem:s14+$0xFFFFFFA0]  }
0xe7: {  	v56 =	vmul.f32 v17, v1;
	v52 =	vld.idx.msk [tilespmem:v47+s25+$0x0], $0xffff;
	[tilespmem:s13+$0x0] =	vst v54  }
0xe8: {  	v58 =	vld [tilespmem:s14+$0xFFFFFFC0];
	[tilespmem:s26+$0x10] =	vst v2;
	v2 =	vmul.f32 v18, v1  }
0xe9: {  	[tilespmem:s26+$0x30] =	vst v56;
	v53 =	vld.idx.msk [tilespmem:v14+s25+$0x0], $0xffff;
	v1 =	vmul.f32 v19, v1  }
0xea: {  	v10 =	vmul.f32 v57, v6;
	[tilespmem:s26+$0x40] =	vst v2;
	v2 =	vld [tilespmem:s14+$0xFFFFFFE0]  }
0xeb: {  	[tilespmem:s26+$0x50] =	vst v1;
	v1 =	vmul.f32 v3, v6;
	v3 =	vld [tilespmem:s14+$0xFFFFFFF0]  }
0xec: {  	v60 =	vld [tilespmem:s14+$0x0];
	[tilespmem:s14+$0xFFFFFFB0] =	vst v10;
	v4 =	vmul.f32 v59, v52  }
0xed: {  	v61 =	vld [tilespmem:s14+$0x10];
	[tilespmem:s14+$0xFFFFFFA0] =	vst v1;
	v1 =	vmul.f32 v58, v6  }
0xee: {  	v62 =	vld [tilespmem:s14+$0x30];
	v9 =	vmul.f32 v55, v53;
	[tilespmem:s14+$0xFFFFFFD0] =	vst v4  }
0xef: {  	[tilespmem:s14+$0xFFFFFFC0] =	vst v1;
	v1 =	vmul.f32 v2, v52;
	v2 =	vld [tilespmem:s14+$0x40]  }
0xf0: {  	v63 =	vld [tilespmem:s14+$0x50];
	[tilespmem:s14+$0x20] =	vst v9;
	v3 =	vmul.f32 v3, v52  }
0xf1: {  	[tilespmem:s14+$0xFFFFFFE0] =	vst v1;
	v1 =	vmul.f32 v60, v53  }
0xf2: {  	[tilespmem:s14+$0xFFFFFFF0] =	vst v3;
	v3 =	vmul.f32 v61, v53  }
0xf3: {  	[tilespmem:s14+$0x0] =	vst v1;
	v1 =	vmul.f32 v62, v5  }
0xf4: {  	[tilespmem:s14+$0x10] =	vst v3;
	v2 =	vmul.f32 v2, v5  }
0xf5: {  	s13 =	sshll.u32 s10, $0xA;
	[tilespmem:s14+$0x30] =	vst v1;
	v1 =	vmul.f32 v63, v5  }
0xf6: {  	s26 =	sshrl.u32 s13, $0x2;
	[tilespmem:s14+$0x40] =	vst v2  }
0xf7: {  	s16 =	sadd.s32 $0x7620, s26;
	[tilespmem:s14+$0x50] =	vst v1  }
0xf8: {  	[spmem:s1] =	stream.indirect.scatter.add.f32 [tilespmem:s23], [sflag:$0x4], $0x30, s16, s29, $0xb8;
	[tilespmem:$0x149A0] =	vst v63  }
0xf9: {  	_ =	swait.ge [sflag:s0], $0x1800  }
0xfa: {  	s12 =	sshll.u32 s12, $0x7;
	[sflag:s0] =	ssyncset.done $0x0  }
0xfb: {  	s17 =	sadd.s32 $0x4E20, s12;
	[sflag:s0] =	ssyncadd.s32 $0xFFFFE800  }
0xfc: {  	[spmem:s3] =	stream.indirect.scatter.add.f32 [tilespmem:s25], [sflag:$0x4], $0x1, s16, s29, $0xb8;
	[tilespmem:$0x149A0] =	vst v63  }
0xfd: {  	p0 =	seq.s32 s10, $0x27;
	s26 =	sadd.s32 $0x7620, s12;
	v1 =	vmov s17;
	_ =	swait.ge [sflag:s0], $0x80  }
0xfe: {  	s15 =	simm.s32 @!p0 $0x9F20;
	s13 =	sshrl.u32 @!p0 s13, $0x2;
	v2 =	vmov s26;
	[sflag:s0] =	ssyncset.done $0x0  }
0xff: {  	s13 =	sadd.s32 @!p0 $0x4F20, s13;
	s14 =	simm.s32 @!p0 $0x80;
	[sflag:s0] =	ssyncadd.s32 $0xFFFFFF80  }
0x100: {  	[tilespmem:s15], [sflag:$0x1] =	stream.indirect.gather @!p0 [hbm4b:s5+s14], $0x30, s13, s14, $0xb8;
	[tilespmem:$0x149A0] =	vst v63  }
0x101: {  	s12 =	sadd.s32 s6, s12;
	s13 =	simm.s32 $0x0;
	p0 =	por $0x1, $0x1  }
.LBB2_9:
0x102: {  	v3 =	vld.idx.msk [tilespmem:v1+s13+$0x0 ss:$0x1], $0xffff  }
0x103: {  	v4 =	vld.idx.msk [tilespmem:v2+s13+$0x0 ss:$0x1], $0xffff;
	s14 =	sor.u32 $0x10, s13  }
0x104: {  	v5 =	vld.idx.msk [tilespmem:v1+s14+$0x0 ss:$0x1], $0xffff  }
0x105: {  	s15 =	sor.u32 $0x20, s13;
	v6 =	vld.idx.msk [tilespmem:v2+s14+$0x0 ss:$0x1], $0xffff  }
0x106: {  	s16 =	sor.u32 $0x30, s13;
	v7 =	vld.idx.msk [tilespmem:v1+s15+$0x0 ss:$0x1], $0xffff  }
0x107: {  	v9 =	vld.idx.msk [tilespmem:v1+s16+$0x0 ss:$0x1], $0xffff  }
0x108: {  	v8 =	vld.idx.msk [tilespmem:v2+s15+$0x0 ss:$0x1], $0xffff;
	v3 =	vshll.u32 v3, $0x1;
	v4 =	vshll.u32 v4, $0x1  }
0x109: {  	v10 =	vld.idx.msk [tilespmem:v2+s16+$0x0 ss:$0x1], $0xffff;
	v4 =	vor.u32 $0x1, v4  }
0x10a: {  	v5 =	vshll.u32 v5, $0x1  }
0x10b: {  	v7 =	vshll.u32 v7, $0x1  }
0x10c: {  	v6 =	vshll.u32 v6, $0x1;
	v9 =	vshll.u32 v9, $0x1  }
0x10d: {  	v8 =	vshll.u32 v8, $0x1;
	v6 =	vor.u32 $0x1, v6;
	v3 =	vld.idx.msk [tilespmem:v3+s4+$0x0], $0xffff  }
0x10e: {  	v10 =	vshll.u32 v10, $0x1;
	v8 =	vor.u32 $0x1, v8;
	v4 =	vld.idx.msk [tilespmem:v4+s4+$0x0], $0xffff  }
0x10f: {  	v10 =	vor.u32 $0x1, v10;
	v5 =	vld.idx.msk [tilespmem:v5+s4+$0x0], $0xffff  }
0x110: {  	v7 =	vld.idx.msk [tilespmem:v7+s4+$0x0], $0xffff  }
0x111: {  	v9 =	vld.idx.msk [tilespmem:v9+s4+$0x0], $0xffff  }
0x112: {  	v6 =	vld.idx.msk [tilespmem:v6+s4+$0x0], $0xffff  }
0x113: {  	v8 =	vld.idx.msk [tilespmem:v8+s4+$0x0], $0xffff  }
0x114: {  	v10 =	vld.idx.msk [tilespmem:v10+s4+$0x0], $0xffff;
	_ =	sdelay $0x1  }
0x115: {  	v3 =	vadd.f32 v4, v3;
	_ =	sdelay $0x1  }
0x116: {  	v56 =	vadd.f32 v6, v5;
	v57 =	vmul.f32 $2.000000030e-01, v3  }
0x117: {  	v58 =	vadd.f32 v8, v7;
	v60 =	vadd.f32 v10, v9;
	vm0 =	vgt.f32 v3, $0.0e+00  }
0x118: {  	v59 =	vmul.f32 $2.000000030e-01, v56;
	vm13 =	vgt.f32 v56, $0.0e+00;
	v3 =	vsel vm0, v3, v57  }
0x119: {  	v8 =	vmul.f32 $2.000000030e-01, v58;
	vm14 =	vgt.f32 v58, $0.0e+00;
	v3 =	vmul.f32 $1.442695020e+00, v3  }
0x11a: {  	v61 =	vmul.f32 $2.000000030e-01, v60;
	vm15 =	vgt.f32 v60, $0.0e+00;
	v4 =	vsel vm13, v56, v59  }
0x11b: {  	v6 =	vsel vm14, v58, v8;
	v4 =	vmul.f32 $1.442695020e+00, v4;
	(erf) = vpow2.f32 v3  }
0x11c: {  	v62 =	vmul.f32 $1.442695020e+00, v6;
	v3 =	vsel vm15, v60, v61  }
0x11d: {  	(erf) = vpow2.f32 v4;
	v3 =	vmul.f32 $1.442695020e+00, v3  }
0x11e: {  	(erf) = vpow2.f32 v62  }
0x11f: {  	(erf) = vpow2.f32 v3;
	_ =	sdelay $0x3  }
0x120: {  	s17 =	sor.u32 s12, s13  }
0x121: {  	p1 =	slt.u32 s17, $0x4E200;
	v3 =	vpop (erf)  }
0x122: {  	s14 =	sor.u32 s12, s14;
	v3 =	vpsel !p1, $0x0, v3;
	p1 =	por p0, p0  }
.Ltmp3:
0x123: {  	s17 =	sor.u32 s12, s15;
	p2 =	slt.u32 s14, $0x4E200;
	v4 =	vpop (erf);
	(pc) =	sbr.rel @p1 .LBB2_9-.Ltmp3, $4  }
0x124: {  	s26 =	sor.u32 s12, s16;
	p5 =	slt.u32 s17, $0x4E200;
	v4 =	vpsel !p2, $0x0, v4;
	v5 =	vpop (erf);
	[tilespmem:s13+$0x9EA0] =	vst v3  }
0x125: {  	p6 =	slt.u32 s26, $0x4E200;
	[tilespmem:s13+$0x9EB0] =	vst v4;
	v3 =	vpsel !p5, $0x0, v5;
	v63 =	vpop (erf)  }
0x126: {  	[tilespmem:s13+$0x9EC0] =	vst v3;
	v3 =	vpsel !p6, $0x0, v63  }
0x127: {  	p0 =	por $0x0, $0x0;
	[tilespmem:s13+$0x9ED0] =	vst v3;
	s13 =	simm.s32 $0x40  }
0x128: {  	s12 =	simm.s32 $0x0  }
0x129: {  	s13 =	simm.s32 $0x2;
	v1 =	vmov s12  }
0x12a: {  	s16 =	simm.s32 $0x3;
	v3 =	vmov s13;
	v1 =	vand.u32 $0x7C, v1  }
0x12b: {  	v4 =	vmov s16;
	v3 =	vand.u32 $0x7E, v3;
	v1 =	vor.u32 $0x80, v1  }
0x12c: {  	v4 =	vand.u32 $0x7F, v4;
	v3 =	vor.u32 $0x80, v3;
	v1 =	vbroadcast v1, $0x0  }
0x12d: {  	_ =	swait.ge [sflag:s28], $0x1800;
	v4 =	vor.u32 $0x80, v4;
	v3 =	vbroadcast v3, $0x0  }
0x12e: {  	s15 =	simm.s32 $0x1;
	[sflag:s28] =	ssyncset.done $0x0;
	v5 =	vbroadcast v4, $0x0  }
0x12f: {  	v2 =	vmov s15;
	s12 =	simm.s32 $0xB780;
	[sflag:s28] =	ssyncadd.s32 $0xFFFFE800  }
0x130: {  	v2 =	vand.u32 $0x7D, v2;
	v11 =	vld [tilespmem:s12+$0x50]  }
0x131: {  	v2 =	vor.u32 $0x80, v2;
	v6 =	vld [tilespmem:s12+$0xFFFFFFA0]  }
0x132: {  	v2 =	vbroadcast v2, $0x0;
	v4 =	vld.idx.msk [tilespmem:v1+s25+$0x0], $0xffff  }
0x133: {  	v1 =	vld.idx.msk [tilespmem:v3+s25+$0x0], $0xffff  }
0x134: {  	v3 =	vld.idx.msk [tilespmem:v5+s25+$0x0], $0xffff  }
0x135: {  	s17 =	simm.s32 $0x4;
	s26 =	simm.s32 $0x5;
	v7 =	vld [tilespmem:s12+$0xFFFFFFB0]  }
0x136: {  	s14 =	simm.s32 $0x6;
	v9 =	vmov s26;
	v8 =	vld [tilespmem:s12+$0xFFFFFFC0];
	v5 =	vmov s17  }
0x137: {  	v10 =	vmov s14;
	v13 =	vand.u32 $0x7D, v9;
	v9 =	vld [tilespmem:s12+$0xFFFFFFD0];
	v5 =	vand.u32 $0x7C, v5  }
0x138: {  	v12 =	vand.u32 $0x7E, v10;
	v2 =	vld.idx.msk [tilespmem:v2+s25+$0x0], $0xffff;
	v5 =	vor.u32 $0x80, v5  }
0x139: {  	s14 =	simm.s32 $0x7;
	s26 =	simm.s32 $0x8;
	s13 =	simm.s32 $0xB780;
	v13 =	vor.u32 $0x80, v13;
	v10 =	vld [tilespmem:s12+$0xFFFFFFE0];
	v5 =	vbroadcast v5, $0x0;
	v11 =	vmul.f32 v11, v3  }
.LBB2_11:
0x13a: {  	p0 =	slt.u32 s26, $0x7C;
	v12 =	vor.u32 $0x80, v12;
	v14 =	vmov s14;
	v6 =	vmul.f32 v6, v4;
	v15 =	vld [tilespmem:s12+$0xFFFFFFF0]  }
0x13b: {  	v13 =	vbroadcast v13, $0x0;
	v14 =	vand.u32 $0x7F, v14;
	v7 =	vmul.f32 v7, v4;
	v16 =	vld [tilespmem:s12+$0x0];
	[tilespmem:s12+$0x50] =	vst v11  }
0x13c: {  	v11 =	vbroadcast v12, $0x0;
	v12 =	vor.u32 $0x80, v14;
	[tilespmem:s12+$0xFFFFFFA0] =	vst v6;
	v4 =	vmul.f32 v8, v4;
	v6 =	vld [tilespmem:s12+$0x10]  }
0x13d: {  	v8 =	vbroadcast v12, $0x0;
	[tilespmem:s12+$0xFFFFFFB0] =	vst v7;
	v7 =	vmul.f32 v9, v2;
	v9 =	vld [tilespmem:s12+$0x20]  }
0x13e: {  	[tilespmem:s12+$0xFFFFFFC0] =	vst v4;
	v10 =	vmul.f32 v10, v2;
	v12 =	vld [tilespmem:s12+$0x30]  }
0x13f: {  	[tilespmem:s12+$0xFFFFFFD0] =	vst v7;
	v7 =	vmul.f32 v15, v2;
	v14 =	vld [tilespmem:s12+$0x40]  }
0x140: {  	v4 =	vld.idx.msk [tilespmem:v5+s25+$0x0], $0xffff;
	[tilespmem:s12+$0xFFFFFFE0] =	vst v10;
	v5 =	vmul.f32 v16, v1  }
0x141: {  	v2 =	vld.idx.msk [tilespmem:v13+s25+$0x0], $0xffff;
	[tilespmem:s12+$0xFFFFFFF0] =	vst v7;
	v6 =	vmul.f32 v6, v1  }
0x142: {  	[tilespmem:s12+$0x0] =	vst v5;
	v5 =	vmul.f32 v9, v1;
	v1 =	vld.idx.msk [tilespmem:v11+s25+$0x0], $0xffff  }
0x143: {  	s12 =	sadd.s32 $0xC0, s12;
	v15 =	vld.idx.msk [tilespmem:v8+s25+$0x0], $0xffff;
	[tilespmem:s13+$0x10] =	vst v6;
	v7 =	vmul.f32 v12, v3  }
0x144: {  	v11 =	vld [tilespmem:s12+$0x50];
	[tilespmem:s13+$0x20] =	vst v5;
	v3 =	vmul.f32 v14, v3  }
.Ltmp4:
0x145: {  	v6 =	vld [tilespmem:s12+$0xFFFFFFA0];
	[tilespmem:s13+$0x30] =	vst v7;
	(pc) =	sbr.rel @p0 .LBB2_11-.Ltmp4, $4  }
0x146: {  	s14 =	sadd.s32 $0x1, s26;
	s15 =	sadd.s32 $0x2, s26;
	v5 =	vmov s26;
	v7 =	vld [tilespmem:s12+$0xFFFFFFB0];
	[tilespmem:s13+$0x40] =	vst v3;
	s13 =	smov.u32 s12  }
0x147: {  	v9 =	vmov s15;
	v16 =	vand.u32 $0x7C, v5;
	v5 =	vmov s14;
	v8 =	vld [tilespmem:s12+$0xFFFFFFC0]  }
0x148: {  	v12 =	vand.u32 $0x7E, v9;
	v14 =	vor.u32 $0x80, v16;
	v10 =	vand.u32 $0x7D, v5;
	v9 =	vld [tilespmem:s12+$0xFFFFFFD0]  }
0x149: {  	s14 =	sadd.s32 $0x3, s26;
	s26 =	sadd.s32 $0x4, s26;
	v5 =	vbroadcast v14, $0x0;
	v13 =	vor.u32 $0x80, v10;
	v3 =	vmovc v15;
	v10 =	vld [tilespmem:s12+$0xFFFFFFE0];
	v11 =	vmul.f32 v11, v15  }
0x14a: {  	v15 =	vld [tilespmem:s12+$0xFFFFFFF0]  }
0x14b: {  	v16 =	vld [tilespmem:s12+$0x0]  }
0x14c: {  	v17 =	vld [tilespmem:s12+$0x10]  }
0x14d: {  	v47 =	vld [tilespmem:s12+$0x20]  }
0x14e: {  	v14 =	vmov s14;
	v6 =	vmul.f32 v6, v4;
	v18 =	vld [tilespmem:s12+$0x30]  }
0x14f: {  	v19 =	vld [tilespmem:s12+$0x40];
	v14 =	vand.u32 $0x7F, v14;
	[tilespmem:s12+$0x50] =	vst v11;
	v7 =	vmul.f32 v7, v4  }
0x150: {  	v13 =	vbroadcast v13, $0x0;
	s26 =	sadd.s32 $0xC0, s12;
	v5 =	vld.idx.msk [tilespmem:v5+s25+$0x0], $0xffff;
	v14 =	vor.u32 $0x80, v14;
	[tilespmem:s12+$0xFFFFFFA0] =	vst v6;
	v48 =	vmul.f32 v8, v4  }
0x151: {  	v55 =	vld [tilespmem:s26+$0x50];
	v46 =	vbroadcast v14, $0x0;
	[tilespmem:s12+$0xFFFFFFB0] =	vst v7;
	v49 =	vmul.f32 v9, v2  }
0x152: {  	v56 =	vld [tilespmem:s26+$0xFFFFFFA0];
	[tilespmem:s12+$0xFFFFFFC0] =	vst v48;
	v51 =	vmul.f32 v10, v2;
	v2 =	vmul.f32 v15, v2  }
0x153: {  	v57 =	vld [tilespmem:s26+$0xFFFFFFB0];
	[tilespmem:s12+$0xFFFFFFD0] =	vst v49;
	v54 =	vmul.f32 v16, v1  }
0x154: {  	v12 =	vor.u32 $0x80, v12;
	v58 =	vld [tilespmem:s26+$0xFFFFFFC0];
	[tilespmem:s12+$0xFFFFFFF0] =	vst v2;
	v2 =	vmul.f32 v17, v1  }
0x155: {  	v12 =	vbroadcast v12, $0x0;
	v59 =	vld [tilespmem:s26+$0xFFFFFFF0];
	[tilespmem:s12+$0x0] =	vst v54;
	v1 =	vmul.f32 v47, v1  }
0x156: {  	v50 =	vld.idx.msk [tilespmem:v13+s25+$0x0], $0xffff;
	[tilespmem:s13+$0x10] =	vst v2;
	v2 =	vmul.f32 v18, v3  }
0x157: {  	v53 =	vld.idx.msk [tilespmem:v46+s25+$0x0], $0xffff;
	[tilespmem:s13+$0x20] =	vst v1;
	v1 =	vmul.f32 v19, v3  }
0x158: {  	v3 =	vld [tilespmem:s26+$0xFFFFFFD0];
	[tilespmem:s13+$0x30] =	vst v2  }
0x159: {  	v2 =	vld [tilespmem:s26+$0xFFFFFFE0];
	[tilespmem:s13+$0x40] =	vst v1;
	v1 =	vmul.f32 v56, v5  }
0x15a: {  	v60 =	vld [tilespmem:s26+$0x0];
	[tilespmem:s12+$0xFFFFFFE0] =	vst v51;
	v4 =	vmul.f32 v57, v5  }
0x15b: {  	v52 =	vld.idx.msk [tilespmem:v12+s25+$0x0], $0xffff;
	[tilespmem:s26+$0xFFFFFFA0] =	vst v1;
	v1 =	vmul.f32 v58, v5  }
0x15c: {  	v61 =	vld [tilespmem:s26+$0x10];
	[tilespmem:s26+$0xFFFFFFB0] =	vst v4;
	v9 =	vmul.f32 v55, v53  }
0x15d: {  	v62 =	vld [tilespmem:s26+$0x20];
	v3 =	vmul.f32 v3, v50;
	[tilespmem:s26+$0xFFFFFFC0] =	vst v1  }
0x15e: {  	[tilespmem:s26+$0x50] =	vst v9;
	v1 =	vmul.f32 v2, v50;
	v2 =	vld [tilespmem:s26+$0x30]  }
0x15f: {  	v63 =	vld [tilespmem:s26+$0x40];
	[tilespmem:s26+$0xFFFFFFD0] =	vst v3;
	v3 =	vmul.f32 v59, v50  }
0x160: {  	[tilespmem:s26+$0xFFFFFFE0] =	vst v1;
	v1 =	vmul.f32 v60, v52  }
0x161: {  	[tilespmem:s26+$0xFFFFFFF0] =	vst v3;
	v3 =	vmul.f32 v61, v52  }
0x162: {  	[tilespmem:s26+$0x0] =	vst v1;
	v1 =	vmul.f32 v62, v52  }
0x163: {  	[tilespmem:s26+$0x10] =	vst v3;
	v2 =	vmul.f32 v2, v53  }
0x164: {  	[tilespmem:s26+$0x20] =	vst v1;
	v1 =	vmul.f32 v63, v53  }
0x165: {  	[tilespmem:s26+$0x30] =	vst v2  }
0x166: {  	s11 =	sadd.s32 $0x7620, s11;
	[tilespmem:s26+$0x40] =	vst v1  }
0x167: {  	[spmem:s1] =	stream.indirect.scatter.add.f32 [tilespmem:s30], [sflag:$0x4], $0x30, s11, s29, $0xb8;
	[tilespmem:$0x149A0] =	vst v63  }
0x168: {  	s10 =	sadd.s32 $0x1, s10;
	_ =	swait.ge [sflag:s0], $0x1800  }
0x169: {  	p0 =	sne.s32 s10, $0x28;
	[sflag:s0] =	ssyncset.done $0x0  }
.Ltmp5:
0x16a: {  	[sflag:s0] =	ssyncadd.s32 $0xFFFFE800;
	(pc) =	sbr.rel @p0 .LBB2_4-.Ltmp5, $4  }
0x16b: {  	[spmem:s3] =	stream.indirect.scatter.add.f32 [tilespmem:s2], [sflag:$0x3], $0x1, s11, s29, $0xb8;
	[tilespmem:$0x149A0] =	vst v63  }
0x16c: {  	_ =	swait.ge [sflag:s24], $0x80  }
0x16d: {  	[sflag:s24] =	ssyncset.done $0x0  }
0x16e: {  	[sflag:s24] =	ssyncadd.s32 $0xFFFFFF80  }
0x16f: {  	s10 =	stileid.u32  }
0x170: {  	s10 =	sshll.u32 s10, $0x6  }
0x171: {  	[bflag:$0x0] =	sbarrier.arrive $0xFFFF;
	s11 =	sshrl.u32 s8, $0x3;
	s10 =	sor.u32 $0x1C03, s10  }
0x172: {  	[hbm:s20], [sflag:s10] =	dma.local [spmem:s11], $0xF00  }
0x173: {  	s7 =	sadd.s32 $0x1, s7;
	_ =	swait.ge [sflag:s24], $0xF00  }
0x174: {  	p0 =	sne.s32 s7, s22;
	[sflag:s24] =	ssyncset.done $0x0  }
.Ltmp6:
0x175: {  	s26 =	sshrl.u32 s9, $0x3;
	[sflag:s24] =	ssyncadd.s32 $0xFFFFF100;
	(pc) =	sbr.rel @p0 .LBB2_1-.Ltmp6, $4  }
0x176: {  	[hbm:s21], [sflag:s10] =	dma.local [spmem:s26], $0x50  }
0x177: {  	_ =	swait.ge [sflag:s24], $0x50  }
0x178: {  	[sflag:s24] =	ssyncset.done $0x0  }
0x179: {  	[sflag:s24] =	ssyncadd.s32 $0xFFFFFFB0  }
0x17a: {  	_ =	sfence.sel $0x180000  }
0x17b: {  	[bflag:$0x0] =	sbarrier.arrive $0xFFFF  }
0x17c: {  	_ =	strace $0x9000004A  }
0x17d: {  	s0 =	stileid.u32;
	[bflag:$0x2] =	sbarrier.arrive $0xFFFF  }
0x17e: {  	p0 =	sne.s32 s0, $0x0;
	s0 =	rddreg [dreg:$0x4]  }
0x17f: {  	s0 =	sadd.s32 @!p0 $0x100000, s0  }
0x180: {  	[sflag:s0] =	ssyncadd.tile.s32 @!p0 $0x1;
	_ =	shalt  }
.Lfunc_end2:
_tile_overlayer_lowered:
.L_overlay_start_2:
0x181: {  	(tag) =	ssettag $0x2  }
0x182: {  	s0 =	rddreg [dreg:$0x0];
	s2 =	stileid.u32  }
0x183: {  	s1 =	rddreg [dreg:$0x1];
	p0 =	sne.s32 s2, $0x0  }
0x184: {  	s3 =	rddreg [dreg:$0x2];
	[bflag:$0x3] =	sbarrier.arrive $0xFFFF;
	s2 =	simm.s32 @!p0 $0x1C03  }
0x185: {  	[timem:s3], [sflag:s2] =	dma.local @!p0 [hbm:s0], s1  }
0x186: {  	s0 =	simm.s32 @!p0 $0x3  }
0x187: {  	_ =	swait.ge @!p0 [sflag:s0], s1  }
0x188: {  	s1 =	ssub.s32 @!p0 $0x0, s1;
	[sflag:s0] =	ssyncset.done @!p0 $0x0  }
0x189: {  	[sflag:s0] =	ssyncadd.s32 @!p0 s1  }
0x18a: {  	[bflag:$0x3] =	sbarrier.arrive $0xFFFF  }
0x18b: {  	_ =	shalt  }

// kernel: kernel.7.cloned.1.call-start
scs
__scs_entry_jumppad:
0x0: {  	(pc) =	sbr.rel $0x88, $3  }
0x1: {  	(tag) =	ssettag $0x0;
	lr =	simm.s32 $0x1  }
0x2: {  	[smem:$0x3F99] =	sst lr;
	_ =	strace $0xD0000000  }
0x3: {  	_ = 	snop  }
0x4: {  	_ = 	snop  }
0x5: {  	_ = 	snop  }
0x6: {  	_ = 	snop  }
0x7: {  	_ = 	snop  }
__scs_overlays_trampoline_lowered:
0x8: {  	[smem:$0x3FA8] =	sst s0  }
0x9: {  	[smem:$0x3FA9] =	sst s1  }
0xa: {  	[smem:$0x3FAA] =	sst s2  }
0xb: {  	[smem:$0x3FAB] =	sst s3  }
0xc: {  	[smem:$0x3FAC] =	sst s4  }
0xd: {  	[smem:$0x3FAD] =	sst s5  }
0xe: {  	[smem:$0x3FAE] =	sst s6  }
0xf: {  	[smem:$0x3FAF] =	sst s7  }
0x10: {  	[smem:$0x3FB0] =	sst s8  }
0x11: {  	[smem:$0x3FB1] =	sst s9;
	s0 =	simm.s32 @!p0 $0x0  }
0x12: {  	s1 =	sld [smem:$0x3F97];
	s0 =	simm.s32 @p0 $0x1  }
0x13: {  	[smem:$0x3FB2] =	sst s0;
	s0 =	simm.s32 @!p1 $0x0  }
0x14: {  	s2 =	sld [smem:$0x3F96];
	s0 =	simm.s32 @p1 $0x1  }
0x15: {  	[smem:$0x3FB3] =	sst s0;
	s0 =	simm.s32 @!p2 $0x0  }
0x16: {  	s3 =	sld [smem:$0x3FDB];
	s0 =	simm.s32 @p2 $0x1  }
0x17: {  	s4 =	simm.s32 $0x1BF5;
	[smem:$0x3FB5] =	sst s0  }
0x18: {  	s0 =	sld [smem:$0x3F98];
	_ =	swait.ge [sflag:s4], $0x0  }
0x19: {  	s7 =	sld [smem:$0x3F99]  }
0x1a: {  	s8 =	sadd.s32 $0xFFFFE003, lr  }
0x1b: {  	s9 =	sadd.s32 $0xFFFFFEF7, lr;
	s5 =	simm.s32 $0xFFFFFFFF;
	p2 =	slt.u32 s8, $0xFFFFF086  }
0x1c: {  	p1 =	slt.u32 s9, $0xF7A;
	s5 =	simm.s32 @!p2 $0x0  }
0x1d: {  	s5 =	simm.s32 @p1 $0x1;
	p0 =	seq.s32 s7, s2  }
0x1e: {  	s7 =	smul.u32 @!p0 $0xF7A, s2;
	p2 =	seq.s32 @!p0 s5, $0x0  }
0x1f: {  	s9 =	smul.u32 $0xF7A, s1;
	s8 =	simm.s32 @!p0 $0x1BF5;
	p2 =	por !p2, p0  }
0x20: {  	[sflag:s8] =	ssyncset.s32 @!p0 $0xFFFFF086;
	s6 =	sadd.s32 @!p0 s3, s7;
	s7 =	simm.s32 @!p0 $0x108  }
0x21: {  	s3 =	sadd.s32 s3, s9;
	s6 =	sadd.s32 @!p0 $0x88, s6;
	s7 =	simm.s32 @p2 $0x1082  }
0x22: {  	[simem:s7], [sflag:s8] =	dma.local @!p0 [hbm:s6], $0xF7A  }
0x23: {  	s9 =	sor.u32 $0xD0000000, s2;
	s6 =	simm.s32 $0x108;
	_ =	swait.ge @!p0 [sflag:s8], $0x0  }
0x24: {  	s3 =	sadd.s32 $0x88, s3;
	s6 =	simm.s32 @!p1 $0x1082;
	[sflag:s4] =	ssyncset.s32 $0xFFFFF086  }
0x25: {  	[simem:s6], [sflag:s4] =	dma.local [hbm:s3], $0xF7A  }
0x26: {  	[smem:$0x3F99] =	sst s1;
	(tag) =	ssettag s2;
	_ =	strace s9  }
0x27: {  	s1 =	sld [smem:$0x3FA9]  }
0x28: {  	s2 =	sld [smem:$0x3FAA]  }
0x29: {  	s4 =	sld [smem:$0x3FAC]  }
0x2a: {  	p0 =	seq.s32 s5, $0x0;
	s5 =	sld [smem:$0x3FAD]  }
0x2b: {  	s6 =	sld [smem:$0x3FAE]  }
0x2c: {  	s7 =	sld [smem:$0x3FAF]  }
0x2d: {  	s3 =	simm.s32 $0x108;
	s8 =	sld [smem:$0x3FB0]  }
0x2e: {  	s3 =	simm.s32 @!p0 $0x1082;
	s9 =	sld [smem:$0x3FB1]  }
0x2f: {  	lr =	sadd.s32 s0, s3;
	s0 =	sld [smem:$0x3FA8]  }
0x30: {  	s3 =	sld [smem:$0x3FAB]  }
0x31: {  	[smem:$0x3FB4] =	sst s10  }
0x32: {  	s10 =	sld [smem:$0x3FB2];
	_ =	sdelay $0x3  }
0x33: {  	p0 =	seq.s32 s10, $0x1;
	s10 =	sld [smem:$0x3FB4];
	_ =	sdelay $0x3  }
0x34: {  	[smem:$0x3FB4] =	sst s10  }
0x35: {  	s10 =	sld [smem:$0x3FB3];
	_ =	sdelay $0x3  }
0x36: {  	p1 =	seq.s32 s10, $0x1;
	s10 =	sld [smem:$0x3FB4];
	_ =	sdelay $0x3  }
0x37: {  	[smem:$0x3FB4] =	sst s10  }
0x38: {  	s10 =	sld [smem:$0x3FB5]  }
0x39: {  	_ = 	snop;
	(pc) =	sbr.ind lr, $3  }
0x3a: {  	_ = 	snop  }
0x3b: {  	_ = 	snop  }
0x3c: {  	p2 =	seq.s32 s10, $0x1;
	s10 =	sld [smem:$0x3FB4]  }
0x3d: {  	_ =	shalt  }
0x3e: {  	_ =	shalt  }
0x3f: {  	_ =	shalt  }
0x40: {  	_ =	shalt  }
0x41: {  	_ =	shalt  }
0x42: {  	_ =	shalt  }
0x43: {  	_ =	shalt  }
0x44: {  	_ =	shalt  }
0x45: {  	_ =	shalt  }
0x46: {  	_ =	shalt  }
0x47: {  	_ =	shalt  }
0x48: {  	_ =	shalt  }
0x49: {  	_ =	shalt  }
0x4a: {  	_ =	shalt  }
0x4b: {  	_ =	shalt  }
0x4c: {  	_ =	shalt  }
0x4d: {  	_ =	shalt  }
0x4e: {  	_ =	shalt  }
0x4f: {  	_ =	shalt  }
0x50: {  	_ =	shalt  }
0x51: {  	_ =	shalt  }
0x52: {  	_ =	shalt  }
0x53: {  	_ =	shalt  }
0x54: {  	_ =	shalt  }
0x55: {  	_ =	shalt  }
0x56: {  	_ =	shalt  }
0x57: {  	_ =	shalt  }
0x58: {  	_ =	shalt  }
0x59: {  	_ =	shalt  }
0x5a: {  	_ =	shalt  }
0x5b: {  	_ =	shalt  }
0x5c: {  	_ =	shalt  }
0x5d: {  	_ =	shalt  }
0x5e: {  	_ =	shalt  }
0x5f: {  	_ =	shalt  }
0x60: {  	_ =	shalt  }
0x61: {  	_ =	shalt  }
0x62: {  	_ =	shalt  }
0x63: {  	_ =	shalt  }
0x64: {  	_ =	shalt  }
0x65: {  	_ =	shalt  }
0x66: {  	_ =	shalt  }
0x67: {  	_ =	shalt  }
0x68: {  	_ =	shalt  }
0x69: {  	_ =	shalt  }
0x6a: {  	_ =	shalt  }
0x6b: {  	_ =	shalt  }
0x6c: {  	_ =	shalt  }
0x6d: {  	_ =	shalt  }
0x6e: {  	_ =	shalt  }
0x6f: {  	_ =	shalt  }
0x70: {  	_ =	shalt  }
0x71: {  	_ =	shalt  }
0x72: {  	_ =	shalt  }
0x73: {  	_ =	shalt  }
0x74: {  	_ =	shalt  }
0x75: {  	_ =	shalt  }
0x76: {  	_ =	shalt  }
0x77: {  	_ =	shalt  }
0x78: {  	_ =	shalt  }
0x79: {  	_ =	shalt  }
0x7a: {  	_ =	shalt  }
0x7b: {  	_ =	shalt  }
0x7c: {  	_ =	shalt  }
0x7d: {  	_ =	shalt  }
0x7e: {  	_ =	shalt  }
0x7f: {  	_ =	shalt  }
0x80: {  	_ =	shalt  }
0x81: {  	_ =	shalt  }
0x82: {  	_ =	shalt  }
0x83: {  	_ =	shalt  }
0x84: {  	_ =	shalt  }
0x85: {  	_ =	shalt  }
0x86: {  	_ =	shalt  }
0x87: {  	_ =	shalt  }
.Lfunc_end0:
.L_simem_size_0:
called_computation_lowered:
.L_overlay_start_0:
0x88: {  	s2 =	sld [smem:$0x3FD9]  }
0x89: {  	s3 =	sld [smem:$0x3FFE];
	_ =	sdelay $0x1  }
0x8a: {  	s1 =	srdreg.scid  }
0x8b: {  	s0 =	sand.u32 $0x1, s1  }
0x8c: {  	s16 =	sshll.u32 s0, $0xA;
	s2 =	sadd.s32 s3, s2  }
0x8d: {  	s2 =	sadd.s32 s2, s16  }
0x8e: {  	[smem:$0x3FC0] =	sst s2  }
0x8f: {  	_ = 	snop  }
0x90: {  	(tm) =	ssettm $0x1  }
0x91: {  	s17 =	sld [smem:$0x3FFB];
	_ =	sdelay $0x3  }
0x92: {  	_ =	strace s17  }
0x93: {  	s2 =	sld [smem:$0x3FFC];
	_ =	sdelay $0x3  }
0x94: {  	_ =	strace s2  }
0x95: {  	s2 =	sld [smem:$0x3FFD];
	_ =	sdelay $0x3  }
0x96: {  	_ =	strace s2  }
0x97: {  	_ =	strace $0x8FFFFFFF  }
0x98: {  	s18 =	sld [smem:$0x3FDB];
	_ =	sdelay $0x1  }
0x99: {  	s19 =	simm.s32 $_scs_section_size  }
0x9a: {  	s4 =	simm.s32 $_size__tile_overlayer_lowered;
	s5 =	simm.s32 $_tile_overlayer_lowered  }
0x9b: {  	s22 =	simm.s32 $0x1BFF;
	s21 =	sshll.u32 s5, $0x1;
	s2 =	sadd.s32 s19, s18  }
0x9c: {  	s6 =	simm.s32 $0x0;
	s20 =	sshll.u32 s4, $0x1;
	s4 =	sadd.s32 s21, s2  }
0x9d: {  	[timem:s6], [sflag:s22] =	dma.local [hbm:s4], s20  }
0x9e: {  	_ =	swait.ge [sflag:s22], s20  }
0x9f: {  	s3 =	ssub.s32 $0x0, s20;
	[sflag:s22] =	ssyncset.done $0x0  }
0xa0: {  	[sflag:s22] =	ssyncadd.s32 s3;
	_ =	sdelay $0x1  }
0xa1: {  	s23 =	simm.s32 $0x1B8B  }
0xa2: {  	_ =	swait.ge [sflag:s23], $0x1  }
0xa3: {  	[sflag:s23] =	ssyncset.done $0x0  }
0xa4: {  	s25 =	simm.s32 $0x1B8E;
	s24 =	sld [smem:$0x3FFE];
	[sflag:s23] =	ssyncadd.s32 $0xFFFFFFFF  }
0xa5: {  	s26 =	simm.s32 $execute0_lowered;
	[smem:$0x3FD2] =	sst s25  }
0xa6: {  	s4 =	sshll.u32 s26, $0x1;
	_ =	strace $0x80000046;
	[dreg:$0x1] =	wrdreg $0xFFFFFFFF  }
0xa7: {  	s28 =	simm.s32 $_size_execute0_lowered;
	s2 =	sadd.s32 s2, s4;
	[dreg:$0x0] =	wrdreg $0x0  }
0xa8: {  	s4 =	sshll.u32 s28, $0x1;
	[dreg:$0x2] =	wrdreg s2  }
0xa9: {  	[dreg:$0x3] =	wrdreg s4  }
0xaa: {  	[dreg:$0x4] =	wrdreg $0xC0  }
0xab: {  	_ =	task [dreg:s6], $0x5FFFF  }
0xac: {  	[dreg:$0x1] =	wrdreg $0xFFFFFFFF  }
0xad: {  	[dreg:$0x0] =	wrdreg $0x60  }
0xae: {  	[dreg:$0x2] =	wrdreg s24  }
0xaf: {  	[dreg:$0x3] =	wrdreg $0x12D200  }
0xb0: {  	[dreg:$0x4] =	wrdreg $0x1CD200  }
0xb1: {  	[dreg:$0x5] =	wrdreg $0x9  }
0xb2: {  	_ =	task.clear_ibuf [dreg:s6], $0x6FFFF;
	_ =	strace $0x90000046  }
0xb3: {  	s29 =	simm.s32 $0x9;
	_ =	strace $0x80000048  }
0xb4: {  	_ =	swait.ge [sflag:s29], $0x1  }
0xb5: {  	[sflag:s29] =	ssyncadd.s32 $0xFFFFFFFF  }
0xb6: {  	_ =	strace $0x90000048  }
0xb7: {  	_ =	sfence  }
0xb8: {  	s30 =	sld [smem:$0x0];
	_ =	sdelay $0x2  }
0xb9: {  	s31 =	sshll.u32 s1, $0xD;
	s1 =	sshrl.u32 s1, $0x2  }
0xba: {  	s3 =	sand.u32 $0x4000, s31;
	s1 =	sadd.s32 s1, s30  }
0xbb: {  	s0 =	sor.u32 s3, s0;
	s1 =	sshll.u32 s1, $0x11  }
0xbc: {  	s0 =	sor.u32 s1, s0  }
0xbd: {  	s0 =	sadd.s32 $0x8F2B, s0  }
0xbe: {  	[sflag:s0] =	ssyncadd.remote.s32 $0x1  }
0xbf: {  	_ =	sfence.sel $0xFFFF  }
0xc0: {  	[dreg:$0x0] =	wrdreg $0xFFFFFFFF;
	(pc) =	sbr.abs _section_cstart, $3  }
0xc1: {  	[dreg:$0x1] =	wrdreg $0xFFFFFFFF  }
0xc2: {  	_ =	task.clear_ibuf [dreg:s6], $0x2FFFF;
	_ =	strace $0x9FFFFFFF  }
0xc3: {  	(tm) =	ssettm $0x7FFFFFFF  }
tec
execute0_lowered:
.L_overlay_start_1:
0x0: {  	(tag) =	ssettag $0x1  }
0x1: {  	s0 =	rddreg [dreg:$0x0]  }
0x2: {  	s2 =	rddreg [dreg:$0x1]  }
0x3: {  	s3 =	rddreg [dreg:$0x2]  }
0x4: {  	s10 =	stileid.u32;
	s1 =	srdreg.scid  }
0x5: {  	s5 =	simm.s32 $0x0;
	s29 =	simm.s32 $0x80;
	s30 =	simm.s32 $0x10D20  }
0x6: {  	s31 =	simm.s32 $0x1;
	s28 =	simm.s32 $0x2;
	s4 =	smul.u32 $0x4F00, s10  }
0x7: {  	s1 =	sand.u32 $0x1, s1;
	s7 =	smul.u32 $0xA000, s10;
	[smem:$0x7FF] =	sst s5  }
0x8: {  	s6 =	sadd.s32 $0x77A00, s0;
	s10 =	smul.u32 $0x280, s10;
	s11 =	sadd.s32 $0x9EC00, s0  }
0x9: {  	s8 =	smul.u32 $0xA0000, s1;
	_ =	strace $0x80000047;
	[dreg:$0x4] =	wrdreg s11  }
0xa: {  	s17 =	ssub.s32 $0x2, s1;
	p0 =	sne.s32 s1, $0x0;
	s9 =	sshrl.u32 s4, $0x3  }
0xb: {  	s16 =	sshrl.u32 s10, $0x3;
	s18 =	sshrl.u32 s17, $0x1;
	s13 =	sadd.s32 $0x80, s10  }
0xc: {  	s20 =	sadd.s32 $0x100, s10;
	s15 =	sadd.s32 $0x180, s10;
	s8 =	sadd.s32 s7, s8  }
0xd: {  	s26 =	sadd.s32 s9, s0;
	s14 =	ssub.s32 s17, s18;
	s19 =	sshll.u32 s13, $0x6  }
0xe: {  	s9 =	sadd.s32 s10, s3;
	s13 =	sadd.s32 s13, s3;
	s21 =	sshll.u32 s20, $0x6  }
0xf: {  	s22 =	sshll.u32 s15, $0x6;
	s10 =	sadd.s32 $0x200, s10;
	s25 =	sadd.s32 s15, s3  }
0x10: {  	s8 =	sshrl.u32 s8, $0x3;
	[dreg:$0x6] =	wrdreg s13;
	s13 =	sadd.s32 s21, s2  }
0x11: {  	s23 =	sadd.s32 s22, s2;
	s24 =	sshll.u32 s10, $0x6;
	[dreg:$0xa] =	wrdreg s25  }
0x12: {  	s17 =	sadd.s32 s10, s3;
	s18 =	sadd.s32 $0xA9400, s26;
	s22 =	smax.u32 s14, $0x1  }
0x13: {  	s25 =	simm.s32 $0xEC20;
	s12 =	sadd.s32 s8, s0;
	s0 =	sadd.s32 s16, s0  }
0x14: {  	s8 =	sadd.s32 s7, s2;
	s7 =	sadd.s32 s19, s2;
	[dreg:$0x7] =	wrdreg s13  }
0x15: {  	[dreg:$0x9] =	wrdreg s23;
	s19 =	sadd.s32 $0x9F600, s26;
	s26 =	smul.u32 $0x2710, s1  }
0x16: {  	s23 =	simm.s32 $0xED20;
	s1 =	simm.s32 $0x0;
	[dreg:$0x5] =	wrdreg s7  }
0x17: {  	s7 =	sadd.s32 s20, s3;
	s20 =	sadd.s32 $0xB3200, s12;
	s21 =	sadd.s32 $0xDB200, s0  }
0x18: {  	s12 =	simm.s32 $0x4E20;
	[dreg:$0x8] =	wrdreg s7;
	s7 =	sadd.s32 s24, s2  }
0x19: {  	v1 =	vimm.f32 $0.0e+00;
	s0 =	simm.s32 $0x4;
	s24 =	simm.s32 $0x3;
	v0 =	vmov s26;
	[dreg:$0xb] =	wrdreg s7  }
.LBB2_1:
0x1a: {  	s7 =	simm.s32 $0xEE20  }
0x1b: {  	[tilespmem:s7+$0xFFFFFF00] =	vst v1  }
0x1c: {  	[tilespmem:s7+$0xF0] =	vst v1  }
0x1d: {  	[tilespmem:s7+$0xE0] =	vst v1  }
0x1e: {  	[tilespmem:s7+$0xD0] =	vst v1  }
0x1f: {  	[tilespmem:s7+$0xC0] =	vst v1  }
0x20: {  	[tilespmem:s7+$0xB0] =	vst v1  }
0x21: {  	[tilespmem:s7+$0xA0] =	vst v1  }
0x22: {  	[tilespmem:s7+$0x90] =	vst v1  }
0x23: {  	[tilespmem:s7+$0x80] =	vst v1  }
0x24: {  	[tilespmem:s7+$0x70] =	vst v1  }
0x25: {  	[tilespmem:s7+$0x60] =	vst v1  }
0x26: {  	[tilespmem:s7+$0x50] =	vst v1  }
0x27: {  	[tilespmem:s7+$0x40] =	vst v1  }
0x28: {  	[tilespmem:s7+$0x30] =	vst v1  }
0x29: {  	[tilespmem:s7+$0x20] =	vst v1  }
0x2a: {  	[tilespmem:s7+$0x10] =	vst v1  }
0x2b: {  	[tilespmem:s7+$0x0] =	vst v1  }
0x2c: {  	[tilespmem:s7+$0xFFFFFFF0] =	vst v1  }
0x2d: {  	[tilespmem:s7+$0xFFFFFFE0] =	vst v1  }
0x2e: {  	[tilespmem:s7+$0xFFFFFFD0] =	vst v1  }
0x2f: {  	[tilespmem:s7+$0xFFFFFFC0] =	vst v1  }
0x30: {  	[tilespmem:s7+$0xFFFFFFB0] =	vst v1  }
0x31: {  	[tilespmem:s7+$0xFFFFFFA0] =	vst v1  }
0x32: {  	[tilespmem:s7+$0xFFFFFF90] =	vst v1  }
0x33: {  	[tilespmem:s7+$0xFFFFFF80] =	vst v1  }
0x34: {  	[tilespmem:s7+$0xFFFFFF70] =	vst v1  }
0x35: {  	[tilespmem:s7+$0xFFFFFF60] =	vst v1  }
0x36: {  	[tilespmem:s7+$0xFFFFFF50] =	vst v1  }
0x37: {  	[tilespmem:s7+$0xFFFFFF40] =	vst v1  }
0x38: {  	[tilespmem:s7+$0xFFFFFF30] =	vst v1  }
0x39: {  	s10 =	simm.s32 $0x0;
	[tilespmem:s7+$0xFFFFFF20] =	vst v1  }
.LBB2_2:
0x3a: {  	s10 =	sadd.s32 $0x8, s10;
	[tilespmem:s7+$0xFFFFFF10] =	vst v1;
	s7 =	sadd.s32 $0x200, s7  }
0x3b: {  	[tilespmem:s7+$0xFFFFFF00] =	vst v1;
	p1 =	slt.u32 s10, $0x78  }
0x3c: {  	[tilespmem:s7+$0xF0] =	vst v1  }
0x3d: {  	[tilespmem:s7+$0xE0] =	vst v1  }
0x3e: {  	[tilespmem:s7+$0xD0] =	vst v1  }
0x3f: {  	[tilespmem:s7+$0xC0] =	vst v1  }
0x40: {  	[tilespmem:s7+$0xB0] =	vst v1  }
0x41: {  	[tilespmem:s7+$0xA0] =	vst v1  }
0x42: {  	[tilespmem:s7+$0x90] =	vst v1  }
0x43: {  	[tilespmem:s7+$0x80] =	vst v1  }
0x44: {  	[tilespmem:s7+$0x70] =	vst v1  }
0x45: {  	[tilespmem:s7+$0x60] =	vst v1  }
0x46: {  	[tilespmem:s7+$0x50] =	vst v1  }
0x47: {  	[tilespmem:s7+$0x40] =	vst v1  }
0x48: {  	[tilespmem:s7+$0x30] =	vst v1  }
0x49: {  	[tilespmem:s7+$0x20] =	vst v1  }
0x4a: {  	[tilespmem:s7+$0x10] =	vst v1  }
0x4b: {  	[tilespmem:s7+$0x0] =	vst v1  }
0x4c: {  	[tilespmem:s7+$0xFFFFFFF0] =	vst v1  }
0x4d: {  	[tilespmem:s7+$0xFFFFFFE0] =	vst v1  }
0x4e: {  	[tilespmem:s7+$0xFFFFFFD0] =	vst v1  }
0x4f: {  	[tilespmem:s7+$0xFFFFFFC0] =	vst v1  }
0x50: {  	[tilespmem:s7+$0xFFFFFFB0] =	vst v1  }
0x51: {  	[tilespmem:s7+$0xFFFFFFA0] =	vst v1  }
0x52: {  	[tilespmem:s7+$0xFFFFFF90] =	vst v1  }
0x53: {  	[tilespmem:s7+$0xFFFFFF80] =	vst v1  }
0x54: {  	[tilespmem:s7+$0xFFFFFF70] =	vst v1  }
.Ltmp0:
0x55: {  	[tilespmem:s7+$0xFFFFFF60] =	vst v1;
	(pc) =	sbr.rel @p1 .LBB2_2-.Ltmp0, $4  }
0x56: {  	[tilespmem:s7+$0xFFFFFF50] =	vst v1  }
0x57: {  	[tilespmem:s7+$0xFFFFFF40] =	vst v1  }
0x58: {  	[tilespmem:s7+$0xFFFFFF30] =	vst v1  }
0x59: {  	[tilespmem:s7+$0xFFFFFF20] =	vst v1  }
0x5a: {  	[tilespmem:s7+$0xFFFFFF10] =	vst v1  }
0x5b: {  	[tilespmem:$0xEC20] =	vst v1  }
0x5c: {  	[tilespmem:$0xEC30] =	vst v1  }
0x5d: {  	[tilespmem:$0xEC40] =	vst v1  }
0x5e: {  	[tilespmem:$0xEC50] =	vst v1  }
0x5f: {  	[tilespmem:$0xEC60] =	vst v1  }
0x60: {  	[tilespmem:$0xEC70] =	vst v1  }
0x61: {  	[tilespmem:$0xEC80] =	vst v1  }
0x62: {  	[tilespmem:$0xEC90] =	vst v1  }
0x63: {  	[spmem:s8] =	stream.linear.scatter [tilespmem:s23], [sflag:$0x3], $0x2000, $0x38;
	[tilespmem:$0x1CFA0] =	vst v63  }
0x64: {  	_ =	swait.ge [sflag:s24], $0x2000  }
0x65: {  	[sflag:s24] =	ssyncset.done $0x0  }
0x66: {  	[sflag:s24] =	ssyncadd.s32 $0xFFFFE000  }
0x67: {  	[spmem:s9] =	stream.linear.scatter [tilespmem:s25], [sflag:$0x3], $0x80, $0x38;
	[tilespmem:$0x1CFA0] =	vst v63  }
0x68: {  	_ =	swait.ge [sflag:s24], $0x80  }
0x69: {  	[sflag:s24] =	ssyncset.done $0x0  }
0x6a: {  	s16 =	rddreg [dreg:$0x5];
	[sflag:s24] =	ssyncadd.s32 $0xFFFFFF80  }
0x6b: {  	[spmem:s16] =	stream.linear.scatter [tilespmem:s23], [sflag:$0x3], $0x2000, $0x38;
	[tilespmem:$0x1CFA0] =	vst v63  }
0x6c: {  	_ =	swait.ge [sflag:s24], $0x2000  }
0x6d: {  	[sflag:s24] =	ssyncset.done $0x0  }
0x6e: {  	s26 =	rddreg [dreg:$0x6];
	[sflag:s24] =	ssyncadd.s32 $0xFFFFE000  }
0x6f: {  	[spmem:s26] =	stream.linear.scatter [tilespmem:s25], [sflag:$0x3], $0x80, $0x38;
	[tilespmem:$0x1CFA0] =	vst v63  }
0x70: {  	_ =	swait.ge [sflag:s24], $0x80  }
0x71: {  	[sflag:s24] =	ssyncset.done $0x0  }
0x72: {  	s10 =	rddreg [dreg:$0x7];
	[sflag:s24] =	ssyncadd.s32 $0xFFFFFF80  }
0x73: {  	[spmem:s10] =	stream.linear.scatter [tilespmem:s23], [sflag:$0x3], $0x2000, $0x38;
	[tilespmem:$0x1CFA0] =	vst v63  }
0x74: {  	_ =	swait.ge [sflag:s24], $0x2000  }
0x75: {  	[sflag:s24] =	ssyncset.done $0x0  }
0x76: {  	s11 =	rddreg [dreg:$0x8];
	[sflag:s24] =	ssyncadd.s32 $0xFFFFE000  }
0x77: {  	[spmem:s11] =	stream.linear.scatter [tilespmem:s25], [sflag:$0x3], $0x80, $0x38;
	[tilespmem:$0x1CFA0] =	vst v63  }
0x78: {  	_ =	swait.ge [sflag:s24], $0x80  }
0x79: {  	[sflag:s24] =	ssyncset.done $0x0  }
0x7a: {  	s13 =	rddreg [dreg:$0x9];
	[sflag:s24] =	ssyncadd.s32 $0xFFFFFF80  }
0x7b: {  	[spmem:s13] =	stream.linear.scatter [tilespmem:s23], [sflag:$0x3], $0x2000, $0x38;
	[tilespmem:$0x1CFA0] =	vst v63  }
0x7c: {  	_ =	swait.ge [sflag:s24], $0x2000  }
0x7d: {  	[sflag:s24] =	ssyncset.done $0x0  }
0x7e: {  	s14 =	rddreg [dreg:$0xa];
	[sflag:s24] =	ssyncadd.s32 $0xFFFFE000  }
0x7f: {  	[spmem:s14] =	stream.linear.scatter [tilespmem:s25], [sflag:$0x3], $0x80, $0x38;
	[tilespmem:$0x1CFA0] =	vst v63  }
0x80: {  	_ =	swait.ge [sflag:s24], $0x80  }
0x81: {  	[sflag:s24] =	ssyncset.done $0x0  }
0x82: {  	s15 =	rddreg [dreg:$0xb];
	[sflag:s24] =	ssyncadd.s32 $0xFFFFFF80  }
0x83: {  	[spmem:s15] =	stream.linear.scatter [tilespmem:s23], [sflag:$0x3], $0x2000, $0x38;
	[tilespmem:$0x1CFA0] =	vst v63  }
0x84: {  	_ =	swait.ge [sflag:s24], $0x2000  }
0x85: {  	[sflag:s24] =	ssyncset.done $0x0  }
0x86: {  	[sflag:s24] =	ssyncadd.s32 $0xFFFFE000  }
0x87: {  	[spmem:s17] =	stream.linear.scatter [tilespmem:s25], [sflag:$0x3], $0x80, $0x38;
	[tilespmem:$0x1CFA0] =	vst v63  }
0x88: {  	_ =	swait.ge [sflag:s24], $0x80  }
0x89: {  	[sflag:s24] =	ssyncset.done $0x0  }
0x8a: {  	[sflag:s24] =	ssyncadd.s32 $0xFFFFFF80  }
0x8b: {  	[bflag:$0x0] =	sbarrier.arrive $0xFFFF  }
0x8c: {  	s16 =	rddreg [dreg:$0x4]  }
0x8d: {  	[tilespmem:s5], [sflag:$0x3] =	stream.linear.gather [hbm4b:s16+s5], $0x4E20, $0x38;
	[tilespmem:$0x1CFA0] =	vst v63  }
0x8e: {  	_ =	swait.ge [sflag:s24], $0x4E20  }
0x8f: {  	[sflag:s24] =	ssyncset.done $0x0  }
0x90: {  	[sflag:s24] =	ssyncadd.s32 $0xFFFFB1E0  }
0x91: {  	[tilespmem:s12], [sflag:$0x3] =	stream.linear.gather [hbm4b:s18+s5], $0x4F00, $0x38;
	[tilespmem:$0x1CFA0] =	vst v63  }
0x92: {  	_ =	swait.ge [sflag:s24], $0x4F00  }
0x93: {  	[sflag:s24] =	ssyncset.done $0x0  }
0x94: {  	s26 =	simm.s32 $0x9D20;
	[sflag:s24] =	ssyncadd.s32 $0xFFFFB100  }
0x95: {  	[tilespmem:s26], [sflag:$0x3] =	stream.linear.gather [hbm4b:s19+s5], $0x4F00, $0x38;
	[tilespmem:$0x1CFA0] =	vst v63  }
0x96: {  	_ =	swait.ge [sflag:s24], $0x4F00  }
0x97: {  	[sflag:s24] =	ssyncset.done $0x0  }
0x98: {  	s7 =	simm.s32 $0x4E60;
	[sflag:s24] =	ssyncadd.s32 $0xFFFFB100  }
0x99: {  	v5 =	vld [tilespmem:s7+$0x30]  }
0x9a: {  	v6 =	vld [tilespmem:s7+$0xFFFFFFD0]  }
0x9b: {  	v7 =	vld [tilespmem:s7+$0xFFFFFFE0]  }
0x9c: {  	v4 =	vld [tilespmem:s7+$0xFFFFFFF0]  }
0x9d: {  	v3 =	vld [tilespmem:s7+$0x0]  }
0x9e: {  	v2 =	vld [tilespmem:s7+$0x10];
	v8 =	vadd.s32 v0, v5  }
0x9f: {  	v9 =	vadd.s32 v0, v6;
	v5 =	vld [tilespmem:s7+$0x20];
	[tilespmem:s7+$0x30] =	vst v8  }
0xa0: {  	s10 =	simm.s32 $0x0;
	s11 =	simm.s32 $0x4EE0;
	v6 =	vld [tilespmem:s7+$0xFFFFFFC0];
	v7 =	vadd.s32 v0, v7;
	[tilespmem:s7+$0xFFFFFFD0] =	vst v9  }
.LBB2_4:
0xa1: {  	v8 =	vld [tilespmem:s11+$0x30];
	s10 =	sadd.s32 $0x8, s10;
	[tilespmem:s7+$0xFFFFFFE0] =	vst v7;
	v4 =	vadd.s32 v0, v4  }
0xa2: {  	v7 =	vld [tilespmem:s11+$0xFFFFFFD0];
	p1 =	slt.u32 s10, $0x4E8;
	[tilespmem:s7+$0xFFFFFFF0] =	vst v4;
	v3 =	vadd.s32 v0, v3  }
0xa3: {  	v9 =	vld [tilespmem:s11+$0xFFFFFFE0];
	[tilespmem:s7+$0x0] =	vst v3;
	v2 =	vadd.s32 v0, v2  }
.Ltmp1:
0xa4: {  	v4 =	vld [tilespmem:s11+$0xFFFFFFF0];
	[tilespmem:s7+$0x10] =	vst v2;
	v2 =	vadd.s32 v0, v5;
	(pc) =	sbr.rel @p1 .LBB2_4-.Ltmp1, $4  }
0xa5: {  	v3 =	vld [tilespmem:s11+$0x0];
	v5 =	vadd.s32 v0, v6;
	[tilespmem:s7+$0x20] =	vst v2  }
0xa6: {  	v2 =	vld [tilespmem:s11+$0x10];
	v6 =	vadd.s32 v0, v8;
	[tilespmem:s7+$0xFFFFFFC0] =	vst v5;
	s7 =	smov.u32 s11  }
0xa7: {  	v7 =	vadd.s32 v0, v7;
	v5 =	vld [tilespmem:s11+$0x20];
	[tilespmem:s11+$0x30] =	vst v6  }
0xa8: {  	s11 =	sadd.s32 $0x80, s11;
	v6 =	vld [tilespmem:s7+$0xFFFFFFC0];
	[tilespmem:s7+$0xFFFFFFD0] =	vst v7;
	v7 =	vadd.s32 v0, v9  }
0xa9: {  	[tilespmem:s7+$0xFFFFFFE0] =	vst v7;
	v4 =	vadd.s32 v0, v4  }
0xaa: {  	[tilespmem:s7+$0xFFFFFFF0] =	vst v4;
	v3 =	vadd.s32 v0, v3  }
0xab: {  	[tilespmem:s7+$0x0] =	vst v3;
	v2 =	vadd.s32 v0, v2  }
0xac: {  	[tilespmem:s7+$0x10] =	vst v2;
	v2 =	vadd.s32 v0, v5  }
0xad: {  	v3 =	vadd.s32 v0, v6;
	[tilespmem:s7+$0x20] =	vst v2  }
0xae: {  	[tilespmem:s7+$0xFFFFFFC0] =	vst v3;
	s7 =	simm.s32 $0x0  }
0xaf: {  	[tilespmem:s23], [sflag:$0x1] =	stream.indirect.gather [hbm4b:s6+s29], $0x40, s12, s29, $0xb8;
	[tilespmem:$0x1CFA0] =	vst v63  }
.LBB2_6:
0xb0: {  	s26 =	sshll.u32 s7, $0x8  }
0xb1: {  	s11 =	sshllo.u32 s7, $0x1;
	s13 =	sadd.s32 $0x4E20, s26  }
0xb2: {  	s10 =	sshll.u32 s11, $0x9;
	s14 =	sadd.s32 $0x9D20, s26;
	v2 =	vmov s13  }
0xb3: {  	s10 =	sshrl.u32 s10, $0x2;
	v3 =	vmov s14  }
0xb4: {  	s12 =	sadd.s32 $0x4E20, s10  }
0xb5: {  	[tilespmem:s30], [sflag:$0x2] =	stream.indirect.gather [hbm4b:s6+s29], $0x40, s12, s29, $0xb8;
	[tilespmem:$0x1CFA0] =	vst v63  }
0xb6: {  	p1 =	por $0x1, $0x1;
	s13 =	simm.s32 $0x0;
	s12 =	sadd.s32 s4, s26  }
.LBB2_7:
0xb7: {  	v4 =	vld.idx.msk [tilespmem:v2+s13+$0x0 ss:$0x1], $0xffff  }
0xb8: {  	v5 =	vld.idx.msk [tilespmem:v3+s13+$0x0 ss:$0x1], $0xffff;
	s14 =	sor.u32 $0x10, s13  }
0xb9: {  	v6 =	vld.idx.msk [tilespmem:v2+s14+$0x0 ss:$0x1], $0xffff  }
0xba: {  	s26 =	sor.u32 $0x20, s13;
	v7 =	vld.idx.msk [tilespmem:v3+s14+$0x0 ss:$0x1], $0xffff  }
0xbb: {  	v8 =	vld.idx.msk [tilespmem:v2+s26+$0x0 ss:$0x1], $0xffff  }
0xbc: {  	s15 =	sor.u32 $0x30, s13;
	v9 =	vld.idx.msk [tilespmem:v3+s26+$0x0 ss:$0x1], $0xffff;
	v4 =	vsub.s32 v4, v0  }
0xbd: {  	v10 =	vld.idx.msk [tilespmem:v2+s15+$0x0 ss:$0x1], $0xffff;
	v5 =	vshll.u32 v5, $0x1;
	v4 =	vshll.u32 v4, $0x1  }
0xbe: {  	v11 =	vld.idx.msk [tilespmem:v3+s15+$0x0 ss:$0x1], $0xffff;
	v5 =	vor.u32 $0x1, v5;
	v6 =	vsub.s32 v6, v0  }
0xbf: {  	v7 =	vshll.u32 v7, $0x1;
	v6 =	vshll.u32 v6, $0x1  }
0xc0: {  	v8 =	vsub.s32 v8, v0;
	v7 =	vor.u32 $0x1, v7  }
0xc1: {  	v9 =	vshll.u32 v9, $0x1;
	v8 =	vshll.u32 v8, $0x1  }
0xc2: {  	v10 =	vsub.s32 v10, v0;
	v9 =	vor.u32 $0x1, v9;
	v4 =	vld.idx.msk [tilespmem:v4+s5+$0x0], $0xffff  }
0xc3: {  	v11 =	vshll.u32 v11, $0x1;
	v10 =	vshll.u32 v10, $0x1;
	v5 =	vld.idx.msk [tilespmem:v5+s5+$0x0], $0xffff  }
0xc4: {  	v11 =	vor.u32 $0x1, v11;
	v6 =	vld.idx.msk [tilespmem:v6+s5+$0x0], $0xffff  }
0xc5: {  	v7 =	vld.idx.msk [tilespmem:v7+s5+$0x0], $0xffff  }
0xc6: {  	v8 =	vld.idx.msk [tilespmem:v8+s5+$0x0], $0xffff  }
0xc7: {  	v9 =	vld.idx.msk [tilespmem:v9+s5+$0x0], $0xffff  }
0xc8: {  	v10 =	vld.idx.msk [tilespmem:v10+s5+$0x0], $0xffff  }
0xc9: {  	v11 =	vld.idx.msk [tilespmem:v11+s5+$0x0], $0xffff;
	v4 =	vadd.f32 v5, v4  }
0xca: {  	v5 =	vadd.f32 v7, v6  }
0xcb: {  	v58 =	vmul.f32 $2.000000030e-01, v4  }
0xcc: {  	vm0 =	vgt.f32 v4, $0.0e+00;
	v60 =	vmul.f32 $2.000000030e-01, v5  }
0xcd: {  	v59 =	vadd.f32 v9, v8;
	vm13 =	vgt.f32 v5, $0.0e+00;
	v4 =	vsel vm0, v4, v58  }
0xce: {  	v61 =	vadd.f32 v11, v10;
	v4 =	vmul.f32 $1.442695020e+00, v4;
	v5 =	vsel vm13, v5, v60  }
0xcf: {  	v9 =	vmul.f32 $2.000000030e-01, v59;
	v5 =	vmul.f32 $1.442695020e+00, v5  }
0xd0: {  	vm14 =	vgt.f32 v59, $0.0e+00;
	v62 =	vmul.f32 $2.000000030e-01, v61;
	(erf) = vpow2.f32 v4  }
0xd1: {  	vm15 =	vgt.f32 v61, $0.0e+00;
	v7 =	vsel vm14, v59, v9;
	(erf) = vpow2.f32 v5  }
0xd2: {  	v63 =	vmul.f32 $1.442695020e+00, v7;
	v4 =	vsel vm15, v61, v62  }
0xd3: {  	v4 =	vmul.f32 $1.442695020e+00, v4  }
0xd4: {  	(erf) = vpow2.f32 v63  }
0xd5: {  	(erf) = vpow2.f32 v4;
	_ =	sdelay $0x3  }
0xd6: {  	s16 =	sor.u32 s12, s13;
	s14 =	sor.u32 s12, s14;
	v4 =	vpop (erf)  }
0xd7: {  	p2 =	slt.u32 s16, $0x4E200;
	p3 =	slt.u32 s14, $0x4E200;
	v5 =	vpop (erf)  }
0xd8: {  	v4 =	vpsel !p2, $0x0, v4;
	p2 =	por p1, p1;
	v5 =	vpsel !p3, $0x0, v5  }
.Ltmp2:
0xd9: {  	s16 =	sor.u32 s12, s26;
	(pc) =	sbr.rel @p2 .LBB2_7-.Ltmp2, $4  }
0xda: {  	s26 =	sor.u32 s12, s15;
	p5 =	slt.u32 s16, $0x4E200;
	v6 =	vpop (erf);
	[tilespmem:s13+$0xEC20] =	vst v4  }
0xdb: {  	p6 =	slt.u32 s26, $0x4E200;
	[tilespmem:s13+$0xEC30] =	vst v5;
	v4 =	vpsel !p5, $0x0, v6;
	v5 =	vpop (erf)  }
0xdc: {  	[tilespmem:s13+$0xEC40] =	vst v4;
	v4 =	vpsel !p6, $0x0, v5  }
0xdd: {  	p1 =	por $0x0, $0x0;
	[tilespmem:s13+$0xEC50] =	vst v4;
	s13 =	simm.s32 $0x40  }
0xde: {  	s12 =	simm.s32 $0x0  }
0xdf: {  	v2 =	vmov s12  }
0xe0: {  	s14 =	simm.s32 $0x3;
	s13 =	simm.s32 $0x1;
	v2 =	vand.u32 $0xFFFFFFFC, v2  }
0xe1: {  	v3 =	vmov s14;
	v4 =	vmov s13;
	v5 =	vbroadcast v2, $0x0  }
0xe2: {  	s15 =	simm.s32 $0x2;
	v2 =	vand.u32 $0xFFFFFFFD, v4  }
0xe3: {  	_ =	swait.ge [sflag:s31], $0x2000;
	v4 =	vmov s15;
	v6 =	vbroadcast v2, $0x0  }
0xe4: {  	[sflag:s31] =	ssyncset.done $0x0;
	v2 =	vand.u32 $0xFFFFFFFE, v4  }
0xe5: {  	[sflag:s31] =	ssyncadd.s32 $0xFFFFE000;
	v7 =	vbroadcast v2, $0x0  }
0xe6: {  	v2 =	vld.idx.msk [tilespmem:v3+s25+$0x0], $0xffff  }
0xe7: {  	s12 =	simm.s32 $0xEDA0;
	v9 =	vld.idx.msk [tilespmem:v5+s25+$0x0], $0xffff  }
0xe8: {  	v5 =	vld [tilespmem:s12+$0x30]  }
0xe9: {  	v4 =	vld.idx.msk [tilespmem:v6+s25+$0x0], $0xffff  }
0xea: {  	v6 =	vld [tilespmem:s12+$0xFFFFFF80]  }
0xeb: {  	v3 =	vld.idx.msk [tilespmem:v7+s25+$0x0], $0xffff  }
0xec: {  	v7 =	vld [tilespmem:s12+$0xFFFFFF90]  }
0xed: {  	v8 =	vld [tilespmem:s12+$0xFFFFFFA0]  }
0xee: {  	v10 =	vld [tilespmem:s12+$0xFFFFFFB0]  }
0xef: {  	v11 =	vld [tilespmem:s12+$0xFFFFFFC0];
	v13 =	vmul.f32 v6, v9  }
0xf0: {  	v6 =	vld [tilespmem:s12+$0xFFFFFFD0];
	v12 =	vmul.f32 v5, v3  }
0xf1: {  	s16 =	simm.s32 $0x4;
	v14 =	vmul.f32 v7, v9;
	v5 =	vld [tilespmem:s12+$0xFFFFFFE0];
	[tilespmem:s12+$0xFFFFFF80] =	vst v13  }
0xf2: {  	s26 =	simm.s32 $0x7;
	v7 =	vmov s16;
	v13 =	vmul.f32 v8, v9;
	v8 =	vld [tilespmem:s12+$0xFFFFFFF0];
	[tilespmem:s12+$0x30] =	vst v12  }
0xf3: {  	s14 =	simm.s32 $0x5;
	v15 =	vand.u32 $0xFFFFFFFC, v7;
	v7 =	vmov s26;
	[tilespmem:s12+$0xFFFFFF90] =	vst v14;
	v12 =	vmul.f32 v10, v9;
	v10 =	vld [tilespmem:s12+$0x0]  }
0xf4: {  	s13 =	simm.s32 $0xEDA0;
	s26 =	simm.s32 $0x8;
	v9 =	vbroadcast v15, $0x0;
	v14 =	vmov s14;
	s14 =	simm.s32 $0x6;
	[tilespmem:s12+$0xFFFFFFA0] =	vst v13;
	v13 =	vmul.f32 v11, v4;
	v11 =	vld [tilespmem:s12+$0x10]  }
.LBB2_9:
0xf5: {  	p1 =	slt.u32 s26, $0x7C;
	v14 =	vand.u32 $0xFFFFFFFD, v14;
	v15 =	vmov s14;
	[tilespmem:s12+$0xFFFFFFB0] =	vst v12;
	v6 =	vmul.f32 v6, v4;
	v12 =	vld [tilespmem:s12+$0x20]  }
0xf6: {  	v14 =	vbroadcast v14, $0x0;
	v15 =	vand.u32 $0xFFFFFFFE, v15;
	[tilespmem:s12+$0xFFFFFFC0] =	vst v13;
	v5 =	vmul.f32 v5, v4;
	v13 =	vld [tilespmem:s12+$0x40]  }
0xf7: {  	v15 =	vbroadcast v15, $0x0;
	[tilespmem:s12+$0xFFFFFFD0] =	vst v6;
	v4 =	vmul.f32 v8, v4;
	v6 =	vld [tilespmem:s12+$0x50]  }
0xf8: {  	[tilespmem:s12+$0xFFFFFFE0] =	vst v5;
	v5 =	vmul.f32 v10, v3;
	v8 =	vld [tilespmem:s12+$0x60]  }
0xf9: {  	[tilespmem:s12+$0xFFFFFFF0] =	vst v4;
	v4 =	vmul.f32 v11, v3;
	v10 =	vld [tilespmem:s12+$0x70]  }
0xfa: {  	v7 =	vld.idx.msk [tilespmem:v7+s25+$0x0], $0xffff;
	[tilespmem:s12+$0x0] =	vst v5;
	v3 =	vmul.f32 v12, v3  }
0xfb: {  	v9 =	vld.idx.msk [tilespmem:v9+s25+$0x0], $0xffff;
	[tilespmem:s12+$0x10] =	vst v4;
	v5 =	vmul.f32 v13, v2  }
0xfc: {  	v4 =	vld.idx.msk [tilespmem:v14+s25+$0x0], $0xffff;
	[tilespmem:s12+$0x20] =	vst v3;
	v6 =	vmul.f32 v6, v2  }
0xfd: {  	s12 =	sadd.s32 $0x100, s12;
	v3 =	vld.idx.msk [tilespmem:v15+s25+$0x0], $0xffff;
	[tilespmem:s13+$0x40] =	vst v5;
	v5 =	vmul.f32 v8, v2  }
0xfe: {  	v8 =	vld [tilespmem:s12+$0x30];
	[tilespmem:s13+$0x50] =	vst v6;
	v10 =	vmul.f32 v10, v2  }
0xff: {  	v6 =	vld [tilespmem:s12+$0xFFFFFF80];
	[tilespmem:s13+$0x60] =	vst v5  }
0x100: {  	v2 =	vmov v7;
	v5 =	vld [tilespmem:s12+$0xFFFFFF90];
	[tilespmem:s13+$0x70] =	vst v10;
	s13 =	smov.u32 s12  }
0x101: {  	v7 =	vld [tilespmem:s12+$0xFFFFFFA0]  }
0x102: {  	v10 =	vld [tilespmem:s12+$0xFFFFFFB0]  }
0x103: {  	v11 =	vld [tilespmem:s12+$0xFFFFFFC0];
	v8 =	vmul.f32 v8, v3  }
.Ltmp3:
0x104: {  	v12 =	vmul.f32 v6, v9;
	v6 =	vld [tilespmem:s12+$0xFFFFFFD0];
	(pc) =	sbr.rel @p1 .LBB2_9-.Ltmp3, $4  }
0x105: {  	v13 =	vmul.f32 v5, v9;
	v5 =	vld [tilespmem:s12+$0xFFFFFFE0];
	[tilespmem:s12+$0x30] =	vst v8  }
0x106: {  	s14 =	sadd.s32 $0x3, s26;
	v14 =	vmov s26;
	[tilespmem:s12+$0xFFFFFF80] =	vst v12;
	v15 =	vmul.f32 v7, v9;
	v8 =	vld [tilespmem:s12+$0xFFFFFFF0]  }
0x107: {  	s15 =	sadd.s32 $0x1, s26;
	v14 =	vand.u32 $0xFFFFFFFC, v14;
	v7 =	vmov s14;
	[tilespmem:s12+$0xFFFFFF90] =	vst v13;
	v12 =	vmul.f32 v10, v9;
	v10 =	vld [tilespmem:s12+$0x0]  }
0x108: {  	s14 =	sadd.s32 $0x2, s26;
	s26 =	sadd.s32 $0x4, s26;
	v9 =	vbroadcast v14, $0x0;
	v14 =	vmov s15;
	[tilespmem:s12+$0xFFFFFFA0] =	vst v15;
	v13 =	vmul.f32 v11, v4;
	v11 =	vld [tilespmem:s12+$0x10]  }
0x109: {  	v16 =	vld [tilespmem:s12+$0x20]  }
0x10a: {  	v17 =	vld [tilespmem:s12+$0x40]  }
0x10b: {  	v15 =	vmov s14;
	v18 =	vld [tilespmem:s12+$0x50]  }
0x10c: {  	v19 =	vld [tilespmem:s12+$0x60];
	v15 =	vand.u32 $0xFFFFFFFE, v15  }
0x10d: {  	[tilespmem:s12+$0xFFFFFFB0] =	vst v12;
	v51 =	vld [tilespmem:s12+$0x70];
	v5 =	vmul.f32 v5, v4;
	v15 =	vbroadcast v15, $0x0  }
0x10e: {  	v14 =	vand.u32 $0xFFFFFFFD, v14;
	v6 =	vmul.f32 v6, v4;
	v7 =	vld.idx.msk [tilespmem:v7+s25+$0x0], $0xffff;
	[tilespmem:s12+$0xFFFFFFC0] =	vst v13;
	v4 =	vmul.f32 v8, v4  }
0x10f: {  	s26 =	sadd.s32 $0x100, s12;
	v14 =	vbroadcast v14, $0x0;
	v52 =	vld.idx.msk [tilespmem:v9+s25+$0x0], $0xffff;
	[tilespmem:s12+$0xFFFFFFE0] =	vst v5;
	v5 =	vmul.f32 v10, v3  }
0x110: {  	v55 =	vld [tilespmem:s26+$0xFFFFFF80];
	[tilespmem:s12+$0xFFFFFFF0] =	vst v4;
	v4 =	vmul.f32 v11, v3  }
0x111: {  	v56 =	vld [tilespmem:s26+$0xFFFFFF90];
	[tilespmem:s12+$0x0] =	vst v5;
	v3 =	vmul.f32 v16, v3  }
0x112: {  	v5 =	vld [tilespmem:s26+$0x30];
	[tilespmem:s12+$0x10] =	vst v4;
	v4 =	vmul.f32 v17, v2  }
0x113: {  	[tilespmem:s12+$0x20] =	vst v3;
	v3 =	vmul.f32 v18, v2;
	v54 =	vld.idx.msk [tilespmem:v15+s25+$0x0], $0xffff  }
0x114: {  	v57 =	vld [tilespmem:s26+$0xFFFFFFA0];
	[tilespmem:s13+$0x40] =	vst v4;
	v4 =	vmul.f32 v19, v2  }
0x115: {  	v53 =	vld.idx.msk [tilespmem:v14+s25+$0x0], $0xffff;
	v2 =	vmul.f32 v51, v2;
	[tilespmem:s13+$0x50] =	vst v3  }
0x116: {  	v3 =	vld [tilespmem:s26+$0xFFFFFFB0];
	[tilespmem:s13+$0x60] =	vst v4  }
0x117: {  	v4 =	vld [tilespmem:s26+$0xFFFFFFC0];
	[tilespmem:s13+$0x70] =	vst v2;
	v2 =	vmul.f32 v55, v52  }
0x118: {  	v58 =	vld [tilespmem:s26+$0xFFFFFFD0];
	[tilespmem:s12+$0xFFFFFFD0] =	vst v6;
	v5 =	vmul.f32 v5, v54  }
0x119: {  	v59 =	vld [tilespmem:s26+$0xFFFFFFE0];
	v11 =	vmul.f32 v56, v52;
	[tilespmem:s26+$0xFFFFFF80] =	vst v2  }
0x11a: {  	v2 =	vmul.f32 v57, v52;
	[tilespmem:s26+$0x30] =	vst v5;
	v5 =	vld [tilespmem:s26+$0xFFFFFFF0]  }
0x11b: {  	v60 =	vld [tilespmem:s26+$0x0];
	[tilespmem:s26+$0xFFFFFF90] =	vst v11;
	v3 =	vmul.f32 v3, v52  }
0x11c: {  	[tilespmem:s26+$0xFFFFFFA0] =	vst v2;
	v2 =	vmul.f32 v4, v53;
	v4 =	vld [tilespmem:s26+$0x10]  }
0x11d: {  	v61 =	vld [tilespmem:s26+$0x20];
	[tilespmem:s26+$0xFFFFFFB0] =	vst v3;
	v3 =	vmul.f32 v58, v53  }
0x11e: {  	v62 =	vld [tilespmem:s26+$0x40];
	[tilespmem:s26+$0xFFFFFFC0] =	vst v2;
	v2 =	vmul.f32 v59, v53  }
0x11f: {  	[tilespmem:s26+$0xFFFFFFD0] =	vst v3;
	v3 =	vmul.f32 v5, v53;
	v5 =	vld [tilespmem:s26+$0x50]  }
0x120: {  	v63 =	vld [tilespmem:s26+$0x60];
	[tilespmem:s26+$0xFFFFFFE0] =	vst v2;
	v2 =	vmul.f32 v60, v54  }
0x121: {  	[tilespmem:s26+$0xFFFFFFF0] =	vst v3;
	v3 =	vmul.f32 v4, v54;
	v4 =	vld [tilespmem:s26+$0x70]  }
0x122: {  	[tilespmem:s26+$0x0] =	vst v2;
	v2 =	vmul.f32 v61, v54  }
0x123: {  	[tilespmem:s26+$0x10] =	vst v3;
	v3 =	vmul.f32 v62, v7  }
0x124: {  	[tilespmem:s26+$0x20] =	vst v2;
	v2 =	vmul.f32 v5, v7  }
0x125: {  	[tilespmem:s26+$0x40] =	vst v3;
	v3 =	vmul.f32 v63, v7  }
0x126: {  	s12 =	sshll.u32 s7, $0xA;
	[tilespmem:s26+$0x50] =	vst v2;
	v2 =	vmul.f32 v4, v7  }
0x127: {  	s15 =	sshrl.u32 s12, $0x2;
	[tilespmem:s26+$0x60] =	vst v3  }
0x128: {  	s13 =	sadd.s32 $0x9D20, s15;
	[tilespmem:s26+$0x70] =	vst v2  }
0x129: {  	[spmem:s2] =	stream.indirect.scatter.add.f32 [tilespmem:s23], [sflag:$0x4], $0x40, s13, s29, $0xb8;
	[tilespmem:$0x1CFA0] =	vst v63  }
0x12a: {  	_ =	swait.ge [sflag:s0], $0x2000  }
0x12b: {  	s14 =	simm.s32 @!p0 $0x80;
	[sflag:s0] =	ssyncset.done $0x0  }
0x12c: {  	s11 =	sshll.u32 s11, $0x7;
	s15 =	simm.s32 @!p0 $0xEC20;
	[sflag:s0] =	ssyncadd.s32 $0xFFFFE000  }
0x12d: {  	[spmem:s3] =	stream.indirect.scatter.add.f32 @!p0 [tilespmem:s15], [sflag:$0x4], $0x1, s13, s14, $0xb8;
	[tilespmem:$0x1CFA0] =	vst v63  }
0x12e: {  	p1 =	seq.s32 s7, $0x4E;
	s16 =	sadd.s32 $0x4E20, s11;
	s13 =	simm.s32 @!p0 $0x4  }
0x12f: {  	s12 =	sshrl.u32 @!p1 s12, $0x2;
	s26 =	sadd.s32 $0x9D20, s11;
	v2 =	vmov s16;
	_ =	swait.ge @!p0 [sflag:s13], $0x80  }
0x130: {  	s12 =	sadd.s32 @!p1 $0x4F20, s12;
	v3 =	vmov s26;
	[sflag:s13] =	ssyncset.done @!p0 $0x0  }
0x131: {  	s14 =	simm.s32 @!p1 $0xED20;
	[sflag:s13] =	ssyncadd.s32 @!p0 $0xFFFFFF80;
	s13 =	simm.s32 @!p1 $0x80  }
0x132: {  	[tilespmem:s14], [sflag:$0x1] =	stream.indirect.gather @!p1 [hbm4b:s6+s13], $0x40, s12, s13, $0xb8;
	[tilespmem:$0x1CFA0] =	vst v63  }
0x133: {  	s11 =	sadd.s32 s4, s11;
	s12 =	simm.s32 $0x0;
	p1 =	por $0x1, $0x1  }
.LBB2_11:
0x134: {  	v4 =	vld.idx.msk [tilespmem:v2+s12+$0x0 ss:$0x1], $0xffff  }
0x135: {  	v5 =	vld.idx.msk [tilespmem:v3+s12+$0x0 ss:$0x1], $0xffff;
	s13 =	sor.u32 $0x10, s12  }
0x136: {  	v6 =	vld.idx.msk [tilespmem:v2+s13+$0x0 ss:$0x1], $0xffff  }
0x137: {  	s14 =	sor.u32 $0x20, s12;
	v7 =	vld.idx.msk [tilespmem:v3+s13+$0x0 ss:$0x1], $0xffff  }
0x138: {  	v8 =	vld.idx.msk [tilespmem:v2+s14+$0x0 ss:$0x1], $0xffff  }
0x139: {  	s15 =	sor.u32 $0x30, s12;
	v9 =	vld.idx.msk [tilespmem:v3+s14+$0x0 ss:$0x1], $0xffff;
	v4 =	vsub.s32 v4, v0  }
0x13a: {  	v10 =	vld.idx.msk [tilespmem:v2+s15+$0x0 ss:$0x1], $0xffff;
	v5 =	vshll.u32 v5, $0x1;
	v4 =	vshll.u32 v4, $0x1  }
0x13b: {  	v11 =	vld.idx.msk [tilespmem:v3+s15+$0x0 ss:$0x1], $0xffff;
	v5 =	vor.u32 $0x1, v5;
	v6 =	vsub.s32 v6, v0  }
0x13c: {  	v7 =	vshll.u32 v7, $0x1;
	v6 =	vshll.u32 v6, $0x1  }
0x13d: {  	v8 =	vsub.s32 v8, v0;
	v7 =	vor.u32 $0x1, v7  }
0x13e: {  	v9 =	vshll.u32 v9, $0x1;
	v8 =	vshll.u32 v8, $0x1  }
0x13f: {  	v10 =	vsub.s32 v10, v0;
	v9 =	vor.u32 $0x1, v9;
	v4 =	vld.idx.msk [tilespmem:v4+s5+$0x0], $0xffff  }
0x140: {  	v11 =	vshll.u32 v11, $0x1;
	v10 =	vshll.u32 v10, $0x1;
	v5 =	vld.idx.msk [tilespmem:v5+s5+$0x0], $0xffff  }
0x141: {  	v11 =	vor.u32 $0x1, v11;
	v6 =	vld.idx.msk [tilespmem:v6+s5+$0x0], $0xffff  }
0x142: {  	v7 =	vld.idx.msk [tilespmem:v7+s5+$0x0], $0xffff  }
0x143: {  	v8 =	vld.idx.msk [tilespmem:v8+s5+$0x0], $0xffff  }
0x144: {  	v9 =	vld.idx.msk [tilespmem:v9+s5+$0x0], $0xffff  }
0x145: {  	v10 =	vld.idx.msk [tilespmem:v10+s5+$0x0], $0xffff  }
0x146: {  	v11 =	vld.idx.msk [tilespmem:v11+s5+$0x0], $0xffff;
	v4 =	vadd.f32 v5, v4  }
0x147: {  	v5 =	vadd.f32 v7, v6  }
0x148: {  	v58 =	vmul.f32 $2.000000030e-01, v4  }
0x149: {  	vm0 =	vgt.f32 v4, $0.0e+00;
	v60 =	vmul.f32 $2.000000030e-01, v5  }
0x14a: {  	v59 =	vadd.f32 v9, v8;
	vm13 =	vgt.f32 v5, $0.0e+00;
	v4 =	vsel vm0, v4, v58  }
0x14b: {  	v61 =	vadd.f32 v11, v10;
	v4 =	vmul.f32 $1.442695020e+00, v4;
	v5 =	vsel vm13, v5, v60  }
0x14c: {  	v9 =	vmul.f32 $2.000000030e-01, v59;
	v5 =	vmul.f32 $1.442695020e+00, v5  }
0x14d: {  	vm14 =	vgt.f32 v59, $0.0e+00;
	v62 =	vmul.f32 $2.000000030e-01, v61;
	(erf) = vpow2.f32 v4  }
0x14e: {  	vm15 =	vgt.f32 v61, $0.0e+00;
	v7 =	vsel vm14, v59, v9;
	(erf) = vpow2.f32 v5  }
0x14f: {  	v63 =	vmul.f32 $1.442695020e+00, v7;
	v4 =	vsel vm15, v61, v62  }
0x150: {  	v4 =	vmul.f32 $1.442695020e+00, v4  }
0x151: {  	(erf) = vpow2.f32 v63  }
0x152: {  	(erf) = vpow2.f32 v4;
	_ =	sdelay $0x3  }
0x153: {  	s16 =	sor.u32 s11, s12;
	s13 =	sor.u32 s11, s13;
	v4 =	vpop (erf)  }
0x154: {  	p2 =	slt.u32 s16, $0x4E200;
	p3 =	slt.u32 s13, $0x4E200;
	v5 =	vpop (erf)  }
0x155: {  	v4 =	vpsel !p2, $0x0, v4;
	p2 =	por p1, p1;
	v5 =	vpsel !p3, $0x0, v5  }
.Ltmp4:
0x156: {  	s16 =	sor.u32 s11, s14;
	(pc) =	sbr.rel @p2 .LBB2_11-.Ltmp4, $4  }
0x157: {  	s26 =	sor.u32 s11, s15;
	p5 =	slt.u32 s16, $0x4E200;
	v6 =	vpop (erf);
	[tilespmem:s12+$0xECA0] =	vst v4  }
0x158: {  	p6 =	slt.u32 s26, $0x4E200;
	[tilespmem:s12+$0xECB0] =	vst v5;
	v4 =	vpsel !p5, $0x0, v6;
	v5 =	vpop (erf)  }
0x159: {  	[tilespmem:s12+$0xECC0] =	vst v4;
	v4 =	vpsel !p6, $0x0, v5  }
0x15a: {  	p1 =	por $0x0, $0x0;
	[tilespmem:s12+$0xECD0] =	vst v4;
	s12 =	simm.s32 $0x40  }
0x15b: {  	s11 =	simm.s32 $0x0  }
0x15c: {  	s13 =	simm.s32 $0x1;
	v2 =	vmov s11  }
0x15d: {  	s12 =	simm.s32 $0x2;
	v3 =	vmov s13;
	v2 =	vand.u32 $0x7C, v2  }
0x15e: {  	v4 =	vmov s12;
	v3 =	vand.u32 $0x7D, v3;
	v2 =	vor.u32 $0x80, v2  }
0x15f: {  	s14 =	simm.s32 $0x3;
	v4 =	vand.u32 $0x7E, v4;
	v3 =	vor.u32 $0x80, v3;
	v2 =	vbroadcast v2, $0x0  }
0x160: {  	_ =	swait.ge [sflag:s28], $0x2000;
	v5 =	vmov s14;
	v4 =	vor.u32 $0x80, v4;
	v3 =	vbroadcast v3, $0x0  }
0x161: {  	[sflag:s28] =	ssyncset.done $0x0;
	v5 =	vand.u32 $0x7F, v5;
	v6 =	vbroadcast v4, $0x0  }
0x162: {  	s11 =	simm.s32 $0x10DA0;
	[sflag:s28] =	ssyncadd.s32 $0xFFFFE000;
	v4 =	vor.u32 $0x80, v5  }
0x163: {  	v7 =	vld [tilespmem:s11+$0xFFFFFF80];
	v5 =	vbroadcast v4, $0x0  }
0x164: {  	v8 =	vld [tilespmem:s11+$0xFFFFFF90]  }
0x165: {  	v10 =	vld.idx.msk [tilespmem:v2+s25+$0x0], $0xffff  }
0x166: {  	v4 =	vld.idx.msk [tilespmem:v3+s25+$0x0], $0xffff  }
0x167: {  	v2 =	vld.idx.msk [tilespmem:v6+s25+$0x0], $0xffff  }
0x168: {  	v6 =	vld [tilespmem:s11+$0x70]  }
0x169: {  	v3 =	vld.idx.msk [tilespmem:v5+s25+$0x0], $0xffff  }
0x16a: {  	v9 =	vld [tilespmem:s11+$0xFFFFFFA0]  }
0x16b: {  	s15 =	simm.s32 $0x4;
	v12 =	vld [tilespmem:s11+$0xFFFFFFB0]  }
0x16c: {  	s16 =	simm.s32 $0x5;
	v11 =	vmov s15;
	v5 =	vld [tilespmem:s11+$0xFFFFFFC0];
	v14 =	vmul.f32 v7, v10  }
0x16d: {  	s26 =	simm.s32 $0x6;
	v13 =	vmov s16;
	v11 =	vand.u32 $0x7C, v11;
	v7 =	vld [tilespmem:s11+$0xFFFFFFD0];
	v16 =	vmul.f32 v8, v10  }
0x16e: {  	v15 =	vor.u32 $0x80, v11;
	v11 =	vmov s26;
	v8 =	vld [tilespmem:s11+$0xFFFFFFE0];
	v6 =	vmul.f32 v6, v3;
	[tilespmem:s11+$0xFFFFFF80] =	vst v14  }
0x16f: {  	v17 =	vand.u32 $0x7D, v13;
	v13 =	vand.u32 $0x7E, v11;
	v11 =	vmul.f32 v9, v10;
	v9 =	vld [tilespmem:s11+$0xFFFFFFF0];
	[tilespmem:s11+$0xFFFFFF90] =	vst v16  }
0x170: {  	s14 =	simm.s32 $0x7;
	s13 =	simm.s32 $0x8;
	s12 =	simm.s32 $0x10DA0;
	v12 =	vmul.f32 v12, v10;
	v10 =	vld [tilespmem:s11+$0x0];
	v14 =	vor.u32 $0x80, v17;
	[tilespmem:s11+$0x70] =	vst v6;
	v6 =	vbroadcast v15, $0x0  }
.LBB2_13:
0x171: {  	p1 =	slt.u32 s13, $0x7C;
	v13 =	vor.u32 $0x80, v13;
	v15 =	vmov s14;
	[tilespmem:s11+$0xFFFFFFA0] =	vst v11;
	v5 =	vmul.f32 v5, v4;
	v11 =	vld [tilespmem:s11+$0x10]  }
0x172: {  	v14 =	vbroadcast v14, $0x0;
	v15 =	vand.u32 $0x7F, v15;
	[tilespmem:s11+$0xFFFFFFB0] =	vst v12;
	v7 =	vmul.f32 v7, v4;
	v12 =	vld [tilespmem:s11+$0x20]  }
0x173: {  	v13 =	vbroadcast v13, $0x0;
	v15 =	vor.u32 $0x80, v15;
	[tilespmem:s11+$0xFFFFFFC0] =	vst v5;
	v5 =	vmul.f32 v8, v4;
	v8 =	vld [tilespmem:s11+$0x30]  }
0x174: {  	v15 =	vbroadcast v15, $0x0;
	[tilespmem:s11+$0xFFFFFFD0] =	vst v7;
	v4 =	vmul.f32 v9, v4;
	v7 =	vld [tilespmem:s11+$0x40]  }
0x175: {  	[tilespmem:s11+$0xFFFFFFE0] =	vst v5;
	v5 =	vmul.f32 v10, v2;
	v9 =	vld [tilespmem:s11+$0x50]  }
0x176: {  	[tilespmem:s11+$0xFFFFFFF0] =	vst v4;
	v10 =	vmul.f32 v11, v2;
	v11 =	vld [tilespmem:s11+$0x60]  }
0x177: {  	v16 =	vld.idx.msk [tilespmem:v6+s25+$0x0], $0xffff;
	[tilespmem:s11+$0x0] =	vst v5;
	v5 =	vmul.f32 v12, v2  }
0x178: {  	v4 =	vld.idx.msk [tilespmem:v14+s25+$0x0], $0xffff;
	[tilespmem:s11+$0x10] =	vst v10;
	v6 =	vmul.f32 v8, v2  }
0x179: {  	v2 =	vld.idx.msk [tilespmem:v13+s25+$0x0], $0xffff;
	[tilespmem:s11+$0x20] =	vst v5;
	v5 =	vmul.f32 v7, v3  }
0x17a: {  	s11 =	sadd.s32 $0x100, s11;
	v7 =	vld.idx.msk [tilespmem:v15+s25+$0x0], $0xffff;
	[tilespmem:s12+$0x30] =	vst v6;
	v6 =	vmul.f32 v9, v3  }
0x17b: {  	v8 =	vld [tilespmem:s11+$0x70];
	[tilespmem:s12+$0x40] =	vst v5;
	v3 =	vmul.f32 v11, v3  }
0x17c: {  	v9 =	vld [tilespmem:s11+$0xFFFFFF80];
	[tilespmem:s12+$0x50] =	vst v6  }
0x17d: {  	v6 =	vld [tilespmem:s11+$0xFFFFFF90];
	[tilespmem:s12+$0x60] =	vst v3;
	s12 =	smov.u32 s11  }
0x17e: {  	v10 =	vld [tilespmem:s11+$0xFFFFFFA0]  }
0x17f: {  	v12 =	vld [tilespmem:s11+$0xFFFFFFB0]  }
.Ltmp5:
0x180: {  	s14 =	sadd.s32 $0x1, s13;
	v11 =	vmov s13;
	v3 =	vmov v7;
	v5 =	vld [tilespmem:s11+$0xFFFFFFC0];
	v13 =	vmul.f32 v8, v7;
	(pc) =	sbr.rel @p1 .LBB2_13-.Ltmp5, $4  }
0x181: {  	v8 =	vand.u32 $0x7C, v11;
	v11 =	vmov s14;
	s14 =	sadd.s32 $0x2, s13;
	v9 =	vmul.f32 v9, v16;
	v7 =	vld [tilespmem:s11+$0xFFFFFFD0]  }
0x182: {  	v14 =	vor.u32 $0x80, v8;
	v15 =	vmov s14;
	v17 =	vmul.f32 v6, v16;
	v8 =	vld [tilespmem:s11+$0xFFFFFFE0];
	[tilespmem:s11+$0x70] =	vst v13  }
0x183: {  	v18 =	vand.u32 $0x7D, v11;
	v13 =	vand.u32 $0x7E, v15;
	[tilespmem:s11+$0xFFFFFF80] =	vst v9;
	v11 =	vmul.f32 v10, v16;
	v9 =	vld [tilespmem:s11+$0xFFFFFFF0]  }
0x184: {  	s14 =	sadd.s32 $0x3, s13;
	s13 =	sadd.s32 $0x4, s13;
	v6 =	vbroadcast v14, $0x0;
	v14 =	vor.u32 $0x80, v18;
	[tilespmem:s11+$0xFFFFFF90] =	vst v17;
	v12 =	vmul.f32 v12, v16;
	v10 =	vld [tilespmem:s11+$0x0]  }
0x185: {  	v16 =	vld [tilespmem:s11+$0x10]  }
0x186: {  	v17 =	vld [tilespmem:s11+$0x20]  }
0x187: {  	v18 =	vld [tilespmem:s11+$0x30]  }
0x188: {  	v19 =	vld [tilespmem:s11+$0x40]  }
0x189: {  	[tilespmem:s11+$0xFFFFFFA0] =	vst v11;
	v5 =	vmul.f32 v5, v4;
	v37 =	vld [tilespmem:s11+$0x50]  }
0x18a: {  	v38 =	vld [tilespmem:s11+$0x60];
	[tilespmem:s11+$0xFFFFFFB0] =	vst v12;
	v7 =	vmul.f32 v7, v4  }
0x18b: {  	s13 =	sadd.s32 $0x100, s11;
	v6 =	vld.idx.msk [tilespmem:v6+s25+$0x0], $0xffff;
	[tilespmem:s11+$0xFFFFFFC0] =	vst v5;
	v39 =	vmul.f32 v8, v4  }
0x18c: {  	v47 =	vld [tilespmem:s13+$0x70];
	[tilespmem:s11+$0xFFFFFFD0] =	vst v7;
	v40 =	vmul.f32 v9, v4  }
0x18d: {  	v14 =	vbroadcast v14, $0x0;
	v48 =	vld [tilespmem:s13+$0xFFFFFF80];
	[tilespmem:s11+$0xFFFFFFE0] =	vst v39;
	v42 =	vmul.f32 v10, v2  }
0x18e: {  	v15 =	vmov s14;
	v50 =	vld [tilespmem:s13+$0xFFFFFF90];
	[tilespmem:s11+$0xFFFFFFF0] =	vst v40;
	v44 =	vmul.f32 v16, v2  }
0x18f: {  	v15 =	vand.u32 $0x7F, v15;
	v51 =	vld [tilespmem:s13+$0xFFFFFFA0];
	v46 =	vmul.f32 v17, v2;
	[tilespmem:s11+$0x0] =	vst v42  }
0x190: {  	v52 =	vld [tilespmem:s13+$0xFFFFFFB0];
	v15 =	vor.u32 $0x80, v15;
	v2 =	vmul.f32 v18, v2;
	[tilespmem:s11+$0x10] =	vst v44  }
0x191: {  	v13 =	vor.u32 $0x80, v13;
	v53 =	vld [tilespmem:s13+$0xFFFFFFD0];
	v15 =	vbroadcast v15, $0x0;
	v49 =	vmul.f32 v19, v3;
	[tilespmem:s11+$0x20] =	vst v46  }
0x192: {  	v13 =	vbroadcast v13, $0x0;
	v55 =	vld [tilespmem:s13+$0xFFFFFFE0];
	[tilespmem:s12+$0x30] =	vst v2;
	v2 =	vmul.f32 v37, v3  }
0x193: {  	v41 =	vld.idx.msk [tilespmem:v14+s25+$0x0], $0xffff;
	[tilespmem:s12+$0x40] =	vst v49;
	v3 =	vmul.f32 v38, v3  }
0x194: {  	v54 =	vmul.f32 v50, v6;
	[tilespmem:s12+$0x50] =	vst v2;
	v2 =	vld [tilespmem:s13+$0xFFFFFFC0]  }
0x195: {  	v56 =	vld [tilespmem:s13+$0xFFFFFFF0];
	[tilespmem:s12+$0x60] =	vst v3;
	v3 =	vmul.f32 v48, v6  }
0x196: {  	v57 =	vld [tilespmem:s13+$0x0];
	v5 =	vmul.f32 v52, v6;
	[tilespmem:s13+$0xFFFFFF90] =	vst v54  }
0x197: {  	v45 =	vld.idx.msk [tilespmem:v15+s25+$0x0], $0xffff;
	[tilespmem:s13+$0xFFFFFF80] =	vst v3;
	v3 =	vmul.f32 v51, v6  }
0x198: {  	v43 =	vld.idx.msk [tilespmem:v13+s25+$0x0], $0xffff;
	[tilespmem:s13+$0xFFFFFFB0] =	vst v5;
	v4 =	vmul.f32 v53, v41  }
0x199: {  	[tilespmem:s13+$0xFFFFFFA0] =	vst v3;
	v3 =	vld [tilespmem:s13+$0x10];
	v2 =	vmul.f32 v2, v41  }
0x19a: {  	v58 =	vld [tilespmem:s13+$0x20];
	v60 =	vmul.f32 v56, v41;
	[tilespmem:s13+$0xFFFFFFD0] =	vst v4  }
0x19b: {  	v59 =	vld [tilespmem:s13+$0x30];
	[tilespmem:s13+$0xFFFFFFC0] =	vst v2;
	v2 =	vmul.f32 v55, v41  }
0x19c: {  	v61 =	vld [tilespmem:s13+$0x40];
	[tilespmem:s13+$0xFFFFFFF0] =	vst v60;
	v10 =	vmul.f32 v47, v45  }
0x19d: {  	v62 =	vld [tilespmem:s13+$0x50];
	[tilespmem:s13+$0xFFFFFFE0] =	vst v2;
	v2 =	vmul.f32 v57, v43  }
0x19e: {  	v63 =	vld [tilespmem:s13+$0x60];
	[tilespmem:s13+$0x70] =	vst v10;
	v3 =	vmul.f32 v3, v43  }
0x19f: {  	[tilespmem:s13+$0x0] =	vst v2;
	v2 =	vmul.f32 v58, v43  }
0x1a0: {  	[tilespmem:s13+$0x10] =	vst v3;
	v3 =	vmul.f32 v59, v43  }
0x1a1: {  	[tilespmem:s13+$0x20] =	vst v2;
	v2 =	vmul.f32 v61, v45  }
0x1a2: {  	[tilespmem:s13+$0x30] =	vst v3;
	v3 =	vmul.f32 v62, v45  }
0x1a3: {  	[tilespmem:s13+$0x40] =	vst v2;
	v2 =	vmul.f32 v63, v45  }
0x1a4: {  	[tilespmem:s13+$0x50] =	vst v3  }
0x1a5: {  	s10 =	sadd.s32 $0x9D20, s10;
	[tilespmem:s13+$0x60] =	vst v2  }
0x1a6: {  	[spmem:s2] =	stream.indirect.scatter.add.f32 [tilespmem:s30], [sflag:$0x4], $0x40, s10, s29, $0xb8;
	[tilespmem:$0x1CFA0] =	vst v63  }
0x1a7: {  	s7 =	sadd.s32 $0x1, s7;
	_ =	swait.ge [sflag:s0], $0x2000  }
0x1a8: {  	p1 =	sne.s32 s7, $0x4F;
	[sflag:s0] =	ssyncset.done $0x0  }
0x1a9: {  	s11 =	simm.s32 @!p0 $0x80;
	s12 =	simm.s32 @!p0 $0xECA0;
	[sflag:s0] =	ssyncadd.s32 $0xFFFFE000  }
0x1aa: {  	[spmem:s3] =	stream.indirect.scatter.add.f32 @!p0 [tilespmem:s12], [sflag:$0x3], $0x1, s10, s11, $0xb8;
	[tilespmem:$0x1CFA0] =	vst v63  }
.Ltmp6:
0x1ab: {  	_ = 	snop;
	(pc) =	sbr.rel @p1 .LBB2_6-.Ltmp6, $4  }
0x1ac: {  	s10 =	simm.s32 @!p0 $0x3  }
0x1ad: {  	_ =	swait.ge @!p0 [sflag:s10], $0x80  }
0x1ae: {  	[sflag:s10] =	ssyncset.done @!p0 $0x0  }
0x1af: {  	[sflag:s10] =	ssyncadd.s32 @!p0 $0xFFFFFF80  }
0x1b0: {  	s7 =	stileid.u32  }
0x1b1: {  	s7 =	sshll.u32 s7, $0x6  }
0x1b2: {  	[bflag:$0x0] =	sbarrier.arrive $0xFFFF;
	s11 =	sshrl.u32 s8, $0x3;
	s7 =	sor.u32 $0x1C03, s7  }
0x1b3: {  	[hbm:s20], [sflag:s7] =	dma.local [spmem:s11], $0x1400  }
0x1b4: {  	s1 =	sadd.s32 $0x1, s1;
	_ =	swait.ge [sflag:s24], $0x1400  }
0x1b5: {  	p1 =	sne.s32 s1, s22;
	[sflag:s24] =	ssyncset.done $0x0  }
.Ltmp7:
0x1b6: {  	s11 =	sshrl.u32 @!p0 s9, $0x3;
	[sflag:s24] =	ssyncadd.s32 $0xFFFFEC00;
	(pc) =	sbr.rel @p1 .LBB2_1-.Ltmp7, $4  }
0x1b7: {  	[hbm:s21], [sflag:s7] =	dma.local @!p0 [spmem:s11], $0x50  }
0x1b8: {  	_ =	swait.ge @!p0 [sflag:s10], $0x50  }
0x1b9: {  	[sflag:s10] =	ssyncset.done @!p0 $0x0  }
0x1ba: {  	s12 =	simm.s32 $0x4E20;
	[sflag:s10] =	ssyncadd.s32 @!p0 $0xFFFFFFB0  }
0x1bb: {  	_ =	sfence.sel $0x180000  }
0x1bc: {  	[bflag:$0x0] =	sbarrier.arrive $0xFFFF  }
0x1bd: {  	_ =	strace $0x90000047  }
0x1be: {  	s0 =	stileid.u32;
	[bflag:$0x2] =	sbarrier.arrive $0xFFFF  }
0x1bf: {  	p0 =	sne.s32 s0, $0x0;
	s0 =	rddreg [dreg:$0x3]  }
0x1c0: {  	s0 =	sadd.s32 @!p0 $0x100000, s0  }
0x1c1: {  	[sflag:s0] =	ssyncadd.tile.s32 @!p0 $0x1;
	_ =	shalt  }
.Lfunc_end2:
_tile_overlayer_lowered:
.L_overlay_start_2:
0x1c2: {  	(tag) =	ssettag $0x2  }
0x1c3: {  	s0 =	rddreg [dreg:$0x0];
	s2 =	stileid.u32  }
0x1c4: {  	s1 =	rddreg [dreg:$0x1];
	p0 =	sne.s32 s2, $0x0  }
0x1c5: {  	s3 =	rddreg [dreg:$0x2];
	[bflag:$0x3] =	sbarrier.arrive $0xFFFF;
	s2 =	simm.s32 @!p0 $0x1C03  }
0x1c6: {  	[timem:s3], [sflag:s2] =	dma.local @!p0 [hbm:s0], s1  }
0x1c7: {  	s0 =	simm.s32 @!p0 $0x3  }
0x1c8: {  	_ =	swait.ge @!p0 [sflag:s0], s1  }
0x1c9: {  	s1 =	ssub.s32 @!p0 $0x0, s1;
	[sflag:s0] =	ssyncset.done @!p0 $0x0  }
0x1ca: {  	[sflag:s0] =	ssyncadd.s32 @!p0 s1  }
0x1cb: {  	[bflag:$0x3] =	sbarrier.arrive $0xFFFF  }
0x1cc: {  	_ =	shalt  }

</sc_bundles>
